<compile_context>
chip_gen: v7x
topology: tpu7x:2x2x1
jax: 0.10.2.dev20260603
libtpu: 0.0.44.dev20260713+nightly
codegen_flags: <defaults>
</compile_context>

<pallas_src>
import functools

import jax
import jax.numpy as jnp
from jax import lax
from jax.experimental import pallas as pl
from jax.experimental.pallas import tpu as pltpu
from jax.experimental.pallas import tpu_sc as plsc

N_NODES = 10000
N_EDGES = 320000
D = 128
N_GRAPHS = 256
DENSE = 256
NC = 2
NS = 16
NW = NC * NS
EPW = N_EDGES // NW
ECH = 128
NCHUNK = EPW // ECH
TAIL = EPW - NCHUNK * ECH
NBUF = 3
RCH = 80
NODE_CHUNKS = N_NODES // RCH

def _sc_agg_body(h_hbm, e2_hbm, et_hbm, zeros_hbm, agg_out, *scr):
    idx2 = scr[0:NBUF]
    rows = scr[NBUF:2 * NBUF]
    seml = scr[2 * NBUF:3 * NBUF]
    semg = scr[3 * NBUF:4 * NBUF]
    sems = scr[4 * NBUF:5 * NBUF]
    idx_t, acc = scr[5 * NBUF:]

    cid = lax.axis_index("c")
    sid = lax.axis_index("s")
    wid = sid * NC + cid

    base = wid * NCHUNK

    def start_l(c, b):
        pltpu.async_copy(e2_hbm.at[base + c], idx2[b], seml[b])

    def wait_l(b):
        pltpu.make_async_copy(e2_hbm.at[0], idx2[b], seml[b]).wait()

    def start_g(b):
        pltpu.async_copy(h_hbm.at[idx2[b].at[0]], rows[b], semg[b])

    def wait_g(b):
        pltpu.make_async_copy(h_hbm.at[idx2[b].at[0]], rows[b], semg[b]).wait()

    def start_s(b):
        pltpu.async_copy(rows[b], acc.at[idx2[b].at[1]], sems[b], add=True)

    def wait_s(b):
        pltpu.make_async_copy(rows[b], acc.at[idx2[b].at[1]], sems[b]).wait()

    start_l(0, 0)
    start_l(1, 1)

    rpt = 624
    pltpu.sync_copy(zeros_hbm.at[pl.ds(sid * rpt, rpt)],
                    acc.at[pl.ds(sid * rpt, rpt)])

    @pl.when(sid == 0)
    def _init_tail():
        pltpu.sync_copy(zeros_hbm.at[pl.ds(NS * rpt, N_NODES - NS * rpt)],
                        acc.at[pl.ds(NS * rpt, N_NODES - NS * rpt)])

    plsc.subcore_barrier()

    wait_l(0)
    start_g(0)

    def estep(i, carry):
        for b in range(NBUF):
            c = NBUF * i + b
            wait_l((b + 1) % NBUF)
            start_g((b + 1) % NBUF)
            wait_g(b)
            start_s(b)
            if b >= 1:
                wait_s((b + 2) % NBUF)
            else:
                @pl.when(i > 0)
                def _():
                    wait_s((b + 2) % NBUF)
            start_l(c + 2, (b + 2) % NBUF)
        return carry

    NMAIN = (NCHUNK - 2) // NBUF
    lax.fori_loop(0, NMAIN, estep, 0, unroll=False)

    for c in range(NMAIN * NBUF, NCHUNK):
        b = c % NBUF
        if c + 1 < NCHUNK:
            wait_l((b + 1) % NBUF)
            start_g((b + 1) % NBUF)
        wait_g(b)
        start_s(b)
        if c + 2 < NCHUNK:
            wait_s((b + 2) % NBUF)
            start_l(c + 2, (b + 2) % NBUF)

    for c in range(NCHUNK - NBUF, NCHUNK):
        wait_s(c % NBUF)

    pltpu.async_copy(et_hbm.at[wid], idx_t, seml[0])
    pltpu.make_async_copy(et_hbm.at[0], idx_t, seml[0]).wait()
    pltpu.async_copy(h_hbm.at[idx_t.at[0]], rows[0].at[pl.ds(0, TAIL)],
                     semg[0]).wait()
    pltpu.sync_copy(rows[0].at[pl.ds(0, TAIL)], acc.at[idx_t.at[1]], add=True)

    plsc.subcore_barrier()

    pltpu.sync_copy(acc.at[pl.ds(sid * rpt, rpt)],
                    agg_out.at[cid, pl.ds(sid * rpt, rpt)])

    @pl.when(sid == 0)
    def _write_tail():
        pltpu.sync_copy(acc.at[pl.ds(NS * rpt, N_NODES - NS * rpt)],
                        agg_out.at[cid, pl.ds(NS * rpt, N_NODES - NS * rpt)])


@functools.cache
def _sc_agg_kernel():
    mesh = plsc.VectorSubcoreMesh(core_axis_name="c", subcore_axis_name="s")
    scratch = (
        [pltpu.VMEM((2, ECH), jnp.int32)] * NBUF
        + [pltpu.VMEM((ECH, D), jnp.float32)] * NBUF
        + [pltpu.SemaphoreType.DMA] * (3 * NBUF)
        + [pltpu.VMEM((2, TAIL), jnp.int32)]
        + [pltpu.VMEM_SHARED((N_NODES, D), jnp.float32)]
    )
    return functools.partial(
        pl.kernel,
        out_type=jax.ShapeDtypeStruct((NC, N_NODES, D), jnp.float32),
        mesh=mesh,
        scratch_types=scratch,
    )(_sc_agg_body)


def _sc_agg(h, e2, et, zeros):
    return _sc_agg_kernel()(h, e2, et, zeros)


_ROWS_BLK = 1000
_GRID = N_NODES // _ROWS_BLK


def _proj_body(x_ref, w_ref, b_ref, o_ref):
    o_ref[...] = (
        jnp.dot(x_ref[...], w_ref[...], preferred_element_type=jnp.float32)
        + b_ref[...]
    )


def _proj(x, W, b):
    return pl.pallas_call(
        _proj_body,
        grid=(_GRID,),
        in_specs=[
            pl.BlockSpec((_ROWS_BLK, D), lambda i: (i, 0)),
            pl.BlockSpec((D, D), lambda i: (0, 0)),
            pl.BlockSpec((1, D), lambda i: (0, 0)),
        ],
        out_specs=pl.BlockSpec((_ROWS_BLK, D), lambda i: (i, 0)),
        out_shape=jax.ShapeDtypeStruct((N_NODES, D), jnp.float32),
    )(x, W, b)


def _gin_body(h_ref, a0_ref, a1_ref, w_ref, b_ref, s_ref, o_ref):
    t = s_ref[...] * h_ref[...] + a0_ref[...] + a1_ref[...]
    o_ref[...] = jnp.maximum(
        jnp.dot(t, w_ref[...], preferred_element_type=jnp.float32) + b_ref[...],
        0.0,
    )


def _gin_combine(h, a0, a1, W, b, scale):
    return pl.pallas_call(
        _gin_body,
        grid=(_GRID,),
        in_specs=[
            pl.BlockSpec((_ROWS_BLK, D), lambda i: (i, 0)),
            pl.BlockSpec((_ROWS_BLK, D), lambda i: (i, 0)),
            pl.BlockSpec((_ROWS_BLK, D), lambda i: (i, 0)),
            pl.BlockSpec((D, D), lambda i: (0, 0)),
            pl.BlockSpec((1, D), lambda i: (0, 0)),
            pl.BlockSpec((1, D), lambda i: (0, 0)),
        ],
        out_specs=pl.BlockSpec((_ROWS_BLK, D), lambda i: (i, 0)),
        out_shape=jax.ShapeDtypeStruct((N_NODES, D), jnp.float32),
    )(h, a0, a1, W, b, scale)


def _rhead_body(h0_ref, h1_ref, h2_ref, h3_ref, gid_ref, a_ref,
                w1g_ref, w1a_ref, b1_ref, w2_ref, b2_ref, wo_ref, bo_ref,
                o_ref, g0, g1, g2, g3):
    i = pl.program_id(0)
    gs = (g0, g1, g2, g3)

    @pl.when(i == 0)
    def _zero():
        for g in gs:
            g[...] = jnp.zeros((N_GRAPHS, D), jnp.float32)

    iota = jax.lax.broadcasted_iota(jnp.int32, (_ROWS_BLK, N_GRAPHS), 1)
    m = (gid_ref[...] == iota).astype(jnp.float32)
    cn = (((0,), (0,)), ((), ()))
    for g, h_ref in zip(gs, (h0_ref, h1_ref, h2_ref, h3_ref)):
        g[...] += jax.lax.dot_general(m, h_ref[...], cn,
                                      preferred_element_type=jnp.float32,
                                      precision=jax.lax.Precision.HIGHEST)

    @pl.when(i == _GRID - 1)
    def _head():
        acc = (
            jnp.dot(a_ref[...], w1a_ref[...], preferred_element_type=jnp.float32)
            + b1_ref[...]
        )
        for l, g in enumerate(gs):
            acc = acc + jnp.dot(
                g[...], w1g_ref[l * D:(l + 1) * D, :],
                preferred_element_type=jnp.float32,
            )
        z = jnp.maximum(acc, 0.0)
        z = jnp.maximum(
            jnp.dot(z, w2_ref[...], preferred_element_type=jnp.float32)
            + b2_ref[...],
            0.0,
        )
        o_ref[...] = (
            jnp.dot(z, wo_ref[...], preferred_element_type=jnp.float32)
            + bo_ref[...]
        )


def _readout_head(h0, h1, h2, h3, gid2, A, W1g, W1a, b1, W2, b2, Wo, bo):
    hspec = pl.BlockSpec((_ROWS_BLK, D), lambda i: (i, 0))
    full = lambda shape: pl.BlockSpec(shape, lambda i: (0,) * len(shape))
    return pl.pallas_call(
        _rhead_body,
        grid=(_GRID,),
        in_specs=[
            hspec, hspec, hspec, hspec,
            pl.BlockSpec((_ROWS_BLK, 1), lambda i: (i, 0)),
            full((N_GRAPHS, D)),
            full((4 * D, DENSE)),
            full((D, DENSE)),
            full((1, DENSE)),
            full((DENSE, DENSE)),
            full((1, DENSE)),
            full((DENSE, D)),
            full((1, D)),
        ],
        out_specs=full((N_GRAPHS, D)),
        out_shape=jax.ShapeDtypeStruct((N_GRAPHS, D), jnp.float32),
        scratch_shapes=[pltpu.VMEM((N_GRAPHS, D), jnp.float32)] * 4,
    )(h0, h1, h2, h3, gid2, A, W1g, W1a, b1, W2, b2, Wo, bo)


def kernel(x, edge_index, graph_ids, x_adduct, W_proj, b_proj, W_gin, b_gin,
           eps, W1, b1, W2, b2, Wo, bo):
    ei = edge_index.reshape(2, NW, EPW)
    e2 = ei[:, :, :NCHUNK * ECH].reshape(2, NW, NCHUNK, ECH)
    e2 = e2.transpose(1, 2, 0, 3).reshape(NW * NCHUNK, 2, ECH)
    et = ei[:, :, NCHUNK * ECH:].transpose(1, 0, 2)
    zeros = jnp.zeros((N_NODES, D), jnp.float32)

    hs = [_proj(x, W_proj, b_proj.reshape(1, D))]
    for i in range(3):
        agg_p = _sc_agg(hs[-1], e2, et, zeros)
        scale = jnp.full((1, D), 1.0 + eps[i], jnp.float32)
        hs.append(_gin_combine(hs[-1], agg_p[0], agg_p[1], W_gin[i],
                               b_gin[i].reshape(1, D), scale))

    gid2 = graph_ids.reshape(N_NODES, 1)
    A = jnp.pad(x_adduct, ((0, 0), (0, D - 8)))
    W1g = W1[: 4 * D]
    W1a = jnp.pad(W1[4 * D:], ((0, D - 8), (0, 0)))
    Wop = jnp.pad(Wo, ((0, 0), (0, D - 1)))
    bop = jnp.pad(bo, (0, D - 1)).reshape(1, D)

    out = _readout_head(hs[0], hs[1], hs[2], hs[3], gid2, A, W1g, W1a,
                        b1.reshape(1, -1), W2, b2.reshape(1, -1), Wop, bop)
    return out[:, :1]

# --- scband reference (transcript-rebuilt; emitter-appended) ---
"""Pipeline reference for scband-qsar-linear-33612414058932 (READ-ONLY COPY).

The authoritative reference and input builder live on the scoring server;
editing this copy changes nothing except your own understanding.
"""

import jax, jax.numpy as jnp
import numpy as np

N_NODES = 10000
N_EDGES = 320000
D_FEAT = 128
UNITS = 128
N_GIN = 3
N_GRAPHS = 256
D_ADDUCT = 8
DENSE_UNITS = 256
CONCAT_DIM = UNITS * (N_GIN + 1) + D_ADDUCT


def setup_inputs(seed: int = 0) -> dict:
    key = jax.random.key(seed)
    ks = jax.random.split(key, 12)
    x = jax.random.normal(ks[0], (N_NODES, D_FEAT), dtype=jnp.float32)
    edge_index = jax.random.randint(ks[1], (2, N_EDGES), 0, N_NODES, dtype=jnp.int32)
    graph_ids = jnp.sort(jax.random.randint(ks[2], (N_NODES,), 0, N_GRAPHS, dtype=jnp.int32))
    x_adduct = jax.random.uniform(ks[3], (N_GRAPHS, D_ADDUCT), dtype=jnp.float32)
    W_proj = jax.random.normal(ks[4], (D_FEAT, UNITS), dtype=jnp.float32) * (1.0 / np.sqrt(D_FEAT))
    b_proj = jnp.zeros((UNITS,), dtype=jnp.float32)
    W_gin = jax.random.normal(ks[5], (N_GIN, UNITS, UNITS), dtype=jnp.float32) * (1.0 / np.sqrt(UNITS))
    b_gin = jnp.zeros((N_GIN, UNITS), dtype=jnp.float32)
    eps = jnp.zeros((N_GIN,), dtype=jnp.float32)
    W1 = jax.random.normal(ks[6], (CONCAT_DIM, DENSE_UNITS), dtype=jnp.float32) * (1.0 / np.sqrt(CONCAT_DIM))
    b1 = jnp.zeros((DENSE_UNITS,), dtype=jnp.float32)
    W2 = jax.random.normal(ks[7], (DENSE_UNITS, DENSE_UNITS), dtype=jnp.float32) * (1.0 / np.sqrt(DENSE_UNITS))
    b2 = jnp.zeros((DENSE_UNITS,), dtype=jnp.float32)
    Wo = jax.random.normal(ks[8], (DENSE_UNITS, 1), dtype=jnp.float32) * (1.0 / np.sqrt(DENSE_UNITS))
    bo = jnp.zeros((1,), dtype=jnp.float32)
    return {
        'x': x, 'edge_index': edge_index, 'graph_ids': graph_ids, 'x_adduct': x_adduct,
        'W_proj': W_proj, 'b_proj': b_proj, 'W_gin': W_gin, 'b_gin': b_gin, 'eps': eps,
        'W1': W1, 'b1': b1, 'W2': W2, 'b2': b2, 'Wo': Wo, 'bo': bo,
    }


def reference(x, edge_index, graph_ids, x_adduct, W_proj, b_proj, W_gin, b_gin, eps, W1, b1, W2, b2, Wo, bo):
    # VarianceThreshold at inference = fixed keep-all feature mask (identity here)
    h = x
    # DoNothing layer: identity
    # GNN_old: FeatureProjection (dense) then num_GNN_layers GINConv, concat all layer outputs
    h = h @ W_proj + b_proj
    outputs = [h]
    src = edge_index[0]
    dst = edge_index[1]
    for i in range(N_GIN):
        # GIN message passing: gather src features, scatter-add to dst nodes
        msgs = jnp.take(h, src, axis=0)
        agg = jax.ops.segment_sum(msgs, dst, num_segments=N_NODES)
        h = jax.nn.relu(((1.0 + eps[i]) * h + agg) @ W_gin[i] + b_gin[i])
        outputs.append(h)
    node_feature = jnp.concatenate(outputs, axis=-1)
    # Readout('sum'): per-graph segment sum, then concat adduct features
    g = jax.ops.segment_sum(node_feature, graph_ids, num_segments=N_GRAPHS)
    z = jnp.concatenate([g, x_adduct.astype(jnp.float32)], axis=1)
    # dense stack
    z = jax.nn.relu(z @ W1 + b1)
    z = jax.nn.relu(z @ W2 + b2)
    out = z @ Wo + bo
    return out

if __name__ == "__main__":
    import jax
    _d = setup_inputs()
    print(jax.jit(kernel)(*tuple(_d.values())))

</pallas_src>

<mosaic_0001>
#map = affine_map<(d0, d1) -> (0, 0)>
#map1 = affine_map<(d0, d1) -> (0, 0, 0)>
module attributes {stable_mosaic.version = 14 : i64} {
  func.func @_sc_agg_body(%arg0: i32, %arg1: i32, %arg2: memref<10000x128xf32, #tpu.memory_space<hbm>>, %arg3: memref<2496x2x128xi32, #tpu.memory_space<hbm>>, %arg4: memref<32x2x16xi32, #tpu.memory_space<hbm>>, %arg5: memref<10000x128xf32, #tpu.memory_space<hbm>>, %arg6: memref<2x10000x128xf32, #tpu.memory_space<hbm>>, %arg7: memref<2x128xi32, #tpu.memory_space<vmem>>, %arg8: memref<2x128xi32, #tpu.memory_space<vmem>>, %arg9: memref<2x128xi32, #tpu.memory_space<vmem>>, %arg10: memref<128x128xf32, #tpu.memory_space<vmem>>, %arg11: memref<128x128xf32, #tpu.memory_space<vmem>>, %arg12: memref<128x128xf32, #tpu.memory_space<vmem>>, %arg13: memref<!tpu.dma_semaphore, #tpu.memory_space<semaphore_mem>>, %arg14: memref<!tpu.dma_semaphore, #tpu.memory_space<semaphore_mem>>, %arg15: memref<!tpu.dma_semaphore, #tpu.memory_space<semaphore_mem>>, %arg16: memref<!tpu.dma_semaphore, #tpu.memory_space<semaphore_mem>>, %arg17: memref<!tpu.dma_semaphore, #tpu.memory_space<semaphore_mem>>, %arg18: memref<!tpu.dma_semaphore, #tpu.memory_space<semaphore_mem>>, %arg19: memref<!tpu.dma_semaphore, #tpu.memory_space<semaphore_mem>>, %arg20: memref<!tpu.dma_semaphore, #tpu.memory_space<semaphore_mem>>, %arg21: memref<!tpu.dma_semaphore, #tpu.memory_space<semaphore_mem>>, %arg22: memref<2x16xi32, #tpu.memory_space<vmem>>, %arg23: memref<10000x128xf32, #tpu.memory_space<vmem_shared>>) attributes {dimension_semantics = [#tpu.dimension_semantics<core_parallel>, #tpu.dimension_semantics<subcore_parallel>], iteration_bounds = array<i64: 2, 16>, scalar_prefetch = 0 : i64, scratch_operands = 17 : i64, tpu.core_type = #tpu.core_type<sc_vector_subcore>, window_params = [{transform_indices = #map}, {transform_indices = #map1}, {transform_indices = #map1}, {transform_indices = #map}, {transform_indices = #map1}]} {
    %mul3A = arith.constant 2 : i32
    %mul3A_0 = arith.muli %arg1, %mul3A : i32
    %add3A = arith.addi %mul3A_0, %arg0 : i32
    %mul3A_1 = arith.constant 78 : i32
    %mul3A_2 = arith.muli %add3A, %mul3A_1 : i32
    %add3A_3 = arith.constant 0 : i32
    %add3A_4 = arith.addi %mul3A_2, %add3A_3 : i32
    %dma_start3A = arith.constant 0 : i32
    %dma_start3A_5 = arith.constant 0 : i32
    %dma_start3A_6 = tpu.memref_slice %arg3[%add3A_4, %dma_start3A, %dma_start3A_5] : memref<2496x2x128xi32, #tpu.memory_space<hbm>> -> memref<1x2x128xi32, #tpu.memory_space<hbm>>
    %dma_start3A_7 = tpu.memref_squeeze %dma_start3A_6 : memref<1x2x128xi32, #tpu.memory_space<hbm>> -> memref<2x128xi32, #tpu.memory_space<hbm>>
    %dma_start3A_8 = arith.constant 0 : i32
    %dma_start3A_9 = arith.constant 0 : i32
    %dma_start3A_10 = tpu.memref_slice %arg3[%add3A_4, %dma_start3A_8, %dma_start3A_9] : memref<2496x2x128xi32, #tpu.memory_space<hbm>> -> memref<1x2x128xi32, #tpu.memory_space<hbm>>
    %dma_start3A_11 = tpu.memref_squeeze %dma_start3A_10 : memref<1x2x128xi32, #tpu.memory_space<hbm>> -> memref<2x128xi32, #tpu.memory_space<hbm>>
    tpu.enqueue_dma source(%dma_start3A_11 : memref<2x128xi32, #tpu.memory_space<hbm>>) target(%arg7 : memref<2x128xi32, #tpu.memory_space<vmem>>) target_semaphore(%arg13 : memref<!tpu.dma_semaphore, #tpu.memory_space<semaphore_mem>>)
    %add3A_12 = arith.constant 1 : i32
    %add3A_13 = arith.addi %mul3A_2, %add3A_12 : i32
    %dma_start3A_14 = arith.constant 0 : i32
    %dma_start3A_15 = arith.constant 0 : i32
    %dma_start3A_16 = tpu.memref_slice %arg3[%add3A_13, %dma_start3A_14, %dma_start3A_15] : memref<2496x2x128xi32, #tpu.memory_space<hbm>> -> memref<1x2x128xi32, #tpu.memory_space<hbm>>
    %dma_start3A_17 = tpu.memref_squeeze %dma_start3A_16 : memref<1x2x128xi32, #tpu.memory_space<hbm>> -> memref<2x128xi32, #tpu.memory_space<hbm>>
    %dma_start3A_18 = arith.constant 0 : i32
    %dma_start3A_19 = arith.constant 0 : i32
    %dma_start3A_20 = tpu.memref_slice %arg3[%add3A_13, %dma_start3A_18, %dma_start3A_19] : memref<2496x2x128xi32, #tpu.memory_space<hbm>> -> memref<1x2x128xi32, #tpu.memory_space<hbm>>
    %dma_start3A_21 = tpu.memref_squeeze %dma_start3A_20 : memref<1x2x128xi32, #tpu.memory_space<hbm>> -> memref<2x128xi32, #tpu.memory_space<hbm>>
    tpu.enqueue_dma source(%dma_start3A_21 : memref<2x128xi32, #tpu.memory_space<hbm>>) target(%arg8 : memref<2x128xi32, #tpu.memory_space<vmem>>) target_semaphore(%arg14 : memref<!tpu.dma_semaphore, #tpu.memory_space<semaphore_mem>>)
    %mul3A_22 = arith.constant 624 : i32
    %mul3A_23 = arith.muli %arg1, %mul3A_22 : i32
    %mul3A_24 = arith.constant 624 : i32
    %mul3A_25 = arith.muli %arg1, %mul3A_24 : i32
    "tpu.region"() ({
      %run_scoped3A_207 = tpu.sem_alloc : memref<!tpu.dma_semaphore, #tpu.memory_space<semaphore_mem>>
      %dma_start3A_208 = arith.constant 0 : i32
      %dma_start3A_209 = tpu.memref_slice %arg23[%mul3A_25, %dma_start3A_208] : memref<10000x128xf32, #tpu.memory_space<vmem_shared>> -> memref<624x128xf32, #tpu.memory_space<vmem_shared>>
      %dma_start3A_210 = arith.constant 0 : i32
      %dma_start3A_211 = tpu.memref_slice %arg5[%mul3A_23, %dma_start3A_210] : memref<10000x128xf32, #tpu.memory_space<hbm>> -> memref<624x128xf32, #tpu.memory_space<hbm>>
      tpu.enqueue_dma source(%dma_start3A_211 : memref<624x128xf32, #tpu.memory_space<hbm>>) target(%dma_start3A_209 : memref<624x128xf32, #tpu.memory_space<vmem_shared>>) target_semaphore(%run_scoped3A_207 : memref<!tpu.dma_semaphore, #tpu.memory_space<semaphore_mem>>)
      %dma_wait3A_212 = arith.constant 0 : i32
      %dma_wait3A_213 = tpu.memref_slice %arg23[%mul3A_25, %dma_wait3A_212] : memref<10000x128xf32, #tpu.memory_space<vmem_shared>> -> memref<624x128xf32, #tpu.memory_space<vmem_shared>>
      %dma_wait3A_214 = arith.constant 0 : i32
      %dma_wait3A_215 = tpu.memref_slice %arg5[%mul3A_23, %dma_wait3A_214] : memref<10000x128xf32, #tpu.memory_space<hbm>> -> memref<624x128xf32, #tpu.memory_space<hbm>>
      tpu.wait_dma2 semaphore(%run_scoped3A_207 : memref<!tpu.dma_semaphore, #tpu.memory_space<semaphore_mem>>) src(%dma_wait3A_215 : memref<624x128xf32, #tpu.memory_space<hbm>>) dst(%dma_wait3A_213 : memref<624x128xf32, #tpu.memory_space<vmem_shared>>)
      tpu.yield
    }) : () -> ()
    %eq3A = arith.constant 0 : i32
    %eq3A_26 = arith.cmpi eq, %arg1, %eq3A : i32
    %convert_element_type3A = arith.extui %eq3A_26 : i1 to i32
    %cond3A = arith.constant 0 : i32
    %cond3A_27 = arith.cmpi ne, %convert_element_type3A, %cond3A : i32
    scf.if %cond3A_27 {
      "tpu.region"() ({
        %run_scoped3A_207 = tpu.sem_alloc : memref<!tpu.dma_semaphore, #tpu.memory_space<semaphore_mem>>
        %dma_start3A_208 = arith.constant 9984 : i32
        %dma_start3A_209 = arith.constant 0 : i32
        %dma_start3A_210 = tpu.memref_slice %arg23[%dma_start3A_208, %dma_start3A_209] : memref<10000x128xf32, #tpu.memory_space<vmem_shared>> -> memref<16x128xf32, #tpu.memory_space<vmem_shared>>
        %dma_start3A_211 = arith.constant 9984 : i32
        %dma_start3A_212 = arith.constant 0 : i32
        %dma_start3A_213 = tpu.memref_slice %arg5[%dma_start3A_211, %dma_start3A_212] : memref<10000x128xf32, #tpu.memory_space<hbm>> -> memref<16x128xf32, #tpu.memory_space<hbm>>
        tpu.enqueue_dma source(%dma_start3A_213 : memref<16x128xf32, #tpu.memory_space<hbm>>) target(%dma_start3A_210 : memref<16x128xf32, #tpu.memory_space<vmem_shared>>) target_semaphore(%run_scoped3A_207 : memref<!tpu.dma_semaphore, #tpu.memory_space<semaphore_mem>>)
        %dma_wait3A_214 = arith.constant 9984 : i32
        %dma_wait3A_215 = arith.constant 0 : i32
        %dma_wait3A_216 = tpu.memref_slice %arg23[%dma_wait3A_214, %dma_wait3A_215] : memref<10000x128xf32, #tpu.memory_space<vmem_shared>> -> memref<16x128xf32, #tpu.memory_space<vmem_shared>>
        %dma_wait3A_217 = arith.constant 9984 : i32
        %dma_wait3A_218 = arith.constant 0 : i32
        %dma_wait3A_219 = tpu.memref_slice %arg5[%dma_wait3A_217, %dma_wait3A_218] : memref<10000x128xf32, #tpu.memory_space<hbm>> -> memref<16x128xf32, #tpu.memory_space<hbm>>
        tpu.wait_dma2 semaphore(%run_scoped3A_207 : memref<!tpu.dma_semaphore, #tpu.memory_space<semaphore_mem>>) src(%dma_wait3A_219 : memref<16x128xf32, #tpu.memory_space<hbm>>) dst(%dma_wait3A_216 : memref<16x128xf32, #tpu.memory_space<vmem_shared>>)
        tpu.yield
      }) : () -> ()
    } else {
    }
    %barrier3A = arith.constant 0 : index
    tpu.barrier barrier_id(%barrier3A)
    %dma_wait3A = arith.constant 0 : i32
    %dma_wait3A_28 = arith.constant 0 : i32
    %dma_wait3A_29 = arith.constant 0 : i32
    %dma_wait3A_30 = tpu.memref_slice %arg3[%dma_wait3A, %dma_wait3A_28, %dma_wait3A_29] : memref<2496x2x128xi32, #tpu.memory_space<hbm>> -> memref<1x2x128xi32, #tpu.memory_space<hbm>>
    %dma_wait3A_31 = tpu.memref_squeeze %dma_wait3A_30 : memref<1x2x128xi32, #tpu.memory_space<hbm>> -> memref<2x128xi32, #tpu.memory_space<hbm>>
    %dma_wait3A_32 = arith.constant 0 : i32
    %dma_wait3A_33 = arith.constant 0 : i32
    %dma_wait3A_34 = tpu.memref_slice %arg3[%dma_wait3A, %dma_wait3A_32, %dma_wait3A_33] : memref<2496x2x128xi32, #tpu.memory_space<hbm>> -> memref<1x2x128xi32, #tpu.memory_space<hbm>>
    %dma_wait3A_35 = tpu.memref_squeeze %dma_wait3A_34 : memref<1x2x128xi32, #tpu.memory_space<hbm>> -> memref<2x128xi32, #tpu.memory_space<hbm>>
    tpu.wait_dma2 semaphore(%arg13 : memref<!tpu.dma_semaphore, #tpu.memory_space<semaphore_mem>>) src(%dma_wait3A_35 : memref<2x128xi32, #tpu.memory_space<hbm>>) dst(%arg7 : memref<2x128xi32, #tpu.memory_space<vmem>>)
    %dma_start3A_36 = arith.constant 0 : i32
    %dma_start3A_37 = arith.constant 0 : i32
    %dma_start3A_38 = tpu.memref_slice %arg7[%dma_start3A_36, %dma_start3A_37] : memref<2x128xi32, #tpu.memory_space<vmem>> -> memref<1x128xi32, #tpu.memory_space<vmem>>
    %dma_start3A_39 = tpu.memref_squeeze %dma_start3A_38 : memref<1x128xi32, #tpu.memory_space<vmem>> -> memref<128xi32, #tpu.memory_space<vmem>>
    %dma_start3A_40 = arith.constant 0 : i32
    %dma_start3A_41 = arith.constant 0 : i32
    %dma_start3A_42 = tpu.memref_slice %arg2[%dma_start3A_40, %dma_start3A_41] : memref<10000x128xf32, #tpu.memory_space<hbm>> -> memref<10000x128xf32, #tpu.memory_space<hbm>>
    tpu.enqueue_indirect_dma source(%dma_start3A_42 : memref<10000x128xf32, #tpu.memory_space<hbm>>) target(%arg10 : memref<128x128xf32, #tpu.memory_space<vmem>>) offsets(%dma_start3A_39 : memref<128xi32, #tpu.memory_space<vmem>>) semaphore(%arg16 : memref<!tpu.dma_semaphore, #tpu.memory_space<semaphore_mem>>)
    %scan3A = arith.constant 0 : i32
    %scan3A_43 = arith.constant 0 : i32
    %scan3A_44 = arith.constant 25 : i32
    %scan3A_45 = arith.addi %scan3A_43, %scan3A_44 : i32
    %scan3A_46 = arith.constant 1 : i32
    scf.for %scan3A_207 = %scan3A_43 to %scan3A_45 step %scan3A_46  : i32 {
      %mul3A_208 = arith.constant 3 : i32
      %mul3A_209 = arith.muli %mul3A_208, %scan3A_207 : i32
      %add3A_210 = arith.constant 0 : i32
      %add3A_211 = arith.addi %mul3A_209, %add3A_210 : i32
      %dma_wait3A_212 = arith.constant 0 : i32
      %dma_wait3A_213 = arith.constant 0 : i32
      %dma_wait3A_214 = arith.constant 0 : i32
      %dma_wait3A_215 = tpu.memref_slice %arg3[%dma_wait3A_212, %dma_wait3A_213, %dma_wait3A_214] : memref<2496x2x128xi32, #tpu.memory_space<hbm>> -> memref<1x2x128xi32, #tpu.memory_space<hbm>>
      %dma_wait3A_216 = tpu.memref_squeeze %dma_wait3A_215 : memref<1x2x128xi32, #tpu.memory_space<hbm>> -> memref<2x128xi32, #tpu.memory_space<hbm>>
      %dma_wait3A_217 = arith.constant 0 : i32
      %dma_wait3A_218 = arith.constant 0 : i32
      %dma_wait3A_219 = tpu.memref_slice %arg3[%dma_wait3A_212, %dma_wait3A_217, %dma_wait3A_218] : memref<2496x2x128xi32, #tpu.memory_space<hbm>> -> memref<1x2x128xi32, #tpu.memory_space<hbm>>
      %dma_wait3A_220 = tpu.memref_squeeze %dma_wait3A_219 : memref<1x2x128xi32, #tpu.memory_space<hbm>> -> memref<2x128xi32, #tpu.memory_space<hbm>>
      tpu.wait_dma2 semaphore(%arg14 : memref<!tpu.dma_semaphore, #tpu.memory_space<semaphore_mem>>) src(%dma_wait3A_220 : memref<2x128xi32, #tpu.memory_space<hbm>>) dst(%arg8 : memref<2x128xi32, #tpu.memory_space<vmem>>)
      %dma_start3A_221 = arith.constant 0 : i32
      %dma_start3A_222 = arith.constant 0 : i32
      %dma_start3A_223 = tpu.memref_slice %arg8[%dma_start3A_221, %dma_start3A_222] : memref<2x128xi32, #tpu.memory_space<vmem>> -> memref<1x128xi32, #tpu.memory_space<vmem>>
      %dma_start3A_224 = tpu.memref_squeeze %dma_start3A_223 : memref<1x128xi32, #tpu.memory_space<vmem>> -> memref<128xi32, #tpu.memory_space<vmem>>
      %dma_start3A_225 = arith.constant 0 : i32
      %dma_start3A_226 = arith.constant 0 : i32
      %dma_start3A_227 = tpu.memref_slice %arg2[%dma_start3A_225, %dma_start3A_226] : memref<10000x128xf32, #tpu.memory_space<hbm>> -> memref<10000x128xf32, #tpu.memory_space<hbm>>
      tpu.enqueue_indirect_dma source(%dma_start3A_227 : memref<10000x128xf32, #tpu.memory_space<hbm>>) target(%arg11 : memref<128x128xf32, #tpu.memory_space<vmem>>) offsets(%dma_start3A_224 : memref<128xi32, #tpu.memory_space<vmem>>) semaphore(%arg17 : memref<!tpu.dma_semaphore, #tpu.memory_space<semaphore_mem>>)
      %dma_wait3A_228 = arith.constant 0 : i32
      %dma_wait3A_229 = arith.constant 0 : i32
      %dma_wait3A_230 = tpu.memref_slice %arg7[%dma_wait3A_228, %dma_wait3A_229] : memref<2x128xi32, #tpu.memory_space<vmem>> -> memref<1x128xi32, #tpu.memory_space<vmem>>
      %dma_wait3A_231 = tpu.memref_squeeze %dma_wait3A_230 : memref<1x128xi32, #tpu.memory_space<vmem>> -> memref<128xi32, #tpu.memory_space<vmem>>
      %dma_wait3A_232 = arith.constant 0 : i32
      %dma_wait3A_233 = arith.constant 0 : i32
      %dma_wait3A_234 = tpu.memref_slice %arg2[%dma_wait3A_232, %dma_wait3A_233] : memref<10000x128xf32, #tpu.memory_space<hbm>> -> memref<10000x128xf32, #tpu.memory_space<hbm>>
      tpu.wait_indirect_dma semaphore(%arg16 : memref<!tpu.dma_semaphore, #tpu.memory_space<semaphore_mem>>) src(%dma_wait3A_234 : memref<10000x128xf32, #tpu.memory_space<hbm>>) dst(%arg10 : memref<128x128xf32, #tpu.memory_space<vmem>>)
      %dma_start3A_235 = arith.constant 1 : i32
      %dma_start3A_236 = arith.constant 0 : i32
      %dma_start3A_237 = tpu.memref_slice %arg7[%dma_start3A_235, %dma_start3A_236] : memref<2x128xi32, #tpu.memory_space<vmem>> -> memref<1x128xi32, #tpu.memory_space<vmem>>
      %dma_start3A_238 = tpu.memref_squeeze %dma_start3A_237 : memref<1x128xi32, #tpu.memory_space<vmem>> -> memref<128xi32, #tpu.memory_space<vmem>>
      %dma_start3A_239 = arith.constant 0 : i32
      %dma_start3A_240 = arith.constant 0 : i32
      %dma_start3A_241 = tpu.memref_slice %arg23[%dma_start3A_239, %dma_start3A_240] : memref<10000x128xf32, #tpu.memory_space<vmem_shared>> -> memref<10000x128xf32, #tpu.memory_space<vmem_shared>>
      tpu.enqueue_indirect_dma source(%arg10 : memref<128x128xf32, #tpu.memory_space<vmem>>) target(%dma_start3A_241 : memref<10000x128xf32, #tpu.memory_space<vmem_shared>>) offsets(%dma_start3A_238 : memref<128xi32, #tpu.memory_space<vmem>>) semaphore(%arg19 : memref<!tpu.dma_semaphore, #tpu.memory_space<semaphore_mem>>) {add = true}
      %gt3A = arith.constant 0 : i32
      %gt3A_242 = arith.cmpi sgt, %scan3A_207, %gt3A : i32
      %convert_element_type3A_243 = arith.extui %gt3A_242 : i1 to i32
      %cond3A_244 = arith.constant 0 : i32
      %cond3A_245 = arith.cmpi ne, %convert_element_type3A_243, %cond3A_244 : i32
      scf.if %cond3A_245 {
        %dma_wait3A_361 = arith.constant 1 : i32
        %dma_wait3A_362 = arith.constant 0 : i32
        %dma_wait3A_363 = tpu.memref_slice %arg9[%dma_wait3A_361, %dma_wait3A_362] : memref<2x128xi32, #tpu.memory_space<vmem>> -> memref<1x128xi32, #tpu.memory_space<vmem>>
        %dma_wait3A_364 = tpu.memref_squeeze %dma_wait3A_363 : memref<1x128xi32, #tpu.memory_space<vmem>> -> memref<128xi32, #tpu.memory_space<vmem>>
        %dma_wait3A_365 = arith.constant 0 : i32
        %dma_wait3A_366 = arith.constant 0 : i32
        %dma_wait3A_367 = tpu.memref_slice %arg23[%dma_wait3A_365, %dma_wait3A_366] : memref<10000x128xf32, #tpu.memory_space<vmem_shared>> -> memref<10000x128xf32, #tpu.memory_space<vmem_shared>>
        tpu.wait_indirect_dma semaphore(%arg21 : memref<!tpu.dma_semaphore, #tpu.memory_space<semaphore_mem>>) src(%arg12 : memref<128x128xf32, #tpu.memory_space<vmem>>) dst(%dma_wait3A_367 : memref<10000x128xf32, #tpu.memory_space<vmem_shared>>)
      } else {
      }
      %add3A_246 = arith.constant 2 : i32
      %add3A_247 = arith.addi %add3A_211, %add3A_246 : i32
      %add3A_248 = arith.addi %mul3A_2, %add3A_247 : i32
      %dma_start3A_249 = arith.constant 0 : i32
      %dma_start3A_250 = arith.constant 0 : i32
      %dma_start3A_251 = tpu.memref_slice %arg3[%add3A_248, %dma_start3A_249, %dma_start3A_250] : memref<2496x2x128xi32, #tpu.memory_space<hbm>> -> memref<1x2x128xi32, #tpu.memory_space<hbm>>
      %dma_start3A_252 = tpu.memref_squeeze %dma_start3A_251 : memref<1x2x128xi32, #tpu.memory_space<hbm>> -> memref<2x128xi32, #tpu.memory_space<hbm>>
      %dma_start3A_253 = arith.constant 0 : i32
      %dma_start3A_254 = arith.constant 0 : i32
      %dma_start3A_255 = tpu.memref_slice %arg3[%add3A_248, %dma_start3A_253, %dma_start3A_254] : memref<2496x2x128xi32, #tpu.memory_space<hbm>> -> memref<1x2x128xi32, #tpu.memory_space<hbm>>
      %dma_start3A_256 = tpu.memref_squeeze %dma_start3A_255 : memref<1x2x128xi32, #tpu.memory_space<hbm>> -> memref<2x128xi32, #tpu.memory_space<hbm>>
      tpu.enqueue_dma source(%dma_start3A_256 : memref<2x128xi32, #tpu.memory_space<hbm>>) target(%arg9 : memref<2x128xi32, #tpu.memory_space<vmem>>) target_semaphore(%arg15 : memref<!tpu.dma_semaphore, #tpu.memory_space<semaphore_mem>>)
      %mul3A_257 = arith.constant 3 : i32
      %mul3A_258 = arith.muli %mul3A_257, %scan3A_207 : i32
      %add3A_259 = arith.constant 1 : i32
      %add3A_260 = arith.addi %mul3A_258, %add3A_259 : i32
      %dma_wait3A_261 = arith.constant 0 : i32
      %dma_wait3A_262 = arith.constant 0 : i32
      %dma_wait3A_263 = arith.constant 0 : i32
      %dma_wait3A_264 = tpu.memref_slice %arg3[%dma_wait3A_261, %dma_wait3A_262, %dma_wait3A_263] : memref<2496x2x128xi32, #tpu.memory_space<hbm>> -> memref<1x2x128xi32, #tpu.memory_space<hbm>>
      %dma_wait3A_265 = tpu.memref_squeeze %dma_wait3A_264 : memref<1x2x128xi32, #tpu.memory_space<hbm>> -> memref<2x128xi32, #tpu.memory_space<hbm>>
      %dma_wait3A_266 = arith.constant 0 : i32
      %dma_wait3A_267 = arith.constant 0 : i32
      %dma_wait3A_268 = tpu.memref_slice %arg3[%dma_wait3A_261, %dma_wait3A_266, %dma_wait3A_267] : memref<2496x2x128xi32, #tpu.memory_space<hbm>> -> memref<1x2x128xi32, #tpu.memory_space<hbm>>
      %dma_wait3A_269 = tpu.memref_squeeze %dma_wait3A_268 : memref<1x2x128xi32, #tpu.memory_space<hbm>> -> memref<2x128xi32, #tpu.memory_space<hbm>>
      tpu.wait_dma2 semaphore(%arg15 : memref<!tpu.dma_semaphore, #tpu.memory_space<semaphore_mem>>) src(%dma_wait3A_269 : memref<2x128xi32, #tpu.memory_space<hbm>>) dst(%arg9 : memref<2x128xi32, #tpu.memory_space<vmem>>)
      %dma_start3A_270 = arith.constant 0 : i32
      %dma_start3A_271 = arith.constant 0 : i32
      %dma_start3A_272 = tpu.memref_slice %arg9[%dma_start3A_270, %dma_start3A_271] : memref<2x128xi32, #tpu.memory_space<vmem>> -> memref<1x128xi32, #tpu.memory_space<vmem>>
      %dma_start3A_273 = tpu.memref_squeeze %dma_start3A_272 : memref<1x128xi32, #tpu.memory_space<vmem>> -> memref<128xi32, #tpu.memory_space<vmem>>
      %dma_start3A_274 = arith.constant 0 : i32
      %dma_start3A_275 = arith.constant 0 : i32
      %dma_start3A_276 = tpu.memref_slice %arg2[%dma_start3A_274, %dma_start3A_275] : memref<10000x128xf32, #tpu.memory_space<hbm>> -> memref<10000x128xf32, #tpu.memory_space<hbm>>
      tpu.enqueue_indirect_dma source(%dma_start3A_276 : memref<10000x128xf32, #tpu.memory_space<hbm>>) target(%arg12 : memref<128x128xf32, #tpu.memory_space<vmem>>) offsets(%dma_start3A_273 : memref<128xi32, #tpu.memory_space<vmem>>) semaphore(%arg18 : memref<!tpu.dma_semaphore, #tpu.memory_space<semaphore_mem>>)
      %dma_wait3A_277 = arith.constant 0 : i32
      %dma_wait3A_278 = arith.constant 0 : i32
      %dma_wait3A_279 = tpu.memref_slice %arg8[%dma_wait3A_277, %dma_wait3A_278] : memref<2x128xi32, #tpu.memory_space<vmem>> -> memref<1x128xi32, #tpu.memory_space<vmem>>
      %dma_wait3A_280 = tpu.memref_squeeze %dma_wait3A_279 : memref<1x128xi32, #tpu.memory_space<vmem>> -> memref<128xi32, #tpu.memory_space<vmem>>
      %dma_wait3A_281 = arith.constant 0 : i32
      %dma_wait3A_282 = arith.constant 0 : i32
      %dma_wait3A_283 = tpu.memref_slice %arg2[%dma_wait3A_281, %dma_wait3A_282] : memref<10000x128xf32, #tpu.memory_space<hbm>> -> memref<10000x128xf32, #tpu.memory_space<hbm>>
      tpu.wait_indirect_dma semaphore(%arg17 : memref<!tpu.dma_semaphore, #tpu.memory_space<semaphore_mem>>) src(%dma_wait3A_283 : memref<10000x128xf32, #tpu.memory_space<hbm>>) dst(%arg11 : memref<128x128xf32, #tpu.memory_space<vmem>>)
      %dma_start3A_284 = arith.constant 1 : i32
      %dma_start3A_285 = arith.constant 0 : i32
      %dma_start3A_286 = tpu.memref_slice %arg8[%dma_start3A_284, %dma_start3A_285] : memref<2x128xi32, #tpu.memory_space<vmem>> -> memref<1x128xi32, #tpu.memory_space<vmem>>
      %dma_start3A_287 = tpu.memref_squeeze %dma_start3A_286 : memref<1x128xi32, #tpu.memory_space<vmem>> -> memref<128xi32, #tpu.memory_space<vmem>>
      %dma_start3A_288 = arith.constant 0 : i32
      %dma_start3A_289 = arith.constant 0 : i32
      %dma_start3A_290 = tpu.memref_slice %arg23[%dma_start3A_288, %dma_start3A_289] : memref<10000x128xf32, #tpu.memory_space<vmem_shared>> -> memref<10000x128xf32, #tpu.memory_space<vmem_shared>>
      tpu.enqueue_indirect_dma source(%arg11 : memref<128x128xf32, #tpu.memory_space<vmem>>) target(%dma_start3A_290 : memref<10000x128xf32, #tpu.memory_space<vmem_shared>>) offsets(%dma_start3A_287 : memref<128xi32, #tpu.memory_space<vmem>>) semaphore(%arg20 : memref<!tpu.dma_semaphore, #tpu.memory_space<semaphore_mem>>) {add = true}
      %dma_wait3A_291 = arith.constant 1 : i32
      %dma_wait3A_292 = arith.constant 0 : i32
      %dma_wait3A_293 = tpu.memref_slice %arg7[%dma_wait3A_291, %dma_wait3A_292] : memref<2x128xi32, #tpu.memory_space<vmem>> -> memref<1x128xi32, #tpu.memory_space<vmem>>
      %dma_wait3A_294 = tpu.memref_squeeze %dma_wait3A_293 : memref<1x128xi32, #tpu.memory_space<vmem>> -> memref<128xi32, #tpu.memory_space<vmem>>
      %dma_wait3A_295 = arith.constant 0 : i32
      %dma_wait3A_296 = arith.constant 0 : i32
      %dma_wait3A_297 = tpu.memref_slice %arg23[%dma_wait3A_295, %dma_wait3A_296] : memref<10000x128xf32, #tpu.memory_space<vmem_shared>> -> memref<10000x128xf32, #tpu.memory_space<vmem_shared>>
      tpu.wait_indirect_dma semaphore(%arg19 : memref<!tpu.dma_semaphore, #tpu.memory_space<semaphore_mem>>) src(%arg10 : memref<128x128xf32, #tpu.memory_space<vmem>>) dst(%dma_wait3A_297 : memref<10000x128xf32, #tpu.memory_space<vmem_shared>>)
      %add3A_298 = arith.constant 2 : i32
      %add3A_299 = arith.addi %add3A_260, %add3A_298 : i32
      %add3A_300 = arith.addi %mul3A_2, %add3A_299 : i32
      %dma_start3A_301 = arith.constant 0 : i32
      %dma_start3A_302 = arith.constant 0 : i32
      %dma_start3A_303 = tpu.memref_slice %arg3[%add3A_300, %dma_start3A_301, %dma_start3A_302] : memref<2496x2x128xi32, #tpu.memory_space<hbm>> -> memref<1x2x128xi32, #tpu.memory_space<hbm>>
      %dma_start3A_304 = tpu.memref_squeeze %dma_start3A_303 : memref<1x2x128xi32, #tpu.memory_space<hbm>> -> memref<2x128xi32, #tpu.memory_space<hbm>>
      %dma_start3A_305 = arith.constant 0 : i32
      %dma_start3A_306 = arith.constant 0 : i32
      %dma_start3A_307 = tpu.memref_slice %arg3[%add3A_300, %dma_start3A_305, %dma_start3A_306] : memref<2496x2x128xi32, #tpu.memory_space<hbm>> -> memref<1x2x128xi32, #tpu.memory_space<hbm>>
      %dma_start3A_308 = tpu.memref_squeeze %dma_start3A_307 : memref<1x2x128xi32, #tpu.memory_space<hbm>> -> memref<2x128xi32, #tpu.memory_space<hbm>>
      tpu.enqueue_dma source(%dma_start3A_308 : memref<2x128xi32, #tpu.memory_space<hbm>>) target(%arg7 : memref<2x128xi32, #tpu.memory_space<vmem>>) target_semaphore(%arg13 : memref<!tpu.dma_semaphore, #tpu.memory_space<semaphore_mem>>)
      %mul3A_309 = arith.constant 3 : i32
      %mul3A_310 = arith.muli %mul3A_309, %scan3A_207 : i32
      %add3A_311 = arith.constant 2 : i32
      %add3A_312 = arith.addi %mul3A_310, %add3A_311 : i32
      %dma_wait3A_313 = arith.constant 0 : i32
      %dma_wait3A_314 = arith.constant 0 : i32
      %dma_wait3A_315 = arith.constant 0 : i32
      %dma_wait3A_316 = tpu.memref_slice %arg3[%dma_wait3A_313, %dma_wait3A_314, %dma_wait3A_315] : memref<2496x2x128xi32, #tpu.memory_space<hbm>> -> memref<1x2x128xi32, #tpu.memory_space<hbm>>
      %dma_wait3A_317 = tpu.memref_squeeze %dma_wait3A_316 : memref<1x2x128xi32, #tpu.memory_space<hbm>> -> memref<2x128xi32, #tpu.memory_space<hbm>>
      %dma_wait3A_318 = arith.constant 0 : i32
      %dma_wait3A_319 = arith.constant 0 : i32
      %dma_wait3A_320 = tpu.memref_slice %arg3[%dma_wait3A_313, %dma_wait3A_318, %dma_wait3A_319] : memref<2496x2x128xi32, #tpu.memory_space<hbm>> -> memref<1x2x128xi32, #tpu.memory_space<hbm>>
      %dma_wait3A_321 = tpu.memref_squeeze %dma_wait3A_320 : memref<1x2x128xi32, #tpu.memory_space<hbm>> -> memref<2x128xi32, #tpu.memory_space<hbm>>
      tpu.wait_dma2 semaphore(%arg13 : memref<!tpu.dma_semaphore, #tpu.memory_space<semaphore_mem>>) src(%dma_wait3A_321 : memref<2x128xi32, #tpu.memory_space<hbm>>) dst(%arg7 : memref<2x128xi32, #tpu.memory_space<vmem>>)
      %dma_start3A_322 = arith.constant 0 : i32
      %dma_start3A_323 = arith.constant 0 : i32
      %dma_start3A_324 = tpu.memref_slice %arg7[%dma_start3A_322, %dma_start3A_323] : memref<2x128xi32, #tpu.memory_space<vmem>> -> memref<1x128xi32, #tpu.memory_space<vmem>>
      %dma_start3A_325 = tpu.memref_squeeze %dma_start3A_324 : memref<1x128xi32, #tpu.memory_space<vmem>> -> memref<128xi32, #tpu.memory_space<vmem>>
      %dma_start3A_326 = arith.constant 0 : i32
      %dma_start3A_327 = arith.constant 0 : i32
      %dma_start3A_328 = tpu.memref_slice %arg2[%dma_start3A_326, %dma_start3A_327] : memref<10000x128xf32, #tpu.memory_space<hbm>> -> memref<10000x128xf32, #tpu.memory_space<hbm>>
      tpu.enqueue_indirect_dma source(%dma_start3A_328 : memref<10000x128xf32, #tpu.memory_space<hbm>>) target(%arg10 : memref<128x128xf32, #tpu.memory_space<vmem>>) offsets(%dma_start3A_325 : memref<128xi32, #tpu.memory_space<vmem>>) semaphore(%arg16 : memref<!tpu.dma_semaphore, #tpu.memory_space<semaphore_mem>>)
      %dma_wait3A_329 = arith.constant 0 : i32
      %dma_wait3A_330 = arith.constant 0 : i32
      %dma_wait3A_331 = tpu.memref_slice %arg9[%dma_wait3A_329, %dma_wait3A_330] : memref<2x128xi32, #tpu.memory_space<vmem>> -> memref<1x128xi32, #tpu.memory_space<vmem>>
      %dma_wait3A_332 = tpu.memref_squeeze %dma_wait3A_331 : memref<1x128xi32, #tpu.memory_space<vmem>> -> memref<128xi32, #tpu.memory_space<vmem>>
      %dma_wait3A_333 = arith.constant 0 : i32
      %dma_wait3A_334 = arith.constant 0 : i32
      %dma_wait3A_335 = tpu.memref_slice %arg2[%dma_wait3A_333, %dma_wait3A_334] : memref<10000x128xf32, #tpu.memory_space<hbm>> -> memref<10000x128xf32, #tpu.memory_space<hbm>>
      tpu.wait_indirect_dma semaphore(%arg18 : memref<!tpu.dma_semaphore, #tpu.memory_space<semaphore_mem>>) src(%dma_wait3A_335 : memref<10000x128xf32, #tpu.memory_space<hbm>>) dst(%arg12 : memref<128x128xf32, #tpu.memory_space<vmem>>)
      %dma_start3A_336 = arith.constant 1 : i32
      %dma_start3A_337 = arith.constant 0 : i32
      %dma_start3A_338 = tpu.memref_slice %arg9[%dma_start3A_336, %dma_start3A_337] : memref<2x128xi32, #tpu.memory_space<vmem>> -> memref<1x128xi32, #tpu.memory_space<vmem>>
      %dma_start3A_339 = tpu.memref_squeeze %dma_start3A_338 : memref<1x128xi32, #tpu.memory_space<vmem>> -> memref<128xi32, #tpu.memory_space<vmem>>
      %dma_start3A_340 = arith.constant 0 : i32
      %dma_start3A_341 = arith.constant 0 : i32
      %dma_start3A_342 = tpu.memref_slice %arg23[%dma_start3A_340, %dma_start3A_341] : memref<10000x128xf32, #tpu.memory_space<vmem_shared>> -> memref<10000x128xf32, #tpu.memory_space<vmem_shared>>
      tpu.enqueue_indirect_dma source(%arg12 : memref<128x128xf32, #tpu.memory_space<vmem>>) target(%dma_start3A_342 : memref<10000x128xf32, #tpu.memory_space<vmem_shared>>) offsets(%dma_start3A_339 : memref<128xi32, #tpu.memory_space<vmem>>) semaphore(%arg21 : memref<!tpu.dma_semaphore, #tpu.memory_space<semaphore_mem>>) {add = true}
      %dma_wait3A_343 = arith.constant 1 : i32
      %dma_wait3A_344 = arith.constant 0 : i32
      %dma_wait3A_345 = tpu.memref_slice %arg8[%dma_wait3A_343, %dma_wait3A_344] : memref<2x128xi32, #tpu.memory_space<vmem>> -> memref<1x128xi32, #tpu.memory_space<vmem>>
      %dma_wait3A_346 = tpu.memref_squeeze %dma_wait3A_345 : memref<1x128xi32, #tpu.memory_space<vmem>> -> memref<128xi32, #tpu.memory_space<vmem>>
      %dma_wait3A_347 = arith.constant 0 : i32
      %dma_wait3A_348 = arith.constant 0 : i32
      %dma_wait3A_349 = tpu.memref_slice %arg23[%dma_wait3A_347, %dma_wait3A_348] : memref<10000x128xf32, #tpu.memory_space<vmem_shared>> -> memref<10000x128xf32, #tpu.memory_space<vmem_shared>>
      tpu.wait_indirect_dma semaphore(%arg20 : memref<!tpu.dma_semaphore, #tpu.memory_space<semaphore_mem>>) src(%arg11 : memref<128x128xf32, #tpu.memory_space<vmem>>) dst(%dma_wait3A_349 : memref<10000x128xf32, #tpu.memory_space<vmem_shared>>)
      %add3A_350 = arith.constant 2 : i32
      %add3A_351 = arith.addi %add3A_312, %add3A_350 : i32
      %add3A_352 = arith.addi %mul3A_2, %add3A_351 : i32
      %dma_start3A_353 = arith.constant 0 : i32
      %dma_start3A_354 = arith.constant 0 : i32
      %dma_start3A_355 = tpu.memref_slice %arg3[%add3A_352, %dma_start3A_353, %dma_start3A_354] : memref<2496x2x128xi32, #tpu.memory_space<hbm>> -> memref<1x2x128xi32, #tpu.memory_space<hbm>>
      %dma_start3A_356 = tpu.memref_squeeze %dma_start3A_355 : memref<1x2x128xi32, #tpu.memory_space<hbm>> -> memref<2x128xi32, #tpu.memory_space<hbm>>
      %dma_start3A_357 = arith.constant 0 : i32
      %dma_start3A_358 = arith.constant 0 : i32
      %dma_start3A_359 = tpu.memref_slice %arg3[%add3A_352, %dma_start3A_357, %dma_start3A_358] : memref<2496x2x128xi32, #tpu.memory_space<hbm>> -> memref<1x2x128xi32, #tpu.memory_space<hbm>>
      %dma_start3A_360 = tpu.memref_squeeze %dma_start3A_359 : memref<1x2x128xi32, #tpu.memory_space<hbm>> -> memref<2x128xi32, #tpu.memory_space<hbm>>
      tpu.enqueue_dma source(%dma_start3A_360 : memref<2x128xi32, #tpu.memory_space<hbm>>) target(%arg8 : memref<2x128xi32, #tpu.memory_space<vmem>>) target_semaphore(%arg14 : memref<!tpu.dma_semaphore, #tpu.memory_space<semaphore_mem>>)
    }
    %scan3A_47 = arith.constant 25 : i32
    %dma_wait3A_48 = arith.constant 0 : i32
    %dma_wait3A_49 = arith.constant 0 : i32
    %dma_wait3A_50 = arith.constant 0 : i32
    %dma_wait3A_51 = tpu.memref_slice %arg3[%dma_wait3A_48, %dma_wait3A_49, %dma_wait3A_50] : memref<2496x2x128xi32, #tpu.memory_space<hbm>> -> memref<1x2x128xi32, #tpu.memory_space<hbm>>
    %dma_wait3A_52 = tpu.memref_squeeze %dma_wait3A_51 : memref<1x2x128xi32, #tpu.memory_space<hbm>> -> memref<2x128xi32, #tpu.memory_space<hbm>>
    %dma_wait3A_53 = arith.constant 0 : i32
    %dma_wait3A_54 = arith.constant 0 : i32
    %dma_wait3A_55 = tpu.memref_slice %arg3[%dma_wait3A_48, %dma_wait3A_53, %dma_wait3A_54] : memref<2496x2x128xi32, #tpu.memory_space<hbm>> -> memref<1x2x128xi32, #tpu.memory_space<hbm>>
    %dma_wait3A_56 = tpu.memref_squeeze %dma_wait3A_55 : memref<1x2x128xi32, #tpu.memory_space<hbm>> -> memref<2x128xi32, #tpu.memory_space<hbm>>
    tpu.wait_dma2 semaphore(%arg14 : memref<!tpu.dma_semaphore, #tpu.memory_space<semaphore_mem>>) src(%dma_wait3A_56 : memref<2x128xi32, #tpu.memory_space<hbm>>) dst(%arg8 : memref<2x128xi32, #tpu.memory_space<vmem>>)
    %dma_start3A_57 = arith.constant 0 : i32
    %dma_start3A_58 = arith.constant 0 : i32
    %dma_start3A_59 = tpu.memref_slice %arg8[%dma_start3A_57, %dma_start3A_58] : memref<2x128xi32, #tpu.memory_space<vmem>> -> memref<1x128xi32, #tpu.memory_space<vmem>>
    %dma_start3A_60 = tpu.memref_squeeze %dma_start3A_59 : memref<1x128xi32, #tpu.memory_space<vmem>> -> memref<128xi32, #tpu.memory_space<vmem>>
    %dma_start3A_61 = arith.constant 0 : i32
    %dma_start3A_62 = arith.constant 0 : i32
    %dma_start3A_63 = tpu.memref_slice %arg2[%dma_start3A_61, %dma_start3A_62] : memref<10000x128xf32, #tpu.memory_space<hbm>> -> memref<10000x128xf32, #tpu.memory_space<hbm>>
    tpu.enqueue_indirect_dma source(%dma_start3A_63 : memref<10000x128xf32, #tpu.memory_space<hbm>>) target(%arg11 : memref<128x128xf32, #tpu.memory_space<vmem>>) offsets(%dma_start3A_60 : memref<128xi32, #tpu.memory_space<vmem>>) semaphore(%arg17 : memref<!tpu.dma_semaphore, #tpu.memory_space<semaphore_mem>>)
    %dma_wait3A_64 = arith.constant 0 : i32
    %dma_wait3A_65 = arith.constant 0 : i32
    %dma_wait3A_66 = tpu.memref_slice %arg7[%dma_wait3A_64, %dma_wait3A_65] : memref<2x128xi32, #tpu.memory_space<vmem>> -> memref<1x128xi32, #tpu.memory_space<vmem>>
    %dma_wait3A_67 = tpu.memref_squeeze %dma_wait3A_66 : memref<1x128xi32, #tpu.memory_space<vmem>> -> memref<128xi32, #tpu.memory_space<vmem>>
    %dma_wait3A_68 = arith.constant 0 : i32
    %dma_wait3A_69 = arith.constant 0 : i32
    %dma_wait3A_70 = tpu.memref_slice %arg2[%dma_wait3A_68, %dma_wait3A_69] : memref<10000x128xf32, #tpu.memory_space<hbm>> -> memref<10000x128xf32, #tpu.memory_space<hbm>>
    tpu.wait_indirect_dma semaphore(%arg16 : memref<!tpu.dma_semaphore, #tpu.memory_space<semaphore_mem>>) src(%dma_wait3A_70 : memref<10000x128xf32, #tpu.memory_space<hbm>>) dst(%arg10 : memref<128x128xf32, #tpu.memory_space<vmem>>)
    %dma_start3A_71 = arith.constant 1 : i32
    %dma_start3A_72 = arith.constant 0 : i32
    %dma_start3A_73 = tpu.memref_slice %arg7[%dma_start3A_71, %dma_start3A_72] : memref<2x128xi32, #tpu.memory_space<vmem>> -> memref<1x128xi32, #tpu.memory_space<vmem>>
    %dma_start3A_74 = tpu.memref_squeeze %dma_start3A_73 : memref<1x128xi32, #tpu.memory_space<vmem>> -> memref<128xi32, #tpu.memory_space<vmem>>
    %dma_start3A_75 = arith.constant 0 : i32
    %dma_start3A_76 = arith.constant 0 : i32
    %dma_start3A_77 = tpu.memref_slice %arg23[%dma_start3A_75, %dma_start3A_76] : memref<10000x128xf32, #tpu.memory_space<vmem_shared>> -> memref<10000x128xf32, #tpu.memory_space<vmem_shared>>
    tpu.enqueue_indirect_dma source(%arg10 : memref<128x128xf32, #tpu.memory_space<vmem>>) target(%dma_start3A_77 : memref<10000x128xf32, #tpu.memory_space<vmem_shared>>) offsets(%dma_start3A_74 : memref<128xi32, #tpu.memory_space<vmem>>) semaphore(%arg19 : memref<!tpu.dma_semaphore, #tpu.memory_space<semaphore_mem>>) {add = true}
    %dma_wait3A_78 = arith.constant 1 : i32
    %dma_wait3A_79 = arith.constant 0 : i32
    %dma_wait3A_80 = tpu.memref_slice %arg9[%dma_wait3A_78, %dma_wait3A_79] : memref<2x128xi32, #tpu.memory_space<vmem>> -> memref<1x128xi32, #tpu.memory_space<vmem>>
    %dma_wait3A_81 = tpu.memref_squeeze %dma_wait3A_80 : memref<1x128xi32, #tpu.memory_space<vmem>> -> memref<128xi32, #tpu.memory_space<vmem>>
    %dma_wait3A_82 = arith.constant 0 : i32
    %dma_wait3A_83 = arith.constant 0 : i32
    %dma_wait3A_84 = tpu.memref_slice %arg23[%dma_wait3A_82, %dma_wait3A_83] : memref<10000x128xf32, #tpu.memory_space<vmem_shared>> -> memref<10000x128xf32, #tpu.memory_space<vmem_shared>>
    tpu.wait_indirect_dma semaphore(%arg21 : memref<!tpu.dma_semaphore, #tpu.memory_space<semaphore_mem>>) src(%arg12 : memref<128x128xf32, #tpu.memory_space<vmem>>) dst(%dma_wait3A_84 : memref<10000x128xf32, #tpu.memory_space<vmem_shared>>)
    %add3A_85 = arith.constant 77 : i32
    %add3A_86 = arith.addi %mul3A_2, %add3A_85 : i32
    %dma_start3A_87 = arith.constant 0 : i32
    %dma_start3A_88 = arith.constant 0 : i32
    %dma_start3A_89 = tpu.memref_slice %arg3[%add3A_86, %dma_start3A_87, %dma_start3A_88] : memref<2496x2x128xi32, #tpu.memory_space<hbm>> -> memref<1x2x128xi32, #tpu.memory_space<hbm>>
    %dma_start3A_90 = tpu.memref_squeeze %dma_start3A_89 : memref<1x2x128xi32, #tpu.memory_space<hbm>> -> memref<2x128xi32, #tpu.memory_space<hbm>>
    %dma_start3A_91 = arith.constant 0 : i32
    %dma_start3A_92 = arith.constant 0 : i32
    %dma_start3A_93 = tpu.memref_slice %arg3[%add3A_86, %dma_start3A_91, %dma_start3A_92] : memref<2496x2x128xi32, #tpu.memory_space<hbm>> -> memref<1x2x128xi32, #tpu.memory_space<hbm>>
    %dma_start3A_94 = tpu.memref_squeeze %dma_start3A_93 : memref<1x2x128xi32, #tpu.memory_space<hbm>> -> memref<2x128xi32, #tpu.memory_space<hbm>>
    tpu.enqueue_dma source(%dma_start3A_94 : memref<2x128xi32, #tpu.memory_space<hbm>>) target(%arg9 : memref<2x128xi32, #tpu.memory_space<vmem>>) target_semaphore(%arg15 : memref<!tpu.dma_semaphore, #tpu.memory_space<semaphore_mem>>)
    %dma_wait3A_95 = arith.constant 0 : i32
    %dma_wait3A_96 = arith.constant 0 : i32
    %dma_wait3A_97 = arith.constant 0 : i32
    %dma_wait3A_98 = tpu.memref_slice %arg3[%dma_wait3A_95, %dma_wait3A_96, %dma_wait3A_97] : memref<2496x2x128xi32, #tpu.memory_space<hbm>> -> memref<1x2x128xi32, #tpu.memory_space<hbm>>
    %dma_wait3A_99 = tpu.memref_squeeze %dma_wait3A_98 : memref<1x2x128xi32, #tpu.memory_space<hbm>> -> memref<2x128xi32, #tpu.memory_space<hbm>>
    %dma_wait3A_100 = arith.constant 0 : i32
    %dma_wait3A_101 = arith.constant 0 : i32
    %dma_wait3A_102 = tpu.memref_slice %arg3[%dma_wait3A_95, %dma_wait3A_100, %dma_wait3A_101] : memref<2496x2x128xi32, #tpu.memory_space<hbm>> -> memref<1x2x128xi32, #tpu.memory_space<hbm>>
    %dma_wait3A_103 = tpu.memref_squeeze %dma_wait3A_102 : memref<1x2x128xi32, #tpu.memory_space<hbm>> -> memref<2x128xi32, #tpu.memory_space<hbm>>
    tpu.wait_dma2 semaphore(%arg15 : memref<!tpu.dma_semaphore, #tpu.memory_space<semaphore_mem>>) src(%dma_wait3A_103 : memref<2x128xi32, #tpu.memory_space<hbm>>) dst(%arg9 : memref<2x128xi32, #tpu.memory_space<vmem>>)
    %dma_start3A_104 = arith.constant 0 : i32
    %dma_start3A_105 = arith.constant 0 : i32
    %dma_start3A_106 = tpu.memref_slice %arg9[%dma_start3A_104, %dma_start3A_105] : memref<2x128xi32, #tpu.memory_space<vmem>> -> memref<1x128xi32, #tpu.memory_space<vmem>>
    %dma_start3A_107 = tpu.memref_squeeze %dma_start3A_106 : memref<1x128xi32, #tpu.memory_space<vmem>> -> memref<128xi32, #tpu.memory_space<vmem>>
    %dma_start3A_108 = arith.constant 0 : i32
    %dma_start3A_109 = arith.constant 0 : i32
    %dma_start3A_110 = tpu.memref_slice %arg2[%dma_start3A_108, %dma_start3A_109] : memref<10000x128xf32, #tpu.memory_space<hbm>> -> memref<10000x128xf32, #tpu.memory_space<hbm>>
    tpu.enqueue_indirect_dma source(%dma_start3A_110 : memref<10000x128xf32, #tpu.memory_space<hbm>>) target(%arg12 : memref<128x128xf32, #tpu.memory_space<vmem>>) offsets(%dma_start3A_107 : memref<128xi32, #tpu.memory_space<vmem>>) semaphore(%arg18 : memref<!tpu.dma_semaphore, #tpu.memory_space<semaphore_mem>>)
    %dma_wait3A_111 = arith.constant 0 : i32
    %dma_wait3A_112 = arith.constant 0 : i32
    %dma_wait3A_113 = tpu.memref_slice %arg8[%dma_wait3A_111, %dma_wait3A_112] : memref<2x128xi32, #tpu.memory_space<vmem>> -> memref<1x128xi32, #tpu.memory_space<vmem>>
    %dma_wait3A_114 = tpu.memref_squeeze %dma_wait3A_113 : memref<1x128xi32, #tpu.memory_space<vmem>> -> memref<128xi32, #tpu.memory_space<vmem>>
    %dma_wait3A_115 = arith.constant 0 : i32
    %dma_wait3A_116 = arith.constant 0 : i32
    %dma_wait3A_117 = tpu.memref_slice %arg2[%dma_wait3A_115, %dma_wait3A_116] : memref<10000x128xf32, #tpu.memory_space<hbm>> -> memref<10000x128xf32, #tpu.memory_space<hbm>>
    tpu.wait_indirect_dma semaphore(%arg17 : memref<!tpu.dma_semaphore, #tpu.memory_space<semaphore_mem>>) src(%dma_wait3A_117 : memref<10000x128xf32, #tpu.memory_space<hbm>>) dst(%arg11 : memref<128x128xf32, #tpu.memory_space<vmem>>)
    %dma_start3A_118 = arith.constant 1 : i32
    %dma_start3A_119 = arith.constant 0 : i32
    %dma_start3A_120 = tpu.memref_slice %arg8[%dma_start3A_118, %dma_start3A_119] : memref<2x128xi32, #tpu.memory_space<vmem>> -> memref<1x128xi32, #tpu.memory_space<vmem>>
    %dma_start3A_121 = tpu.memref_squeeze %dma_start3A_120 : memref<1x128xi32, #tpu.memory_space<vmem>> -> memref<128xi32, #tpu.memory_space<vmem>>
    %dma_start3A_122 = arith.constant 0 : i32
    %dma_start3A_123 = arith.constant 0 : i32
    %dma_start3A_124 = tpu.memref_slice %arg23[%dma_start3A_122, %dma_start3A_123] : memref<10000x128xf32, #tpu.memory_space<vmem_shared>> -> memref<10000x128xf32, #tpu.memory_space<vmem_shared>>
    tpu.enqueue_indirect_dma source(%arg11 : memref<128x128xf32, #tpu.memory_space<vmem>>) target(%dma_start3A_124 : memref<10000x128xf32, #tpu.memory_space<vmem_shared>>) offsets(%dma_start3A_121 : memref<128xi32, #tpu.memory_space<vmem>>) semaphore(%arg20 : memref<!tpu.dma_semaphore, #tpu.memory_space<semaphore_mem>>) {add = true}
    %dma_wait3A_125 = arith.constant 0 : i32
    %dma_wait3A_126 = arith.constant 0 : i32
    %dma_wait3A_127 = tpu.memref_slice %arg9[%dma_wait3A_125, %dma_wait3A_126] : memref<2x128xi32, #tpu.memory_space<vmem>> -> memref<1x128xi32, #tpu.memory_space<vmem>>
    %dma_wait3A_128 = tpu.memref_squeeze %dma_wait3A_127 : memref<1x128xi32, #tpu.memory_space<vmem>> -> memref<128xi32, #tpu.memory_space<vmem>>
    %dma_wait3A_129 = arith.constant 0 : i32
    %dma_wait3A_130 = arith.constant 0 : i32
    %dma_wait3A_131 = tpu.memref_slice %arg2[%dma_wait3A_129, %dma_wait3A_130] : memref<10000x128xf32, #tpu.memory_space<hbm>> -> memref<10000x128xf32, #tpu.memory_space<hbm>>
    tpu.wait_indirect_dma semaphore(%arg18 : memref<!tpu.dma_semaphore, #tpu.memory_space<semaphore_mem>>) src(%dma_wait3A_131 : memref<10000x128xf32, #tpu.memory_space<hbm>>) dst(%arg12 : memref<128x128xf32, #tpu.memory_space<vmem>>)
    %dma_start3A_132 = arith.constant 1 : i32
    %dma_start3A_133 = arith.constant 0 : i32
    %dma_start3A_134 = tpu.memref_slice %arg9[%dma_start3A_132, %dma_start3A_133] : memref<2x128xi32, #tpu.memory_space<vmem>> -> memref<1x128xi32, #tpu.memory_space<vmem>>
    %dma_start3A_135 = tpu.memref_squeeze %dma_start3A_134 : memref<1x128xi32, #tpu.memory_space<vmem>> -> memref<128xi32, #tpu.memory_space<vmem>>
    %dma_start3A_136 = arith.constant 0 : i32
    %dma_start3A_137 = arith.constant 0 : i32
    %dma_start3A_138 = tpu.memref_slice %arg23[%dma_start3A_136, %dma_start3A_137] : memref<10000x128xf32, #tpu.memory_space<vmem_shared>> -> memref<10000x128xf32, #tpu.memory_space<vmem_shared>>
    tpu.enqueue_indirect_dma source(%arg12 : memref<128x128xf32, #tpu.memory_space<vmem>>) target(%dma_start3A_138 : memref<10000x128xf32, #tpu.memory_space<vmem_shared>>) offsets(%dma_start3A_135 : memref<128xi32, #tpu.memory_space<vmem>>) semaphore(%arg21 : memref<!tpu.dma_semaphore, #tpu.memory_space<semaphore_mem>>) {add = true}
    %dma_wait3A_139 = arith.constant 1 : i32
    %dma_wait3A_140 = arith.constant 0 : i32
    %dma_wait3A_141 = tpu.memref_slice %arg7[%dma_wait3A_139, %dma_wait3A_140] : memref<2x128xi32, #tpu.memory_space<vmem>> -> memref<1x128xi32, #tpu.memory_space<vmem>>
    %dma_wait3A_142 = tpu.memref_squeeze %dma_wait3A_141 : memref<1x128xi32, #tpu.memory_space<vmem>> -> memref<128xi32, #tpu.memory_space<vmem>>
    %dma_wait3A_143 = arith.constant 0 : i32
    %dma_wait3A_144 = arith.constant 0 : i32
    %dma_wait3A_145 = tpu.memref_slice %arg23[%dma_wait3A_143, %dma_wait3A_144] : memref<10000x128xf32, #tpu.memory_space<vmem_shared>> -> memref<10000x128xf32, #tpu.memory_space<vmem_shared>>
    tpu.wait_indirect_dma semaphore(%arg19 : memref<!tpu.dma_semaphore, #tpu.memory_space<semaphore_mem>>) src(%arg10 : memref<128x128xf32, #tpu.memory_space<vmem>>) dst(%dma_wait3A_145 : memref<10000x128xf32, #tpu.memory_space<vmem_shared>>)
    %dma_wait3A_146 = arith.constant 1 : i32
    %dma_wait3A_147 = arith.constant 0 : i32
    %dma_wait3A_148 = tpu.memref_slice %arg8[%dma_wait3A_146, %dma_wait3A_147] : memref<2x128xi32, #tpu.memory_space<vmem>> -> memref<1x128xi32, #tpu.memory_space<vmem>>
    %dma_wait3A_149 = tpu.memref_squeeze %dma_wait3A_148 : memref<1x128xi32, #tpu.memory_space<vmem>> -> memref<128xi32, #tpu.memory_space<vmem>>
    %dma_wait3A_150 = arith.constant 0 : i32
    %dma_wait3A_151 = arith.constant 0 : i32
    %dma_wait3A_152 = tpu.memref_slice %arg23[%dma_wait3A_150, %dma_wait3A_151] : memref<10000x128xf32, #tpu.memory_space<vmem_shared>> -> memref<10000x128xf32, #tpu.memory_space<vmem_shared>>
    tpu.wait_indirect_dma semaphore(%arg20 : memref<!tpu.dma_semaphore, #tpu.memory_space<semaphore_mem>>) src(%arg11 : memref<128x128xf32, #tpu.memory_space<vmem>>) dst(%dma_wait3A_152 : memref<10000x128xf32, #tpu.memory_space<vmem_shared>>)
    %dma_wait3A_153 = arith.constant 1 : i32
    %dma_wait3A_154 = arith.constant 0 : i32
    %dma_wait3A_155 = tpu.memref_slice %arg9[%dma_wait3A_153, %dma_wait3A_154] : memref<2x128xi32, #tpu.memory_space<vmem>> -> memref<1x128xi32, #tpu.memory_space<vmem>>
    %dma_wait3A_156 = tpu.memref_squeeze %dma_wait3A_155 : memref<1x128xi32, #tpu.memory_space<vmem>> -> memref<128xi32, #tpu.memory_space<vmem>>
    %dma_wait3A_157 = arith.constant 0 : i32
    %dma_wait3A_158 = arith.constant 0 : i32
    %dma_wait3A_159 = tpu.memref_slice %arg23[%dma_wait3A_157, %dma_wait3A_158] : memref<10000x128xf32, #tpu.memory_space<vmem_shared>> -> memref<10000x128xf32, #tpu.memory_space<vmem_shared>>
    tpu.wait_indirect_dma semaphore(%arg21 : memref<!tpu.dma_semaphore, #tpu.memory_space<semaphore_mem>>) src(%arg12 : memref<128x128xf32, #tpu.memory_space<vmem>>) dst(%dma_wait3A_159 : memref<10000x128xf32, #tpu.memory_space<vmem_shared>>)
    %dma_start3A_160 = arith.constant 0 : i32
    %dma_start3A_161 = arith.constant 0 : i32
    %dma_start3A_162 = tpu.memref_slice %arg4[%add3A, %dma_start3A_160, %dma_start3A_161] : memref<32x2x16xi32, #tpu.memory_space<hbm>> -> memref<1x2x16xi32, #tpu.memory_space<hbm>>
    %dma_start3A_163 = tpu.memref_squeeze %dma_start3A_162 : memref<1x2x16xi32, #tpu.memory_space<hbm>> -> memref<2x16xi32, #tpu.memory_space<hbm>>
    %dma_start3A_164 = arith.constant 0 : i32
    %dma_start3A_165 = arith.constant 0 : i32
    %dma_start3A_166 = tpu.memref_slice %arg4[%add3A, %dma_start3A_164, %dma_start3A_165] : memref<32x2x16xi32, #tpu.memory_space<hbm>> -> memref<1x2x16xi32, #tpu.memory_space<hbm>>
    %dma_start3A_167 = tpu.memref_squeeze %dma_start3A_166 : memref<1x2x16xi32, #tpu.memory_space<hbm>> -> memref<2x16xi32, #tpu.memory_space<hbm>>
    tpu.enqueue_dma source(%dma_start3A_167 : memref<2x16xi32, #tpu.memory_space<hbm>>) target(%arg22 : memref<2x16xi32, #tpu.memory_space<vmem>>) target_semaphore(%arg13 : memref<!tpu.dma_semaphore, #tpu.memory_space<semaphore_mem>>)
    %dma_wait3A_168 = arith.constant 0 : i32
    %dma_wait3A_169 = arith.constant 0 : i32
    %dma_wait3A_170 = arith.constant 0 : i32
    %dma_wait3A_171 = tpu.memref_slice %arg4[%dma_wait3A_168, %dma_wait3A_169, %dma_wait3A_170] : memref<32x2x16xi32, #tpu.memory_space<hbm>> -> memref<1x2x16xi32, #tpu.memory_space<hbm>>
    %dma_wait3A_172 = tpu.memref_squeeze %dma_wait3A_171 : memref<1x2x16xi32, #tpu.memory_space<hbm>> -> memref<2x16xi32, #tpu.memory_space<hbm>>
    %dma_wait3A_173 = arith.constant 0 : i32
    %dma_wait3A_174 = arith.constant 0 : i32
    %dma_wait3A_175 = tpu.memref_slice %arg4[%dma_wait3A_168, %dma_wait3A_173, %dma_wait3A_174] : memref<32x2x16xi32, #tpu.memory_space<hbm>> -> memref<1x2x16xi32, #tpu.memory_space<hbm>>
    %dma_wait3A_176 = tpu.memref_squeeze %dma_wait3A_175 : memref<1x2x16xi32, #tpu.memory_space<hbm>> -> memref<2x16xi32, #tpu.memory_space<hbm>>
    tpu.wait_dma2 semaphore(%arg13 : memref<!tpu.dma_semaphore, #tpu.memory_space<semaphore_mem>>) src(%dma_wait3A_176 : memref<2x16xi32, #tpu.memory_space<hbm>>) dst(%arg22 : memref<2x16xi32, #tpu.memory_space<vmem>>)
    %dma_start3A_177 = arith.constant 0 : i32
    %dma_start3A_178 = arith.constant 0 : i32
    %dma_start3A_179 = arith.constant 0 : i32
    %dma_start3A_180 = tpu.memref_slice %arg10[%dma_start3A_178, %dma_start3A_179] : memref<128x128xf32, #tpu.memory_space<vmem>> -> memref<16x128xf32, #tpu.memory_space<vmem>>
    %dma_start3A_181 = arith.constant 0 : i32
    %dma_start3A_182 = tpu.memref_slice %arg22[%dma_start3A_177, %dma_start3A_181] : memref<2x16xi32, #tpu.memory_space<vmem>> -> memref<1x16xi32, #tpu.memory_space<vmem>>
    %dma_start3A_183 = tpu.memref_squeeze %dma_start3A_182 : memref<1x16xi32, #tpu.memory_space<vmem>> -> memref<16xi32, #tpu.memory_space<vmem>>
    %dma_start3A_184 = arith.constant 0 : i32
    %dma_start3A_185 = arith.constant 0 : i32
    %dma_start3A_186 = tpu.memref_slice %arg2[%dma_start3A_184, %dma_start3A_185] : memref<10000x128xf32, #tpu.memory_space<hbm>> -> memref<10000x128xf32, #tpu.memory_space<hbm>>
    tpu.enqueue_indirect_dma source(%dma_start3A_186 : memref<10000x128xf32, #tpu.memory_space<hbm>>) target(%dma_start3A_180 : memref<16x128xf32, #tpu.memory_space<vmem>>) offsets(%dma_start3A_183 : memref<16xi32, #tpu.memory_space<vmem>>) semaphore(%arg16 : memref<!tpu.dma_semaphore, #tpu.memory_space<semaphore_mem>>)
    %dma_wait3A_187 = arith.constant 0 : i32
    %dma_wait3A_188 = arith.constant 0 : i32
    %dma_wait3A_189 = arith.constant 0 : i32
    %dma_wait3A_190 = tpu.memref_slice %arg10[%dma_wait3A_188, %dma_wait3A_189] : memref<128x128xf32, #tpu.memory_space<vmem>> -> memref<16x128xf32, #tpu.memory_space<vmem>>
    %dma_wait3A_191 = arith.constant 0 : i32
    %dma_wait3A_192 = tpu.memref_slice %arg22[%dma_wait3A_187, %dma_wait3A_191] : memref<2x16xi32, #tpu.memory_space<vmem>> -> memref<1x16xi32, #tpu.memory_space<vmem>>
    %dma_wait3A_193 = tpu.memref_squeeze %dma_wait3A_192 : memref<1x16xi32, #tpu.memory_space<vmem>> -> memref<16xi32, #tpu.memory_space<vmem>>
    %dma_wait3A_194 = arith.constant 0 : i32
    %dma_wait3A_195 = arith.constant 0 : i32
    %dma_wait3A_196 = tpu.memref_slice %arg2[%dma_wait3A_194, %dma_wait3A_195] : memref<10000x128xf32, #tpu.memory_space<hbm>> -> memref<10000x128xf32, #tpu.memory_space<hbm>>
    tpu.wait_indirect_dma semaphore(%arg16 : memref<!tpu.dma_semaphore, #tpu.memory_space<semaphore_mem>>) src(%dma_wait3A_196 : memref<10000x128xf32, #tpu.memory_space<hbm>>) dst(%dma_wait3A_190 : memref<16x128xf32, #tpu.memory_space<vmem>>)
    %run_scoped3A = arith.constant 1 : i32
    "tpu.region"() ({
      %run_scoped3A_207 = tpu.sem_alloc : memref<!tpu.dma_semaphore, #tpu.memory_space<semaphore_mem>>
      %dma_start3A_208 = arith.constant 0 : i32
      %dma_start3A_209 = arith.constant 0 : i32
      %dma_start3A_210 = tpu.memref_slice %arg10[%dma_start3A_208, %dma_start3A_209] : memref<128x128xf32, #tpu.memory_space<vmem>> -> memref<16x128xf32, #tpu.memory_space<vmem>>
      %dma_start3A_211 = arith.constant 0 : i32
      %dma_start3A_212 = tpu.memref_slice %arg22[%run_scoped3A, %dma_start3A_211] : memref<2x16xi32, #tpu.memory_space<vmem>> -> memref<1x16xi32, #tpu.memory_space<vmem>>
      %dma_start3A_213 = tpu.memref_squeeze %dma_start3A_212 : memref<1x16xi32, #tpu.memory_space<vmem>> -> memref<16xi32, #tpu.memory_space<vmem>>
      %dma_start3A_214 = arith.constant 0 : i32
      %dma_start3A_215 = arith.constant 0 : i32
      %dma_start3A_216 = tpu.memref_slice %arg23[%dma_start3A_214, %dma_start3A_215] : memref<10000x128xf32, #tpu.memory_space<vmem_shared>> -> memref<10000x128xf32, #tpu.memory_space<vmem_shared>>
      tpu.enqueue_indirect_dma source(%dma_start3A_210 : memref<16x128xf32, #tpu.memory_space<vmem>>) target(%dma_start3A_216 : memref<10000x128xf32, #tpu.memory_space<vmem_shared>>) offsets(%dma_start3A_213 : memref<16xi32, #tpu.memory_space<vmem>>) semaphore(%run_scoped3A_207 : memref<!tpu.dma_semaphore, #tpu.memory_space<semaphore_mem>>) {add = true}
      %dma_wait3A_217 = arith.constant 0 : i32
      %dma_wait3A_218 = arith.constant 0 : i32
      %dma_wait3A_219 = tpu.memref_slice %arg10[%dma_wait3A_217, %dma_wait3A_218] : memref<128x128xf32, #tpu.memory_space<vmem>> -> memref<16x128xf32, #tpu.memory_space<vmem>>
      %dma_wait3A_220 = arith.constant 0 : i32
      %dma_wait3A_221 = tpu.memref_slice %arg22[%run_scoped3A, %dma_wait3A_220] : memref<2x16xi32, #tpu.memory_space<vmem>> -> memref<1x16xi32, #tpu.memory_space<vmem>>
      %dma_wait3A_222 = tpu.memref_squeeze %dma_wait3A_221 : memref<1x16xi32, #tpu.memory_space<vmem>> -> memref<16xi32, #tpu.memory_space<vmem>>
      %dma_wait3A_223 = arith.constant 0 : i32
      %dma_wait3A_224 = arith.constant 0 : i32
      %dma_wait3A_225 = tpu.memref_slice %arg23[%dma_wait3A_223, %dma_wait3A_224] : memref<10000x128xf32, #tpu.memory_space<vmem_shared>> -> memref<10000x128xf32, #tpu.memory_space<vmem_shared>>
      tpu.wait_indirect_dma semaphore(%run_scoped3A_207 : memref<!tpu.dma_semaphore, #tpu.memory_space<semaphore_mem>>) src(%dma_wait3A_219 : memref<16x128xf32, #tpu.memory_space<vmem>>) dst(%dma_wait3A_225 : memref<10000x128xf32, #tpu.memory_space<vmem_shared>>)
      tpu.yield
    }) : () -> ()
    %barrier3A_197 = arith.constant 0 : index
    tpu.barrier barrier_id(%barrier3A_197)
    %mul3A_198 = arith.constant 624 : i32
    %mul3A_199 = arith.muli %arg1, %mul3A_198 : i32
    %mul3A_200 = arith.constant 624 : i32
    %mul3A_201 = arith.muli %arg1, %mul3A_200 : i32
    "tpu.region"() ({
      %run_scoped3A_207 = tpu.sem_alloc : memref<!tpu.dma_semaphore, #tpu.memory_space<semaphore_mem>>
      %dma_start3A_208 = arith.constant 0 : i32
      %dma_start3A_209 = tpu.memref_slice %arg6[%arg0, %mul3A_201, %dma_start3A_208] : memref<2x10000x128xf32, #tpu.memory_space<hbm>> -> memref<1x624x128xf32, #tpu.memory_space<hbm>>
      %dma_start3A_210 = tpu.memref_squeeze %dma_start3A_209 : memref<1x624x128xf32, #tpu.memory_space<hbm>> -> memref<624x128xf32, #tpu.memory_space<hbm>>
      %dma_start3A_211 = arith.constant 0 : i32
      %dma_start3A_212 = tpu.memref_slice %arg23[%mul3A_199, %dma_start3A_211] : memref<10000x128xf32, #tpu.memory_space<vmem_shared>> -> memref<624x128xf32, #tpu.memory_space<vmem_shared>>
      tpu.enqueue_dma source(%dma_start3A_212 : memref<624x128xf32, #tpu.memory_space<vmem_shared>>) target(%dma_start3A_210 : memref<624x128xf32, #tpu.memory_space<hbm>>) target_semaphore(%run_scoped3A_207 : memref<!tpu.dma_semaphore, #tpu.memory_space<semaphore_mem>>)
      %dma_wait3A_213 = arith.constant 0 : i32
      %dma_wait3A_214 = tpu.memref_slice %arg6[%arg0, %mul3A_201, %dma_wait3A_213] : memref<2x10000x128xf32, #tpu.memory_space<hbm>> -> memref<1x624x128xf32, #tpu.memory_space<hbm>>
      %dma_wait3A_215 = tpu.memref_squeeze %dma_wait3A_214 : memref<1x624x128xf32, #tpu.memory_space<hbm>> -> memref<624x128xf32, #tpu.memory_space<hbm>>
      %dma_wait3A_216 = arith.constant 0 : i32
      %dma_wait3A_217 = tpu.memref_slice %arg23[%mul3A_199, %dma_wait3A_216] : memref<10000x128xf32, #tpu.memory_space<vmem_shared>> -> memref<624x128xf32, #tpu.memory_space<vmem_shared>>
      tpu.wait_dma2 semaphore(%run_scoped3A_207 : memref<!tpu.dma_semaphore, #tpu.memory_space<semaphore_mem>>) src(%dma_wait3A_217 : memref<624x128xf32, #tpu.memory_space<vmem_shared>>) dst(%dma_wait3A_215 : memref<624x128xf32, #tpu.memory_space<hbm>>)
      tpu.yield
    }) : () -> ()
    %eq3A_202 = arith.constant 0 : i32
    %eq3A_203 = arith.cmpi eq, %arg1, %eq3A_202 : i32
    %convert_element_type3A_204 = arith.extui %eq3A_203 : i1 to i32
    %cond3A_205 = arith.constant 0 : i32
    %cond3A_206 = arith.cmpi ne, %convert_element_type3A_204, %cond3A_205 : i32
    scf.if %cond3A_206 {
      "tpu.region"() ({
        %run_scoped3A_207 = tpu.sem_alloc : memref<!tpu.dma_semaphore, #tpu.memory_space<semaphore_mem>>
        %dma_start3A_208 = arith.constant 9984 : i32
        %dma_start3A_209 = arith.constant 0 : i32
        %dma_start3A_210 = tpu.memref_slice %arg6[%arg0, %dma_start3A_208, %dma_start3A_209] : memref<2x10000x128xf32, #tpu.memory_space<hbm>> -> memref<1x16x128xf32, #tpu.memory_space<hbm>>
        %dma_start3A_211 = tpu.memref_squeeze %dma_start3A_210 : memref<1x16x128xf32, #tpu.memory_space<hbm>> -> memref<16x128xf32, #tpu.memory_space<hbm>>
        %dma_start3A_212 = arith.constant 9984 : i32
        %dma_start3A_213 = arith.constant 0 : i32
        %dma_start3A_214 = tpu.memref_slice %arg23[%dma_start3A_212, %dma_start3A_213] : memref<10000x128xf32, #tpu.memory_space<vmem_shared>> -> memref<16x128xf32, #tpu.memory_space<vmem_shared>>
        tpu.enqueue_dma source(%dma_start3A_214 : memref<16x128xf32, #tpu.memory_space<vmem_shared>>) target(%dma_start3A_211 : memref<16x128xf32, #tpu.memory_space<hbm>>) target_semaphore(%run_scoped3A_207 : memref<!tpu.dma_semaphore, #tpu.memory_space<semaphore_mem>>)
        %dma_wait3A_215 = arith.constant 9984 : i32
        %dma_wait3A_216 = arith.constant 0 : i32
        %dma_wait3A_217 = tpu.memref_slice %arg6[%arg0, %dma_wait3A_215, %dma_wait3A_216] : memref<2x10000x128xf32, #tpu.memory_space<hbm>> -> memref<1x16x128xf32, #tpu.memory_space<hbm>>
        %dma_wait3A_218 = tpu.memref_squeeze %dma_wait3A_217 : memref<1x16x128xf32, #tpu.memory_space<hbm>> -> memref<16x128xf32, #tpu.memory_space<hbm>>
        %dma_wait3A_219 = arith.constant 9984 : i32
        %dma_wait3A_220 = arith.constant 0 : i32
        %dma_wait3A_221 = tpu.memref_slice %arg23[%dma_wait3A_219, %dma_wait3A_220] : memref<10000x128xf32, #tpu.memory_space<vmem_shared>> -> memref<16x128xf32, #tpu.memory_space<vmem_shared>>
        tpu.wait_dma2 semaphore(%run_scoped3A_207 : memref<!tpu.dma_semaphore, #tpu.memory_space<semaphore_mem>>) src(%dma_wait3A_221 : memref<16x128xf32, #tpu.memory_space<vmem_shared>>) dst(%dma_wait3A_218 : memref<16x128xf32, #tpu.memory_space<hbm>>)
        tpu.yield
      }) : () -> ()
    } else {
    }
    return
  }
}

#map = affine_map<(d0, d1) -> (0, 0)>
#map1 = affine_map<(d0, d1) -> (0, 0, 0)>
module attributes {stable_mosaic.version = 14 : i64} {
  func.func @_sc_agg_body(%arg0: i32, %arg1: i32, %arg2: memref<10000x128xf32, #tpu.memory_space<hbm>>, %arg3: memref<2496x2x128xi32, #tpu.memory_space<hbm>>, %arg4: memref<32x2x16xi32, #tpu.memory_space<hbm>>, %arg5: memref<10000x128xf32, #tpu.memory_space<hbm>>, %arg6: memref<2x10000x128xf32, #tpu.memory_space<hbm>>, %arg7: memref<2x128xi32, #tpu.memory_space<vmem>>, %arg8: memref<2x128xi32, #tpu.memory_space<vmem>>, %arg9: memref<2x128xi32, #tpu.memory_space<vmem>>, %arg10: memref<128x128xf32, #tpu.memory_space<vmem>>, %arg11: memref<128x128xf32, #tpu.memory_space<vmem>>, %arg12: memref<128x128xf32, #tpu.memory_space<vmem>>, %arg13: memref<!tpu.dma_semaphore, #tpu.memory_space<semaphore_mem>>, %arg14: memref<!tpu.dma_semaphore, #tpu.memory_space<semaphore_mem>>, %arg15: memref<!tpu.dma_semaphore, #tpu.memory_space<semaphore_mem>>, %arg16: memref<!tpu.dma_semaphore, #tpu.memory_space<semaphore_mem>>, %arg17: memref<!tpu.dma_semaphore, #tpu.memory_space<semaphore_mem>>, %arg18: memref<!tpu.dma_semaphore, #tpu.memory_space<semaphore_mem>>, %arg19: memref<!tpu.dma_semaphore, #tpu.memory_space<semaphore_mem>>, %arg20: memref<!tpu.dma_semaphore, #tpu.memory_space<semaphore_mem>>, %arg21: memref<!tpu.dma_semaphore, #tpu.memory_space<semaphore_mem>>, %arg22: memref<2x16xi32, #tpu.memory_space<vmem>>, %arg23: memref<10000x128xf32, #tpu.memory_space<vmem_shared>>) attributes {dimension_semantics = [#tpu.dimension_semantics<core_parallel>, #tpu.dimension_semantics<subcore_parallel>], iteration_bounds = array<i64: 2, 16>, scalar_prefetch = 0 : i64, scratch_operands = 17 : i64, tpu.core_type = #tpu.core_type<sc_vector_subcore>, window_params = [{transform_indices = #map}, {transform_indices = #map1}, {transform_indices = #map1}, {transform_indices = #map}, {transform_indices = #map1}]} {
    %mul3A = arith.constant 2 : i32
    %mul3A_0 = arith.muli %arg1, %mul3A : i32
    %add3A = arith.addi %mul3A_0, %arg0 : i32
    %mul3A_1 = arith.constant 78 : i32
    %mul3A_2 = arith.muli %add3A, %mul3A_1 : i32
    %add3A_3 = arith.constant 0 : i32
    %add3A_4 = arith.addi %mul3A_2, %add3A_3 : i32
    %dma_start3A = arith.constant 0 : i32
    %dma_start3A_5 = arith.constant 0 : i32
    %dma_start3A_6 = tpu.memref_slice %arg3[%add3A_4, %dma_start3A, %dma_start3A_5] : memref<2496x2x128xi32, #tpu.memory_space<hbm>> -> memref<1x2x128xi32, #tpu.memory_space<hbm>>
    %dma_start3A_7 = tpu.memref_squeeze %dma_start3A_6 : memref<1x2x128xi32, #tpu.memory_space<hbm>> -> memref<2x128xi32, #tpu.memory_space<hbm>>
    %dma_start3A_8 = arith.constant 0 : i32
    %dma_start3A_9 = arith.constant 0 : i32
    %dma_start3A_10 = tpu.memref_slice %arg3[%add3A_4, %dma_start3A_8, %dma_start3A_9] : memref<2496x2x128xi32, #tpu.memory_space<hbm>> -> memref<1x2x128xi32, #tpu.memory_space<hbm>>
    %dma_start3A_11 = tpu.memref_squeeze %dma_start3A_10 : memref<1x2x128xi32, #tpu.memory_space<hbm>> -> memref<2x128xi32, #tpu.memory_space<hbm>>
    tpu.enqueue_dma source(%dma_start3A_11 : memref<2x128xi32, #tpu.memory_space<hbm>>) target(%arg7 : memref<2x128xi32, #tpu.memory_space<vmem>>) target_semaphore(%arg13 : memref<!tpu.dma_semaphore, #tpu.memory_space<semaphore_mem>>)
    %add3A_12 = arith.constant 1 : i32
    %add3A_13 = arith.addi %mul3A_2, %add3A_12 : i32
    %dma_start3A_14 = arith.constant 0 : i32
    %dma_start3A_15 = arith.constant 0 : i32
    %dma_start3A_16 = tpu.memref_slice %arg3[%add3A_13, %dma_start3A_14, %dma_start3A_15] : memref<2496x2x128xi32, #tpu.memory_space<hbm>> -> memref<1x2x128xi32, #tpu.memory_space<hbm>>
    %dma_start3A_17 = tpu.memref_squeeze %dma_start3A_16 : memref<1x2x128xi32, #tpu.memory_space<hbm>> -> memref<2x128xi32, #tpu.memory_space<hbm>>
    %dma_start3A_18 = arith.constant 0 : i32
    %dma_start3A_19 = arith.constant 0 : i32
    %dma_start3A_20 = tpu.memref_slice %arg3[%add3A_13, %dma_start3A_18, %dma_start3A_19] : memref<2496x2x128xi32, #tpu.memory_space<hbm>> -> memref<1x2x128xi32, #tpu.memory_space<hbm>>
    %dma_start3A_21 = tpu.memref_squeeze %dma_start3A_20 : memref<1x2x128xi32, #tpu.memory_space<hbm>> -> memref<2x128xi32, #tpu.memory_space<hbm>>
    tpu.enqueue_dma source(%dma_start3A_21 : memref<2x128xi32, #tpu.memory_space<hbm>>) target(%arg8 : memref<2x128xi32, #tpu.memory_space<vmem>>) target_semaphore(%arg14 : memref<!tpu.dma_semaphore, #tpu.memory_space<semaphore_mem>>)
    %mul3A_22 = arith.constant 624 : i32
    %mul3A_23 = arith.muli %arg1, %mul3A_22 : i32
    %mul3A_24 = arith.constant 624 : i32
    %mul3A_25 = arith.muli %arg1, %mul3A_24 : i32
    "tpu.region"() ({
      %run_scoped3A_207 = tpu.sem_alloc : memref<!tpu.dma_semaphore, #tpu.memory_space<semaphore_mem>>
      %dma_start3A_208 = arith.constant 0 : i32
      %dma_start3A_209 = tpu.memref_slice %arg23[%mul3A_25, %dma_start3A_208] : memref<10000x128xf32, #tpu.memory_space<vmem_shared>> -> memref<624x128xf32, #tpu.memory_space<vmem_shared>>
      %dma_start3A_210 = arith.constant 0 : i32
      %dma_start3A_211 = tpu.memref_slice %arg5[%mul3A_23, %dma_start3A_210] : memref<10000x128xf32, #tpu.memory_space<hbm>> -> memref<624x128xf32, #tpu.memory_space<hbm>>
      tpu.enqueue_dma source(%dma_start3A_211 : memref<624x128xf32, #tpu.memory_space<hbm>>) target(%dma_start3A_209 : memref<624x128xf32, #tpu.memory_space<vmem_shared>>) target_semaphore(%run_scoped3A_207 : memref<!tpu.dma_semaphore, #tpu.memory_space<semaphore_mem>>)
      %dma_wait3A_212 = arith.constant 0 : i32
      %dma_wait3A_213 = tpu.memref_slice %arg23[%mul3A_25, %dma_wait3A_212] : memref<10000x128xf32, #tpu.memory_space<vmem_shared>> -> memref<624x128xf32, #tpu.memory_space<vmem_shared>>
      %dma_wait3A_214 = arith.constant 0 : i32
      %dma_wait3A_215 = tpu.memref_slice %arg5[%mul3A_23, %dma_wait3A_214] : memref<10000x128xf32, #tpu.memory_space<hbm>> -> memref<624x128xf32, #tpu.memory_space<hbm>>
      tpu.wait_dma2 semaphore(%run_scoped3A_207 : memref<!tpu.dma_semaphore, #tpu.memory_space<semaphore_mem>>) src(%dma_wait3A_215 : memref<624x128xf32, #tpu.memory_space<hbm>>) dst(%dma_wait3A_213 : memref<624x128xf32, #tpu.memory_space<vmem_shared>>)
      tpu.yield
    }) : () -> ()
    %eq3A = arith.constant 0 : i32
    %eq3A_26 = arith.cmpi eq, %arg1, %eq3A : i32
    %convert_element_type3A = arith.extui %eq3A_26 : i1 to i32
    %cond3A = arith.constant 0 : i32
    %cond3A_27 = arith.cmpi ne, %convert_element_type3A, %cond3A : i32
    scf.if %cond3A_27 {
      "tpu.region"() ({
        %run_scoped3A_207 = tpu.sem_alloc : memref<!tpu.dma_semaphore, #tpu.memory_space<semaphore_mem>>
        %dma_start3A_208 = arith.constant 9984 : i32
        %dma_start3A_209 = arith.constant 0 : i32
        %dma_start3A_210 = tpu.memref_slice %arg23[%dma_start3A_208, %dma_start3A_209] : memref<10000x128xf32, #tpu.memory_space<vmem_shared>> -> memref<16x128xf32, #tpu.memory_space<vmem_shared>>
        %dma_start3A_211 = arith.constant 9984 : i32
        %dma_start3A_212 = arith.constant 0 : i32
        %dma_start3A_213 = tpu.memref_slice %arg5[%dma_start3A_211, %dma_start3A_212] : memref<10000x128xf32, #tpu.memory_space<hbm>> -> memref<16x128xf32, #tpu.memory_space<hbm>>
        tpu.enqueue_dma source(%dma_start3A_213 : memref<16x128xf32, #tpu.memory_space<hbm>>) target(%dma_start3A_210 : memref<16x128xf32, #tpu.memory_space<vmem_shared>>) target_semaphore(%run_scoped3A_207 : memref<!tpu.dma_semaphore, #tpu.memory_space<semaphore_mem>>)
        %dma_wait3A_214 = arith.constant 9984 : i32
        %dma_wait3A_215 = arith.constant 0 : i32
        %dma_wait3A_216 = tpu.memref_slice %arg23[%dma_wait3A_214, %dma_wait3A_215] : memref<10000x128xf32, #tpu.memory_space<vmem_shared>> -> memref<16x128xf32, #tpu.memory_space<vmem_shared>>
        %dma_wait3A_217 = arith.constant 9984 : i32
        %dma_wait3A_218 = arith.constant 0 : i32
        %dma_wait3A_219 = tpu.memref_slice %arg5[%dma_wait3A_217, %dma_wait3A_218] : memref<10000x128xf32, #tpu.memory_space<hbm>> -> memref<16x128xf32, #tpu.memory_space<hbm>>
        tpu.wait_dma2 semaphore(%run_scoped3A_207 : memref<!tpu.dma_semaphore, #tpu.memory_space<semaphore_mem>>) src(%dma_wait3A_219 : memref<16x128xf32, #tpu.memory_space<hbm>>) dst(%dma_wait3A_216 : memref<16x128xf32, #tpu.memory_space<vmem_shared>>)
        tpu.yield
      }) : () -> ()
    } else {
    }
    %barrier3A = arith.constant 0 : index
    tpu.barrier barrier_id(%barrier3A)
    %dma_wait3A = arith.constant 0 : i32
    %dma_wait3A_28 = arith.constant 0 : i32
    %dma_wait3A_29 = arith.constant 0 : i32
    %dma_wait3A_30 = tpu.memref_slice %arg3[%dma_wait3A, %dma_wait3A_28, %dma_wait3A_29] : memref<2496x2x128xi32, #tpu.memory_space<hbm>> -> memref<1x2x128xi32, #tpu.memory_space<hbm>>
    %dma_wait3A_31 = tpu.memref_squeeze %dma_wait3A_30 : memref<1x2x128xi32, #tpu.memory_space<hbm>> -> memref<2x128xi32, #tpu.memory_space<hbm>>
    %dma_wait3A_32 = arith.constant 0 : i32
    %dma_wait3A_33 = arith.constant 0 : i32
    %dma_wait3A_34 = tpu.memref_slice %arg3[%dma_wait3A, %dma_wait3A_32, %dma_wait3A_33] : memref<2496x2x128xi32, #tpu.memory_space<hbm>> -> memref<1x2x128xi32, #tpu.memory_space<hbm>>
    %dma_wait3A_35 = tpu.memref_squeeze %dma_wait3A_34 : memref<1x2x128xi32, #tpu.memory_space<hbm>> -> memref<2x128xi32, #tpu.memory_space<hbm>>
    tpu.wait_dma2 semaphore(%arg13 : memref<!tpu.dma_semaphore, #tpu.memory_space<semaphore_mem>>) src(%dma_wait3A_35 : memref<2x128xi32, #tpu.memory_space<hbm>>) dst(%arg7 : memref<2x128xi32, #tpu.memory_space<vmem>>)
    %dma_start3A_36 = arith.constant 0 : i32
    %dma_start3A_37 = arith.constant 0 : i32
    %dma_start3A_38 = tpu.memref_slice %arg7[%dma_start3A_36, %dma_start3A_37] : memref<2x128xi32, #tpu.memory_space<vmem>> -> memref<1x128xi32, #tpu.memory_space<vmem>>
    %dma_start3A_39 = tpu.memref_squeeze %dma_start3A_38 : memref<1x128xi32, #tpu.memory_space<vmem>> -> memref<128xi32, #tpu.memory_space<vmem>>
    %dma_start3A_40 = arith.constant 0 : i32
    %dma_start3A_41 = arith.constant 0 : i32
    %dma_start3A_42 = tpu.memref_slice %arg2[%dma_start3A_40, %dma_start3A_41] : memref<10000x128xf32, #tpu.memory_space<hbm>> -> memref<10000x128xf32, #tpu.memory_space<hbm>>
    tpu.enqueue_indirect_dma source(%dma_start3A_42 : memref<10000x128xf32, #tpu.memory_space<hbm>>) target(%arg10 : memref<128x128xf32, #tpu.memory_space<vmem>>) offsets(%dma_start3A_39 : memref<128xi32, #tpu.memory_space<vmem>>) semaphore(%arg16 : memref<!tpu.dma_semaphore, #tpu.memory_space<semaphore_mem>>)
    %scan3A = arith.constant 0 : i32
    %scan3A_43 = arith.constant 0 : i32
    %scan3A_44 = arith.constant 25 : i32
    %scan3A_45 = arith.addi %scan3A_43, %scan3A_44 : i32
    %scan3A_46 = arith.constant 1 : i32
    scf.for %scan3A_207 = %scan3A_43 to %scan3A_45 step %scan3A_46  : i32 {
      %mul3A_208 = arith.constant 3 : i32
      %mul3A_209 = arith.muli %mul3A_208, %scan3A_207 : i32
      %add3A_210 = arith.constant 0 : i32
      %add3A_211 = arith.addi %mul3A_209, %add3A_210 : i32
      %dma_wait3A_212 = arith.constant 0 : i32
      %dma_wait3A_213 = arith.constant 0 : i32
      %dma_wait3A_214 = arith.constant 0 : i32
      %dma_wait3A_215 = tpu.memref_slice %arg3[%dma_wait3A_212, %dma_wait3A_213, %dma_wait3A_214] : memref<2496x2x128xi32, #tpu.memory_space<hbm>> -> memref<1x2x128xi32, #tpu.memory_space<hbm>>
      %dma_wait3A_216 = tpu.memref_squeeze %dma_wait3A_215 : memref<1x2x128xi32, #tpu.memory_space<hbm>> -> memref<2x128xi32, #tpu.memory_space<hbm>>
      %dma_wait3A_217 = arith.constant 0 : i32
      %dma_wait3A_218 = arith.constant 0 : i32
      %dma_wait3A_219 = tpu.memref_slice %arg3[%dma_wait3A_212, %dma_wait3A_217, %dma_wait3A_218] : memref<2496x2x128xi32, #tpu.memory_space<hbm>> -> memref<1x2x128xi32, #tpu.memory_space<hbm>>
      %dma_wait3A_220 = tpu.memref_squeeze %dma_wait3A_219 : memref<1x2x128xi32, #tpu.memory_space<hbm>> -> memref<2x128xi32, #tpu.memory_space<hbm>>
      tpu.wait_dma2 semaphore(%arg14 : memref<!tpu.dma_semaphore, #tpu.memory_space<semaphore_mem>>) src(%dma_wait3A_220 : memref<2x128xi32, #tpu.memory_space<hbm>>) dst(%arg8 : memref<2x128xi32, #tpu.memory_space<vmem>>)
      %dma_start3A_221 = arith.constant 0 : i32
      %dma_start3A_222 = arith.constant 0 : i32
      %dma_start3A_223 = tpu.memref_slice %arg8[%dma_start3A_221, %dma_start3A_222] : memref<2x128xi32, #tpu.memory_space<vmem>> -> memref<1x128xi32, #tpu.memory_space<vmem>>
      %dma_start3A_224 = tpu.memref_squeeze %dma_start3A_223 : memref<1x128xi32, #tpu.memory_space<vmem>> -> memref<128xi32, #tpu.memory_space<vmem>>
      %dma_start3A_225 = arith.constant 0 : i32
      %dma_start3A_226 = arith.constant 0 : i32
      %dma_start3A_227 = tpu.memref_slice %arg2[%dma_start3A_225, %dma_start3A_226] : memref<10000x128xf32, #tpu.memory_space<hbm>> -> memref<10000x128xf32, #tpu.memory_space<hbm>>
      tpu.enqueue_indirect_dma source(%dma_start3A_227 : memref<10000x128xf32, #tpu.memory_space<hbm>>) target(%arg11 : memref<128x128xf32, #tpu.memory_space<vmem>>) offsets(%dma_start3A_224 : memref<128xi32, #tpu.memory_space<vmem>>) semaphore(%arg17 : memref<!tpu.dma_semaphore, #tpu.memory_space<semaphore_mem>>)
      %dma_wait3A_228 = arith.constant 0 : i32
      %dma_wait3A_229 = arith.constant 0 : i32
      %dma_wait3A_230 = tpu.memref_slice %arg7[%dma_wait3A_228, %dma_wait3A_229] : memref<2x128xi32, #tpu.memory_space<vmem>> -> memref<1x128xi32, #tpu.memory_space<vmem>>
      %dma_wait3A_231 = tpu.memref_squeeze %dma_wait3A_230 : memref<1x128xi32, #tpu.memory_space<vmem>> -> memref<128xi32, #tpu.memory_space<vmem>>
      %dma_wait3A_232 = arith.constant 0 : i32
      %dma_wait3A_233 = arith.constant 0 : i32
      %dma_wait3A_234 = tpu.memref_slice %arg2[%dma_wait3A_232, %dma_wait3A_233] : memref<10000x128xf32, #tpu.memory_space<hbm>> -> memref<10000x128xf32, #tpu.memory_space<hbm>>
      tpu.wait_indirect_dma semaphore(%arg16 : memref<!tpu.dma_semaphore, #tpu.memory_space<semaphore_mem>>) src(%dma_wait3A_234 : memref<10000x128xf32, #tpu.memory_space<hbm>>) dst(%arg10 : memref<128x128xf32, #tpu.memory_space<vmem>>)
      %dma_start3A_235 = arith.constant 1 : i32
      %dma_start3A_236 = arith.constant 0 : i32
      %dma_start3A_237 = tpu.memref_slice %arg7[%dma_start3A_235, %dma_start3A_236] : memref<2x128xi32, #tpu.memory_space<vmem>> -> memref<1x128xi32, #tpu.memory_space<vmem>>
      %dma_start3A_238 = tpu.memref_squeeze %dma_start3A_237 : memref<1x128xi32, #tpu.memory_space<vmem>> -> memref<128xi32, #tpu.memory_space<vmem>>
      %dma_start3A_239 = arith.constant 0 : i32
      %dma_start3A_240 = arith.constant 0 : i32
      %dma_start3A_241 = tpu.memref_slice %arg23[%dma_start3A_239, %dma_start3A_240] : memref<10000x128xf32, #tpu.memory_space<vmem_shared>> -> memref<10000x128xf32, #tpu.memory_space<vmem_shared>>
      tpu.enqueue_indirect_dma source(%arg10 : memref<128x128xf32, #tpu.memory_space<vmem>>) target(%dma_start3A_241 : memref<10000x128xf32, #tpu.memory_space<vmem_shared>>) offsets(%dma_start3A_238 : memref<128xi32, #tpu.memory_space<vmem>>) semaphore(%arg19 : memref<!tpu.dma_semaphore, #tpu.memory_space<semaphore_mem>>) {add = true}
      %gt3A = arith.constant 0 : i32
      %gt3A_242 = arith.cmpi sgt, %scan3A_207, %gt3A : i32
      %convert_element_type3A_243 = arith.extui %gt3A_242 : i1 to i32
      %cond3A_244 = arith.constant 0 : i32
      %cond3A_245 = arith.cmpi ne, %convert_element_type3A_243, %cond3A_244 : i32
      scf.if %cond3A_245 {
        %dma_wait3A_361 = arith.constant 1 : i32
        %dma_wait3A_362 = arith.constant 0 : i32
        %dma_wait3A_363 = tpu.memref_slice %arg9[%dma_wait3A_361, %dma_wait3A_362] : memref<2x128xi32, #tpu.memory_space<vmem>> -> memref<1x128xi32, #tpu.memory_space<vmem>>
        %dma_wait3A_364 = tpu.memref_squeeze %dma_wait3A_363 : memref<1x128xi32, #tpu.memory_space<vmem>> -> memref<128xi32, #tpu.memory_space<vmem>>
        %dma_wait3A_365 = arith.constant 0 : i32
        %dma_wait3A_366 = arith.constant 0 : i32
        %dma_wait3A_367 = tpu.memref_slice %arg23[%dma_wait3A_365, %dma_wait3A_366] : memref<10000x128xf32, #tpu.memory_space<vmem_shared>> -> memref<10000x128xf32, #tpu.memory_space<vmem_shared>>
        tpu.wait_indirect_dma semaphore(%arg21 : memref<!tpu.dma_semaphore, #tpu.memory_space<semaphore_mem>>) src(%arg12 : memref<128x128xf32, #tpu.memory_space<vmem>>) dst(%dma_wait3A_367 : memref<10000x128xf32, #tpu.memory_space<vmem_shared>>)
      } else {
      }
      %add3A_246 = arith.constant 2 : i32
      %add3A_247 = arith.addi %add3A_211, %add3A_246 : i32
      %add3A_248 = arith.addi %mul3A_2, %add3A_247 : i32
      %dma_start3A_249 = arith.constant 0 : i32
      %dma_start3A_250 = arith.constant 0 : i32
      %dma_start3A_251 = tpu.memref_slice %arg3[%add3A_248, %dma_start3A_249, %dma_start3A_250] : memref<2496x2x128xi32, #tpu.memory_space<hbm>> -> memref<1x2x128xi32, #tpu.memory_space<hbm>>
      %dma_start3A_252 = tpu.memref_squeeze %dma_start3A_251 : memref<1x2x128xi32, #tpu.memory_space<hbm>> -> memref<2x128xi32, #tpu.memory_space<hbm>>
      %dma_start3A_253 = arith.constant 0 : i32
      %dma_start3A_254 = arith.constant 0 : i32
      %dma_start3A_255 = tpu.memref_slice %arg3[%add3A_248, %dma_start3A_253, %dma_start3A_254] : memref<2496x2x128xi32, #tpu.memory_space<hbm>> -> memref<1x2x128xi32, #tpu.memory_space<hbm>>
      %dma_start3A_256 = tpu.memref_squeeze %dma_start3A_255 : memref<1x2x128xi32, #tpu.memory_space<hbm>> -> memref<2x128xi32, #tpu.memory_space<hbm>>
      tpu.enqueue_dma source(%dma_start3A_256 : memref<2x128xi32, #tpu.memory_space<hbm>>) target(%arg9 : memref<2x128xi32, #tpu.memory_space<vmem>>) target_semaphore(%arg15 : memref<!tpu.dma_semaphore, #tpu.memory_space<semaphore_mem>>)
      %mul3A_257 = arith.constant 3 : i32
      %mul3A_258 = arith.muli %mul3A_257, %scan3A_207 : i32
      %add3A_259 = arith.constant 1 : i32
      %add3A_260 = arith.addi %mul3A_258, %add3A_259 : i32
      %dma_wait3A_261 = arith.constant 0 : i32
      %dma_wait3A_262 = arith.constant 0 : i32
      %dma_wait3A_263 = arith.constant 0 : i32
      %dma_wait3A_264 = tpu.memref_slice %arg3[%dma_wait3A_261, %dma_wait3A_262, %dma_wait3A_263] : memref<2496x2x128xi32, #tpu.memory_space<hbm>> -> memref<1x2x128xi32, #tpu.memory_space<hbm>>
      %dma_wait3A_265 = tpu.memref_squeeze %dma_wait3A_264 : memref<1x2x128xi32, #tpu.memory_space<hbm>> -> memref<2x128xi32, #tpu.memory_space<hbm>>
      %dma_wait3A_266 = arith.constant 0 : i32
      %dma_wait3A_267 = arith.constant 0 : i32
      %dma_wait3A_268 = tpu.memref_slice %arg3[%dma_wait3A_261, %dma_wait3A_266, %dma_wait3A_267] : memref<2496x2x128xi32, #tpu.memory_space<hbm>> -> memref<1x2x128xi32, #tpu.memory_space<hbm>>
      %dma_wait3A_269 = tpu.memref_squeeze %dma_wait3A_268 : memref<1x2x128xi32, #tpu.memory_space<hbm>> -> memref<2x128xi32, #tpu.memory_space<hbm>>
      tpu.wait_dma2 semaphore(%arg15 : memref<!tpu.dma_semaphore, #tpu.memory_space<semaphore_mem>>) src(%dma_wait3A_269 : memref<2x128xi32, #tpu.memory_space<hbm>>) dst(%arg9 : memref<2x128xi32, #tpu.memory_space<vmem>>)
      %dma_start3A_270 = arith.constant 0 : i32
      %dma_start3A_271 = arith.constant 0 : i32
      %dma_start3A_272 = tpu.memref_slice %arg9[%dma_start3A_270, %dma_start3A_271] : memref<2x128xi32, #tpu.memory_space<vmem>> -> memref<1x128xi32, #tpu.memory_space<vmem>>
      %dma_start3A_273 = tpu.memref_squeeze %dma_start3A_272 : memref<1x128xi32, #tpu.memory_space<vmem>> -> memref<128xi32, #tpu.memory_space<vmem>>
      %dma_start3A_274 = arith.constant 0 : i32
      %dma_start3A_275 = arith.constant 0 : i32
      %dma_start3A_276 = tpu.memref_slice %arg2[%dma_start3A_274, %dma_start3A_275] : memref<10000x128xf32, #tpu.memory_space<hbm>> -> memref<10000x128xf32, #tpu.memory_space<hbm>>
      tpu.enqueue_indirect_dma source(%dma_start3A_276 : memref<10000x128xf32, #tpu.memory_space<hbm>>) target(%arg12 : memref<128x128xf32, #tpu.memory_space<vmem>>) offsets(%dma_start3A_273 : memref<128xi32, #tpu.memory_space<vmem>>) semaphore(%arg18 : memref<!tpu.dma_semaphore, #tpu.memory_space<semaphore_mem>>)
      %dma_wait3A_277 = arith.constant 0 : i32
      %dma_wait3A_278 = arith.constant 0 : i32
      %dma_wait3A_279 = tpu.memref_slice %arg8[%dma_wait3A_277, %dma_wait3A_278] : memref<2x128xi32, #tpu.memory_space<vmem>> -> memref<1x128xi32, #tpu.memory_space<vmem>>
      %dma_wait3A_280 = tpu.memref_squeeze %dma_wait3A_279 : memref<1x128xi32, #tpu.memory_space<vmem>> -> memref<128xi32, #tpu.memory_space<vmem>>
      %dma_wait3A_281 = arith.constant 0 : i32
      %dma_wait3A_282 = arith.constant 0 : i32
      %dma_wait3A_283 = tpu.memref_slice %arg2[%dma_wait3A_281, %dma_wait3A_282] : memref<10000x128xf32, #tpu.memory_space<hbm>> -> memref<10000x128xf32, #tpu.memory_space<hbm>>
      tpu.wait_indirect_dma semaphore(%arg17 : memref<!tpu.dma_semaphore, #tpu.memory_space<semaphore_mem>>) src(%dma_wait3A_283 : memref<10000x128xf32, #tpu.memory_space<hbm>>) dst(%arg11 : memref<128x128xf32, #tpu.memory_space<vmem>>)
      %dma_start3A_284 = arith.constant 1 : i32
      %dma_start3A_285 = arith.constant 0 : i32
      %dma_start3A_286 = tpu.memref_slice %arg8[%dma_start3A_284, %dma_start3A_285] : memref<2x128xi32, #tpu.memory_space<vmem>> -> memref<1x128xi32, #tpu.memory_space<vmem>>
      %dma_start3A_287 = tpu.memref_squeeze %dma_start3A_286 : memref<1x128xi32, #tpu.memory_space<vmem>> -> memref<128xi32, #tpu.memory_space<vmem>>
      %dma_start3A_288 = arith.constant 0 : i32
      %dma_start3A_289 = arith.constant 0 : i32
      %dma_start3A_290 = tpu.memref_slice %arg23[%dma_start3A_288, %dma_start3A_289] : memref<10000x128xf32, #tpu.memory_space<vmem_shared>> -> memref<10000x128xf32, #tpu.memory_space<vmem_shared>>
      tpu.enqueue_indirect_dma source(%arg11 : memref<128x128xf32, #tpu.memory_space<vmem>>) target(%dma_start3A_290 : memref<10000x128xf32, #tpu.memory_space<vmem_shared>>) offsets(%dma_start3A_287 : memref<128xi32, #tpu.memory_space<vmem>>) semaphore(%arg20 : memref<!tpu.dma_semaphore, #tpu.memory_space<semaphore_mem>>) {add = true}
      %dma_wait3A_291 = arith.constant 1 : i32
      %dma_wait3A_292 = arith.constant 0 : i32
      %dma_wait3A_293 = tpu.memref_slice %arg7[%dma_wait3A_291, %dma_wait3A_292] : memref<2x128xi32, #tpu.memory_space<vmem>> -> memref<1x128xi32, #tpu.memory_space<vmem>>
      %dma_wait3A_294 = tpu.memref_squeeze %dma_wait3A_293 : memref<1x128xi32, #tpu.memory_space<vmem>> -> memref<128xi32, #tpu.memory_space<vmem>>
      %dma_wait3A_295 = arith.constant 0 : i32
      %dma_wait3A_296 = arith.constant 0 : i32
      %dma_wait3A_297 = tpu.memref_slice %arg23[%dma_wait3A_295, %dma_wait3A_296] : memref<10000x128xf32, #tpu.memory_space<vmem_shared>> -> memref<10000x128xf32, #tpu.memory_space<vmem_shared>>
      tpu.wait_indirect_dma semaphore(%arg19 : memref<!tpu.dma_semaphore, #tpu.memory_space<semaphore_mem>>) src(%arg10 : memref<128x128xf32, #tpu.memory_space<vmem>>) dst(%dma_wait3A_297 : memref<10000x128xf32, #tpu.memory_space<vmem_shared>>)
      %add3A_298 = arith.constant 2 : i32
      %add3A_299 = arith.addi %add3A_260, %add3A_298 : i32
      %add3A_300 = arith.addi %mul3A_2, %add3A_299 : i32
      %dma_start3A_301 = arith.constant 0 : i32
      %dma_start3A_302 = arith.constant 0 : i32
      %dma_start3A_303 = tpu.memref_slice %arg3[%add3A_300, %dma_start3A_301, %dma_start3A_302] : memref<2496x2x128xi32, #tpu.memory_space<hbm>> -> memref<1x2x128xi32, #tpu.memory_space<hbm>>
      %dma_start3A_304 = tpu.memref_squeeze %dma_start3A_303 : memref<1x2x128xi32, #tpu.memory_space<hbm>> -> memref<2x128xi32, #tpu.memory_space<hbm>>
      %dma_start3A_305 = arith.constant 0 : i32
      %dma_start3A_306 = arith.constant 0 : i32
      %dma_start3A_307 = tpu.memref_slice %arg3[%add3A_300, %dma_start3A_305, %dma_start3A_306] : memref<2496x2x128xi32, #tpu.memory_space<hbm>> -> memref<1x2x128xi32, #tpu.memory_space<hbm>>
      %dma_start3A_308 = tpu.memref_squeeze %dma_start3A_307 : memref<1x2x128xi32, #tpu.memory_space<hbm>> -> memref<2x128xi32, #tpu.memory_space<hbm>>
      tpu.enqueue_dma source(%dma_start3A_308 : memref<2x128xi32, #tpu.memory_space<hbm>>) target(%arg7 : memref<2x128xi32, #tpu.memory_space<vmem>>) target_semaphore(%arg13 : memref<!tpu.dma_semaphore, #tpu.memory_space<semaphore_mem>>)
      %mul3A_309 = arith.constant 3 : i32
      %mul3A_310 = arith.muli %mul3A_309, %scan3A_207 : i32
      %add3A_311 = arith.constant 2 : i32
      %add3A_312 = arith.addi %mul3A_310, %add3A_311 : i32
      %dma_wait3A_313 = arith.constant 0 : i32
      %dma_wait3A_314 = arith.constant 0 : i32
      %dma_wait3A_315 = arith.constant 0 : i32
      %dma_wait3A_316 = tpu.memref_slice %arg3[%dma_wait3A_313, %dma_wait3A_314, %dma_wait3A_315] : memref<2496x2x128xi32, #tpu.memory_space<hbm>> -> memref<1x2x128xi32, #tpu.memory_space<hbm>>
      %dma_wait3A_317 = tpu.memref_squeeze %dma_wait3A_316 : memref<1x2x128xi32, #tpu.memory_space<hbm>> -> memref<2x128xi32, #tpu.memory_space<hbm>>
      %dma_wait3A_318 = arith.constant 0 : i32
      %dma_wait3A_319 = arith.constant 0 : i32
      %dma_wait3A_320 = tpu.memref_slice %arg3[%dma_wait3A_313, %dma_wait3A_318, %dma_wait3A_319] : memref<2496x2x128xi32, #tpu.memory_space<hbm>> -> memref<1x2x128xi32, #tpu.memory_space<hbm>>
      %dma_wait3A_321 = tpu.memref_squeeze %dma_wait3A_320 : memref<1x2x128xi32, #tpu.memory_space<hbm>> -> memref<2x128xi32, #tpu.memory_space<hbm>>
      tpu.wait_dma2 semaphore(%arg13 : memref<!tpu.dma_semaphore, #tpu.memory_space<semaphore_mem>>) src(%dma_wait3A_321 : memref<2x128xi32, #tpu.memory_space<hbm>>) dst(%arg7 : memref<2x128xi32, #tpu.memory_space<vmem>>)
      %dma_start3A_322 = arith.constant 0 : i32
      %dma_start3A_323 = arith.constant 0 : i32
      %dma_start3A_324 = tpu.memref_slice %arg7[%dma_start3A_322, %dma_start3A_323] : memref<2x128xi32, #tpu.memory_space<vmem>> -> memref<1x128xi32, #tpu.memory_space<vmem>>
      %dma_start3A_325 = tpu.memref_squeeze %dma_start3A_324 : memref<1x128xi32, #tpu.memory_space<vmem>> -> memref<128xi32, #tpu.memory_space<vmem>>
      %dma_start3A_326 = arith.constant 0 : i32
      %dma_start3A_327 = arith.constant 0 : i32
      %dma_start3A_328 = tpu.memref_slice %arg2[%dma_start3A_326, %dma_start3A_327] : memref<10000x128xf32, #tpu.memory_space<hbm>> -> memref<10000x128xf32, #tpu.memory_space<hbm>>
      tpu.enqueue_indirect_dma source(%dma_start3A_328 : memref<10000x128xf32, #tpu.memory_space<hbm>>) target(%arg10 : memref<128x128xf32, #tpu.memory_space<vmem>>) offsets(%dma_start3A_325 : memref<128xi32, #tpu.memory_space<vmem>>) semaphore(%arg16 : memref<!tpu.dma_semaphore, #tpu.memory_space<semaphore_mem>>)
      %dma_wait3A_329 = arith.constant 0 : i32
      %dma_wait3A_330 = arith.constant 0 : i32
      %dma_wait3A_331 = tpu.memref_slice %arg9[%dma_wait3A_329, %dma_wait3A_330] : memref<2x128xi32, #tpu.memory_space<vmem>> -> memref<1x128xi32, #tpu.memory_space<vmem>>
      %dma_wait3A_332 = tpu.memref_squeeze %dma_wait3A_331 : memref<1x128xi32, #tpu.memory_space<vmem>> -> memref<128xi32, #tpu.memory_space<vmem>>
      %dma_wait3A_333 = arith.constant 0 : i32
      %dma_wait3A_334 = arith.constant 0 : i32
      %dma_wait3A_335 = tpu.memref_slice %arg2[%dma_wait3A_333, %dma_wait3A_334] : memref<10000x128xf32, #tpu.memory_space<hbm>> -> memref<10000x128xf32, #tpu.memory_space<hbm>>
      tpu.wait_indirect_dma semaphore(%arg18 : memref<!tpu.dma_semaphore, #tpu.memory_space<semaphore_mem>>) src(%dma_wait3A_335 : memref<10000x128xf32, #tpu.memory_space<hbm>>) dst(%arg12 : memref<128x128xf32, #tpu.memory_space<vmem>>)
      %dma_start3A_336 = arith.constant 1 : i32
      %dma_start3A_337 = arith.constant 0 : i32
      %dma_start3A_338 = tpu.memref_slice %arg9[%dma_start3A_336, %dma_start3A_337] : memref<2x128xi32, #tpu.memory_space<vmem>> -> memref<1x128xi32, #tpu.memory_space<vmem>>
      %dma_start3A_339 = tpu.memref_squeeze %dma_start3A_338 : memref<1x128xi32, #tpu.memory_space<vmem>> -> memref<128xi32, #tpu.memory_space<vmem>>
      %dma_start3A_340 = arith.constant 0 : i32
      %dma_start3A_341 = arith.constant 0 : i32
      %dma_start3A_342 = tpu.memref_slice %arg23[%dma_start3A_340, %dma_start3A_341] : memref<10000x128xf32, #tpu.memory_space<vmem_shared>> -> memref<10000x128xf32, #tpu.memory_space<vmem_shared>>
      tpu.enqueue_indirect_dma source(%arg12 : memref<128x128xf32, #tpu.memory_space<vmem>>) target(%dma_start3A_342 : memref<10000x128xf32, #tpu.memory_space<vmem_shared>>) offsets(%dma_start3A_339 : memref<128xi32, #tpu.memory_space<vmem>>) semaphore(%arg21 : memref<!tpu.dma_semaphore, #tpu.memory_space<semaphore_mem>>) {add = true}
      %dma_wait3A_343 = arith.constant 1 : i32
      %dma_wait3A_344 = arith.constant 0 : i32
      %dma_wait3A_345 = tpu.memref_slice %arg8[%dma_wait3A_343, %dma_wait3A_344] : memref<2x128xi32, #tpu.memory_space<vmem>> -> memref<1x128xi32, #tpu.memory_space<vmem>>
      %dma_wait3A_346 = tpu.memref_squeeze %dma_wait3A_345 : memref<1x128xi32, #tpu.memory_space<vmem>> -> memref<128xi32, #tpu.memory_space<vmem>>
      %dma_wait3A_347 = arith.constant 0 : i32
      %dma_wait3A_348 = arith.constant 0 : i32
      %dma_wait3A_349 = tpu.memref_slice %arg23[%dma_wait3A_347, %dma_wait3A_348] : memref<10000x128xf32, #tpu.memory_space<vmem_shared>> -> memref<10000x128xf32, #tpu.memory_space<vmem_shared>>
      tpu.wait_indirect_dma semaphore(%arg20 : memref<!tpu.dma_semaphore, #tpu.memory_space<semaphore_mem>>) src(%arg11 : memref<128x128xf32, #tpu.memory_space<vmem>>) dst(%dma_wait3A_349 : memref<10000x128xf32, #tpu.memory_space<vmem_shared>>)
      %add3A_350 = arith.constant 2 : i32
      %add3A_351 = arith.addi %add3A_312, %add3A_350 : i32
      %add3A_352 = arith.addi %mul3A_2, %add3A_351 : i32
      %dma_start3A_353 = arith.constant 0 : i32
      %dma_start3A_354 = arith.constant 0 : i32
      %dma_start3A_355 = tpu.memref_slice %arg3[%add3A_352, %dma_start3A_353, %dma_start3A_354] : memref<2496x2x128xi32, #tpu.memory_space<hbm>> -> memref<1x2x128xi32, #tpu.memory_space<hbm>>
      %dma_start3A_356 = tpu.memref_squeeze %dma_start3A_355 : memref<1x2x128xi32, #tpu.memory_space<hbm>> -> memref<2x128xi32, #tpu.memory_space<hbm>>
      %dma_start3A_357 = arith.constant 0 : i32
      %dma_start3A_358 = arith.constant 0 : i32
      %dma_start3A_359 = tpu.memref_slice %arg3[%add3A_352, %dma_start3A_357, %dma_start3A_358] : memref<2496x2x128xi32, #tpu.memory_space<hbm>> -> memref<1x2x128xi32, #tpu.memory_space<hbm>>
      %dma_start3A_360 = tpu.memref_squeeze %dma_start3A_359 : memref<1x2x128xi32, #tpu.memory_space<hbm>> -> memref<2x128xi32, #tpu.memory_space<hbm>>
      tpu.enqueue_dma source(%dma_start3A_360 : memref<2x128xi32, #tpu.memory_space<hbm>>) target(%arg8 : memref<2x128xi32, #tpu.memory_space<vmem>>) target_semaphore(%arg14 : memref<!tpu.dma_semaphore, #tpu.memory_space<semaphore_mem>>)
    }
    %scan3A_47 = arith.constant 25 : i32
    %dma_wait3A_48 = arith.constant 0 : i32
    %dma_wait3A_49 = arith.constant 0 : i32
    %dma_wait3A_50 = arith.constant 0 : i32
    %dma_wait3A_51 = tpu.memref_slice %arg3[%dma_wait3A_48, %dma_wait3A_49, %dma_wait3A_50] : memref<2496x2x128xi32, #tpu.memory_space<hbm>> -> memref<1x2x128xi32, #tpu.memory_space<hbm>>
    %dma_wait3A_52 = tpu.memref_squeeze %dma_wait3A_51 : memref<1x2x128xi32, #tpu.memory_space<hbm>> -> memref<2x128xi32, #tpu.memory_space<hbm>>
    %dma_wait3A_53 = arith.constant 0 : i32
    %dma_wait3A_54 = arith.constant 0 : i32
    %dma_wait3A_55 = tpu.memref_slice %arg3[%dma_wait3A_48, %dma_wait3A_53, %dma_wait3A_54] : memref<2496x2x128xi32, #tpu.memory_space<hbm>> -> memref<1x2x128xi32, #tpu.memory_space<hbm>>
    %dma_wait3A_56 = tpu.memref_squeeze %dma_wait3A_55 : memref<1x2x128xi32, #tpu.memory_space<hbm>> -> memref<2x128xi32, #tpu.memory_space<hbm>>
    tpu.wait_dma2 semaphore(%arg14 : memref<!tpu.dma_semaphore, #tpu.memory_space<semaphore_mem>>) src(%dma_wait3A_56 : memref<2x128xi32, #tpu.memory_space<hbm>>) dst(%arg8 : memref<2x128xi32, #tpu.memory_space<vmem>>)
    %dma_start3A_57 = arith.constant 0 : i32
    %dma_start3A_58 = arith.constant 0 : i32
    %dma_start3A_59 = tpu.memref_slice %arg8[%dma_start3A_57, %dma_start3A_58] : memref<2x128xi32, #tpu.memory_space<vmem>> -> memref<1x128xi32, #tpu.memory_space<vmem>>
    %dma_start3A_60 = tpu.memref_squeeze %dma_start3A_59 : memref<1x128xi32, #tpu.memory_space<vmem>> -> memref<128xi32, #tpu.memory_space<vmem>>
    %dma_start3A_61 = arith.constant 0 : i32
    %dma_start3A_62 = arith.constant 0 : i32
    %dma_start3A_63 = tpu.memref_slice %arg2[%dma_start3A_61, %dma_start3A_62] : memref<10000x128xf32, #tpu.memory_space<hbm>> -> memref<10000x128xf32, #tpu.memory_space<hbm>>
    tpu.enqueue_indirect_dma source(%dma_start3A_63 : memref<10000x128xf32, #tpu.memory_space<hbm>>) target(%arg11 : memref<128x128xf32, #tpu.memory_space<vmem>>) offsets(%dma_start3A_60 : memref<128xi32, #tpu.memory_space<vmem>>) semaphore(%arg17 : memref<!tpu.dma_semaphore, #tpu.memory_space<semaphore_mem>>)
    %dma_wait3A_64 = arith.constant 0 : i32
    %dma_wait3A_65 = arith.constant 0 : i32
    %dma_wait3A_66 = tpu.memref_slice %arg7[%dma_wait3A_64, %dma_wait3A_65] : memref<2x128xi32, #tpu.memory_space<vmem>> -> memref<1x128xi32, #tpu.memory_space<vmem>>
    %dma_wait3A_67 = tpu.memref_squeeze %dma_wait3A_66 : memref<1x128xi32, #tpu.memory_space<vmem>> -> memref<128xi32, #tpu.memory_space<vmem>>
    %dma_wait3A_68 = arith.constant 0 : i32
    %dma_wait3A_69 = arith.constant 0 : i32
    %dma_wait3A_70 = tpu.memref_slice %arg2[%dma_wait3A_68, %dma_wait3A_69] : memref<10000x128xf32, #tpu.memory_space<hbm>> -> memref<10000x128xf32, #tpu.memory_space<hbm>>
    tpu.wait_indirect_dma semaphore(%arg16 : memref<!tpu.dma_semaphore, #tpu.memory_space<semaphore_mem>>) src(%dma_wait3A_70 : memref<10000x128xf32, #tpu.memory_space<hbm>>) dst(%arg10 : memref<128x128xf32, #tpu.memory_space<vmem>>)
    %dma_start3A_71 = arith.constant 1 : i32
    %dma_start3A_72 = arith.constant 0 : i32
    %dma_start3A_73 = tpu.memref_slice %arg7[%dma_start3A_71, %dma_start3A_72] : memref<2x128xi32, #tpu.memory_space<vmem>> -> memref<1x128xi32, #tpu.memory_space<vmem>>
    %dma_start3A_74 = tpu.memref_squeeze %dma_start3A_73 : memref<1x128xi32, #tpu.memory_space<vmem>> -> memref<128xi32, #tpu.memory_space<vmem>>
    %dma_start3A_75 = arith.constant 0 : i32
    %dma_start3A_76 = arith.constant 0 : i32
    %dma_start3A_77 = tpu.memref_slice %arg23[%dma_start3A_75, %dma_start3A_76] : memref<10000x128xf32, #tpu.memory_space<vmem_shared>> -> memref<10000x128xf32, #tpu.memory_space<vmem_shared>>
    tpu.enqueue_indirect_dma source(%arg10 : memref<128x128xf32, #tpu.memory_space<vmem>>) target(%dma_start3A_77 : memref<10000x128xf32, #tpu.memory_space<vmem_shared>>) offsets(%dma_start3A_74 : memref<128xi32, #tpu.memory_space<vmem>>) semaphore(%arg19 : memref<!tpu.dma_semaphore, #tpu.memory_space<semaphore_mem>>) {add = true}
    %dma_wait3A_78 = arith.constant 1 : i32
    %dma_wait3A_79 = arith.constant 0 : i32
    %dma_wait3A_80 = tpu.memref_slice %arg9[%dma_wait3A_78, %dma_wait3A_79] : memref<2x128xi32, #tpu.memory_space<vmem>> -> memref<1x128xi32, #tpu.memory_space<vmem>>
    %dma_wait3A_81 = tpu.memref_squeeze %dma_wait3A_80 : memref<1x128xi32, #tpu.memory_space<vmem>> -> memref<128xi32, #tpu.memory_space<vmem>>
    %dma_wait3A_82 = arith.constant 0 : i32
    %dma_wait3A_83 = arith.constant 0 : i32
    %dma_wait3A_84 = tpu.memref_slice %arg23[%dma_wait3A_82, %dma_wait3A_83] : memref<10000x128xf32, #tpu.memory_space<vmem_shared>> -> memref<10000x128xf32, #tpu.memory_space<vmem_shared>>
    tpu.wait_indirect_dma semaphore(%arg21 : memref<!tpu.dma_semaphore, #tpu.memory_space<semaphore_mem>>) src(%arg12 : memref<128x128xf32, #tpu.memory_space<vmem>>) dst(%dma_wait3A_84 : memref<10000x128xf32, #tpu.memory_space<vmem_shared>>)
    %add3A_85 = arith.constant 77 : i32
    %add3A_86 = arith.addi %mul3A_2, %add3A_85 : i32
    %dma_start3A_87 = arith.constant 0 : i32
    %dma_start3A_88 = arith.constant 0 : i32
    %dma_start3A_89 = tpu.memref_slice %arg3[%add3A_86, %dma_start3A_87, %dma_start3A_88] : memref<2496x2x128xi32, #tpu.memory_space<hbm>> -> memref<1x2x128xi32, #tpu.memory_space<hbm>>
    %dma_start3A_90 = tpu.memref_squeeze %dma_start3A_89 : memref<1x2x128xi32, #tpu.memory_space<hbm>> -> memref<2x128xi32, #tpu.memory_space<hbm>>
    %dma_start3A_91 = arith.constant 0 : i32
    %dma_start3A_92 = arith.constant 0 : i32
    %dma_start3A_93 = tpu.memref_slice %arg3[%add3A_86, %dma_start3A_91, %dma_start3A_92] : memref<2496x2x128xi32, #tpu.memory_space<hbm>> -> memref<1x2x128xi32, #tpu.memory_space<hbm>>
    %dma_start3A_94 = tpu.memref_squeeze %dma_start3A_93 : memref<1x2x128xi32, #tpu.memory_space<hbm>> -> memref<2x128xi32, #tpu.memory_space<hbm>>
    tpu.enqueue_dma source(%dma_start3A_94 : memref<2x128xi32, #tpu.memory_space<hbm>>) target(%arg9 : memref<2x128xi32, #tpu.memory_space<vmem>>) target_semaphore(%arg15 : memref<!tpu.dma_semaphore, #tpu.memory_space<semaphore_mem>>)
    %dma_wait3A_95 = arith.constant 0 : i32
    %dma_wait3A_96 = arith.constant 0 : i32
    %dma_wait3A_97 = arith.constant 0 : i32
    %dma_wait3A_98 = tpu.memref_slice %arg3[%dma_wait3A_95, %dma_wait3A_96, %dma_wait3A_97] : memref<2496x2x128xi32, #tpu.memory_space<hbm>> -> memref<1x2x128xi32, #tpu.memory_space<hbm>>
    %dma_wait3A_99 = tpu.memref_squeeze %dma_wait3A_98 : memref<1x2x128xi32, #tpu.memory_space<hbm>> -> memref<2x128xi32, #tpu.memory_space<hbm>>
    %dma_wait3A_100 = arith.constant 0 : i32
    %dma_wait3A_101 = arith.constant 0 : i32
    %dma_wait3A_102 = tpu.memref_slice %arg3[%dma_wait3A_95, %dma_wait3A_100, %dma_wait3A_101] : memref<2496x2x128xi32, #tpu.memory_space<hbm>> -> memref<1x2x128xi32, #tpu.memory_space<hbm>>
    %dma_wait3A_103 = tpu.memref_squeeze %dma_wait3A_102 : memref<1x2x128xi32, #tpu.memory_space<hbm>> -> memref<2x128xi32, #tpu.memory_space<hbm>>
    tpu.wait_dma2 semaphore(%arg15 : memref<!tpu.dma_semaphore, #tpu.memory_space<semaphore_mem>>) src(%dma_wait3A_103 : memref<2x128xi32, #tpu.memory_space<hbm>>) dst(%arg9 : memref<2x128xi32, #tpu.memory_space<vmem>>)
    %dma_start3A_104 = arith.constant 0 : i32
    %dma_start3A_105 = arith.constant 0 : i32
    %dma_start3A_106 = tpu.memref_slice %arg9[%dma_start3A_104, %dma_start3A_105] : memref<2x128xi32, #tpu.memory_space<vmem>> -> memref<1x128xi32, #tpu.memory_space<vmem>>
    %dma_start3A_107 = tpu.memref_squeeze %dma_start3A_106 : memref<1x128xi32, #tpu.memory_space<vmem>> -> memref<128xi32, #tpu.memory_space<vmem>>
    %dma_start3A_108 = arith.constant 0 : i32
    %dma_start3A_109 = arith.constant 0 : i32
    %dma_start3A_110 = tpu.memref_slice %arg2[%dma_start3A_108, %dma_start3A_109] : memref<10000x128xf32, #tpu.memory_space<hbm>> -> memref<10000x128xf32, #tpu.memory_space<hbm>>
    tpu.enqueue_indirect_dma source(%dma_start3A_110 : memref<10000x128xf32, #tpu.memory_space<hbm>>) target(%arg12 : memref<128x128xf32, #tpu.memory_space<vmem>>) offsets(%dma_start3A_107 : memref<128xi32, #tpu.memory_space<vmem>>) semaphore(%arg18 : memref<!tpu.dma_semaphore, #tpu.memory_space<semaphore_mem>>)
    %dma_wait3A_111 = arith.constant 0 : i32
    %dma_wait3A_112 = arith.constant 0 : i32
    %dma_wait3A_113 = tpu.memref_slice %arg8[%dma_wait3A_111, %dma_wait3A_112] : memref<2x128xi32, #tpu.memory_space<vmem>> -> memref<1x128xi32, #tpu.memory_space<vmem>>
    %dma_wait3A_114 = tpu.memref_squeeze %dma_wait3A_113 : memref<1x128xi32, #tpu.memory_space<vmem>> -> memref<128xi32, #tpu.memory_space<vmem>>
    %dma_wait3A_115 = arith.constant 0 : i32
    %dma_wait3A_116 = arith.constant 0 : i32
    %dma_wait3A_117 = tpu.memref_slice %arg2[%dma_wait3A_115, %dma_wait3A_116] : memref<10000x128xf32, #tpu.memory_space<hbm>> -> memref<10000x128xf32, #tpu.memory_space<hbm>>
    tpu.wait_indirect_dma semaphore(%arg17 : memref<!tpu.dma_semaphore, #tpu.memory_space<semaphore_mem>>) src(%dma_wait3A_117 : memref<10000x128xf32, #tpu.memory_space<hbm>>) dst(%arg11 : memref<128x128xf32, #tpu.memory_space<vmem>>)
    %dma_start3A_118 = arith.constant 1 : i32
    %dma_start3A_119 = arith.constant 0 : i32
    %dma_start3A_120 = tpu.memref_slice %arg8[%dma_start3A_118, %dma_start3A_119] : memref<2x128xi32, #tpu.memory_space<vmem>> -> memref<1x128xi32, #tpu.memory_space<vmem>>
    %dma_start3A_121 = tpu.memref_squeeze %dma_start3A_120 : memref<1x128xi32, #tpu.memory_space<vmem>> -> memref<128xi32, #tpu.memory_space<vmem>>
    %dma_start3A_122 = arith.constant 0 : i32
    %dma_start3A_123 = arith.constant 0 : i32
    %dma_start3A_124 = tpu.memref_slice %arg23[%dma_start3A_122, %dma_start3A_123] : memref<10000x128xf32, #tpu.memory_space<vmem_shared>> -> memref<10000x128xf32, #tpu.memory_space<vmem_shared>>
    tpu.enqueue_indirect_dma source(%arg11 : memref<128x128xf32, #tpu.memory_space<vmem>>) target(%dma_start3A_124 : memref<10000x128xf32, #tpu.memory_space<vmem_shared>>) offsets(%dma_start3A_121 : memref<128xi32, #tpu.memory_space<vmem>>) semaphore(%arg20 : memref<!tpu.dma_semaphore, #tpu.memory_space<semaphore_mem>>) {add = true}
    %dma_wait3A_125 = arith.constant 0 : i32
    %dma_wait3A_126 = arith.constant 0 : i32
    %dma_wait3A_127 = tpu.memref_slice %arg9[%dma_wait3A_125, %dma_wait3A_126] : memref<2x128xi32, #tpu.memory_space<vmem>> -> memref<1x128xi32, #tpu.memory_space<vmem>>
    %dma_wait3A_128 = tpu.memref_squeeze %dma_wait3A_127 : memref<1x128xi32, #tpu.memory_space<vmem>> -> memref<128xi32, #tpu.memory_space<vmem>>
    %dma_wait3A_129 = arith.constant 0 : i32
    %dma_wait3A_130 = arith.constant 0 : i32
    %dma_wait3A_131 = tpu.memref_slice %arg2[%dma_wait3A_129, %dma_wait3A_130] : memref<10000x128xf32, #tpu.memory_space<hbm>> -> memref<10000x128xf32, #tpu.memory_space<hbm>>
    tpu.wait_indirect_dma semaphore(%arg18 : memref<!tpu.dma_semaphore, #tpu.memory_space<semaphore_mem>>) src(%dma_wait3A_131 : memref<10000x128xf32, #tpu.memory_space<hbm>>) dst(%arg12 : memref<128x128xf32, #tpu.memory_space<vmem>>)
    %dma_start3A_132 = arith.constant 1 : i32
    %dma_start3A_133 = arith.constant 0 : i32
    %dma_start3A_134 = tpu.memref_slice %arg9[%dma_start3A_132, %dma_start3A_133] : memref<2x128xi32, #tpu.memory_space<vmem>> -> memref<1x128xi32, #tpu.memory_space<vmem>>
    %dma_start3A_135 = tpu.memref_squeeze %dma_start3A_134 : memref<1x128xi32, #tpu.memory_space<vmem>> -> memref<128xi32, #tpu.memory_space<vmem>>
    %dma_start3A_136 = arith.constant 0 : i32
    %dma_start3A_137 = arith.constant 0 : i32
    %dma_start3A_138 = tpu.memref_slice %arg23[%dma_start3A_136, %dma_start3A_137] : memref<10000x128xf32, #tpu.memory_space<vmem_shared>> -> memref<10000x128xf32, #tpu.memory_space<vmem_shared>>
    tpu.enqueue_indirect_dma source(%arg12 : memref<128x128xf32, #tpu.memory_space<vmem>>) target(%dma_start3A_138 : memref<10000x128xf32, #tpu.memory_space<vmem_shared>>) offsets(%dma_start3A_135 : memref<128xi32, #tpu.memory_space<vmem>>) semaphore(%arg21 : memref<!tpu.dma_semaphore, #tpu.memory_space<semaphore_mem>>) {add = true}
    %dma_wait3A_139 = arith.constant 1 : i32
    %dma_wait3A_140 = arith.constant 0 : i32
    %dma_wait3A_141 = tpu.memref_slice %arg7[%dma_wait3A_139, %dma_wait3A_140] : memref<2x128xi32, #tpu.memory_space<vmem>> -> memref<1x128xi32, #tpu.memory_space<vmem>>
    %dma_wait3A_142 = tpu.memref_squeeze %dma_wait3A_141 : memref<1x128xi32, #tpu.memory_space<vmem>> -> memref<128xi32, #tpu.memory_space<vmem>>
    %dma_wait3A_143 = arith.constant 0 : i32
    %dma_wait3A_144 = arith.constant 0 : i32
    %dma_wait3A_145 = tpu.memref_slice %arg23[%dma_wait3A_143, %dma_wait3A_144] : memref<10000x128xf32, #tpu.memory_space<vmem_shared>> -> memref<10000x128xf32, #tpu.memory_space<vmem_shared>>
    tpu.wait_indirect_dma semaphore(%arg19 : memref<!tpu.dma_semaphore, #tpu.memory_space<semaphore_mem>>) src(%arg10 : memref<128x128xf32, #tpu.memory_space<vmem>>) dst(%dma_wait3A_145 : memref<10000x128xf32, #tpu.memory_space<vmem_shared>>)
    %dma_wait3A_146 = arith.constant 1 : i32
    %dma_wait3A_147 = arith.constant 0 : i32
    %dma_wait3A_148 = tpu.memref_slice %arg8[%dma_wait3A_146, %dma_wait3A_147] : memref<2x128xi32, #tpu.memory_space<vmem>> -> memref<1x128xi32, #tpu.memory_space<vmem>>
    %dma_wait3A_149 = tpu.memref_squeeze %dma_wait3A_148 : memref<1x128xi32, #tpu.memory_space<vmem>> -> memref<128xi32, #tpu.memory_space<vmem>>
    %dma_wait3A_150 = arith.constant 0 : i32
    %dma_wait3A_151 = arith.constant 0 : i32
    %dma_wait3A_152 = tpu.memref_slice %arg23[%dma_wait3A_150, %dma_wait3A_151] : memref<10000x128xf32, #tpu.memory_space<vmem_shared>> -> memref<10000x128xf32, #tpu.memory_space<vmem_shared>>
    tpu.wait_indirect_dma semaphore(%arg20 : memref<!tpu.dma_semaphore, #tpu.memory_space<semaphore_mem>>) src(%arg11 : memref<128x128xf32, #tpu.memory_space<vmem>>) dst(%dma_wait3A_152 : memref<10000x128xf32, #tpu.memory_space<vmem_shared>>)
    %dma_wait3A_153 = arith.constant 1 : i32
    %dma_wait3A_154 = arith.constant 0 : i32
    %dma_wait3A_155 = tpu.memref_slice %arg9[%dma_wait3A_153, %dma_wait3A_154] : memref<2x128xi32, #tpu.memory_space<vmem>> -> memref<1x128xi32, #tpu.memory_space<vmem>>
    %dma_wait3A_156 = tpu.memref_squeeze %dma_wait3A_155 : memref<1x128xi32, #tpu.memory_space<vmem>> -> memref<128xi32, #tpu.memory_space<vmem>>
    %dma_wait3A_157 = arith.constant 0 : i32
    %dma_wait3A_158 = arith.constant 0 : i32
    %dma_wait3A_159 = tpu.memref_slice %arg23[%dma_wait3A_157, %dma_wait3A_158] : memref<10000x128xf32, #tpu.memory_space<vmem_shared>> -> memref<10000x128xf32, #tpu.memory_space<vmem_shared>>
    tpu.wait_indirect_dma semaphore(%arg21 : memref<!tpu.dma_semaphore, #tpu.memory_space<semaphore_mem>>) src(%arg12 : memref<128x128xf32, #tpu.memory_space<vmem>>) dst(%dma_wait3A_159 : memref<10000x128xf32, #tpu.memory_space<vmem_shared>>)
    %dma_start3A_160 = arith.constant 0 : i32
    %dma_start3A_161 = arith.constant 0 : i32
    %dma_start3A_162 = tpu.memref_slice %arg4[%add3A, %dma_start3A_160, %dma_start3A_161] : memref<32x2x16xi32, #tpu.memory_space<hbm>> -> memref<1x2x16xi32, #tpu.memory_space<hbm>>
    %dma_start3A_163 = tpu.memref_squeeze %dma_start3A_162 : memref<1x2x16xi32, #tpu.memory_space<hbm>> -> memref<2x16xi32, #tpu.memory_space<hbm>>
    %dma_start3A_164 = arith.constant 0 : i32
    %dma_start3A_165 = arith.constant 0 : i32
    %dma_start3A_166 = tpu.memref_slice %arg4[%add3A, %dma_start3A_164, %dma_start3A_165] : memref<32x2x16xi32, #tpu.memory_space<hbm>> -> memref<1x2x16xi32, #tpu.memory_space<hbm>>
    %dma_start3A_167 = tpu.memref_squeeze %dma_start3A_166 : memref<1x2x16xi32, #tpu.memory_space<hbm>> -> memref<2x16xi32, #tpu.memory_space<hbm>>
    tpu.enqueue_dma source(%dma_start3A_167 : memref<2x16xi32, #tpu.memory_space<hbm>>) target(%arg22 : memref<2x16xi32, #tpu.memory_space<vmem>>) target_semaphore(%arg13 : memref<!tpu.dma_semaphore, #tpu.memory_space<semaphore_mem>>)
    %dma_wait3A_168 = arith.constant 0 : i32
    %dma_wait3A_169 = arith.constant 0 : i32
    %dma_wait3A_170 = arith.constant 0 : i32
    %dma_wait3A_171 = tpu.memref_slice %arg4[%dma_wait3A_168, %dma_wait3A_169, %dma_wait3A_170] : memref<32x2x16xi32, #tpu.memory_space<hbm>> -> memref<1x2x16xi32, #tpu.memory_space<hbm>>
    %dma_wait3A_172 = tpu.memref_squeeze %dma_wait3A_171 : memref<1x2x16xi32, #tpu.memory_space<hbm>> -> memref<2x16xi32, #tpu.memory_space<hbm>>
    %dma_wait3A_173 = arith.constant 0 : i32
    %dma_wait3A_174 = arith.constant 0 : i32
    %dma_wait3A_175 = tpu.memref_slice %arg4[%dma_wait3A_168, %dma_wait3A_173, %dma_wait3A_174] : memref<32x2x16xi32, #tpu.memory_space<hbm>> -> memref<1x2x16xi32, #tpu.memory_space<hbm>>
    %dma_wait3A_176 = tpu.memref_squeeze %dma_wait3A_175 : memref<1x2x16xi32, #tpu.memory_space<hbm>> -> memref<2x16xi32, #tpu.memory_space<hbm>>
    tpu.wait_dma2 semaphore(%arg13 : memref<!tpu.dma_semaphore, #tpu.memory_space<semaphore_mem>>) src(%dma_wait3A_176 : memref<2x16xi32, #tpu.memory_space<hbm>>) dst(%arg22 : memref<2x16xi32, #tpu.memory_space<vmem>>)
    %dma_start3A_177 = arith.constant 0 : i32
    %dma_start3A_178 = arith.constant 0 : i32
    %dma_start3A_179 = arith.constant 0 : i32
    %dma_start3A_180 = tpu.memref_slice %arg10[%dma_start3A_178, %dma_start3A_179] : memref<128x128xf32, #tpu.memory_space<vmem>> -> memref<16x128xf32, #tpu.memory_space<vmem>>
    %dma_start3A_181 = arith.constant 0 : i32
    %dma_start3A_182 = tpu.memref_slice %arg22[%dma_start3A_177, %dma_start3A_181] : memref<2x16xi32, #tpu.memory_space<vmem>> -> memref<1x16xi32, #tpu.memory_space<vmem>>
    %dma_start3A_183 = tpu.memref_squeeze %dma_start3A_182 : memref<1x16xi32, #tpu.memory_space<vmem>> -> memref<16xi32, #tpu.memory_space<vmem>>
    %dma_start3A_184 = arith.constant 0 : i32
    %dma_start3A_185 = arith.constant 0 : i32
    %dma_start3A_186 = tpu.memref_slice %arg2[%dma_start3A_184, %dma_start3A_185] : memref<10000x128xf32, #tpu.memory_space<hbm>> -> memref<10000x128xf32, #tpu.memory_space<hbm>>
    tpu.enqueue_indirect_dma source(%dma_start3A_186 : memref<10000x128xf32, #tpu.memory_space<hbm>>) target(%dma_start3A_180 : memref<16x128xf32, #tpu.memory_space<vmem>>) offsets(%dma_start3A_183 : memref<16xi32, #tpu.memory_space<vmem>>) semaphore(%arg16 : memref<!tpu.dma_semaphore, #tpu.memory_space<semaphore_mem>>)
    %dma_wait3A_187 = arith.constant 0 : i32
    %dma_wait3A_188 = arith.constant 0 : i32
    %dma_wait3A_189 = arith.constant 0 : i32
    %dma_wait3A_190 = tpu.memref_slice %arg10[%dma_wait3A_188, %dma_wait3A_189] : memref<128x128xf32, #tpu.memory_space<vmem>> -> memref<16x128xf32, #tpu.memory_space<vmem>>
    %dma_wait3A_191 = arith.constant 0 : i32
    %dma_wait3A_192 = tpu.memref_slice %arg22[%dma_wait3A_187, %dma_wait3A_191] : memref<2x16xi32, #tpu.memory_space<vmem>> -> memref<1x16xi32, #tpu.memory_space<vmem>>
    %dma_wait3A_193 = tpu.memref_squeeze %dma_wait3A_192 : memref<1x16xi32, #tpu.memory_space<vmem>> -> memref<16xi32, #tpu.memory_space<vmem>>
    %dma_wait3A_194 = arith.constant 0 : i32
    %dma_wait3A_195 = arith.constant 0 : i32
    %dma_wait3A_196 = tpu.memref_slice %arg2[%dma_wait3A_194, %dma_wait3A_195] : memref<10000x128xf32, #tpu.memory_space<hbm>> -> memref<10000x128xf32, #tpu.memory_space<hbm>>
    tpu.wait_indirect_dma semaphore(%arg16 : memref<!tpu.dma_semaphore, #tpu.memory_space<semaphore_mem>>) src(%dma_wait3A_196 : memref<10000x128xf32, #tpu.memory_space<hbm>>) dst(%dma_wait3A_190 : memref<16x128xf32, #tpu.memory_space<vmem>>)
    %run_scoped3A = arith.constant 1 : i32
    "tpu.region"() ({
      %run_scoped3A_207 = tpu.sem_alloc : memref<!tpu.dma_semaphore, #tpu.memory_space<semaphore_mem>>
      %dma_start3A_208 = arith.constant 0 : i32
      %dma_start3A_209 = arith.constant 0 : i32
      %dma_start3A_210 = tpu.memref_slice %arg10[%dma_start3A_208, %dma_start3A_209] : memref<128x128xf32, #tpu.memory_space<vmem>> -> memref<16x128xf32, #tpu.memory_space<vmem>>
      %dma_start3A_211 = arith.constant 0 : i32
      %dma_start3A_212 = tpu.memref_slice %arg22[%run_scoped3A, %dma_start3A_211] : memref<2x16xi32, #tpu.memory_space<vmem>> -> memref<1x16xi32, #tpu.memory_space<vmem>>
      %dma_start3A_213 = tpu.memref_squeeze %dma_start3A_212 : memref<1x16xi32, #tpu.memory_space<vmem>> -> memref<16xi32, #tpu.memory_space<vmem>>
      %dma_start3A_214 = arith.constant 0 : i32
      %dma_start3A_215 = arith.constant 0 : i32
      %dma_start3A_216 = tpu.memref_slice %arg23[%dma_start3A_214, %dma_start3A_215] : memref<10000x128xf32, #tpu.memory_space<vmem_shared>> -> memref<10000x128xf32, #tpu.memory_space<vmem_shared>>
      tpu.enqueue_indirect_dma source(%dma_start3A_210 : memref<16x128xf32, #tpu.memory_space<vmem>>) target(%dma_start3A_216 : memref<10000x128xf32, #tpu.memory_space<vmem_shared>>) offsets(%dma_start3A_213 : memref<16xi32, #tpu.memory_space<vmem>>) semaphore(%run_scoped3A_207 : memref<!tpu.dma_semaphore, #tpu.memory_space<semaphore_mem>>) {add = true}
      %dma_wait3A_217 = arith.constant 0 : i32
      %dma_wait3A_218 = arith.constant 0 : i32
      %dma_wait3A_219 = tpu.memref_slice %arg10[%dma_wait3A_217, %dma_wait3A_218] : memref<128x128xf32, #tpu.memory_space<vmem>> -> memref<16x128xf32, #tpu.memory_space<vmem>>
      %dma_wait3A_220 = arith.constant 0 : i32
      %dma_wait3A_221 = tpu.memref_slice %arg22[%run_scoped3A, %dma_wait3A_220] : memref<2x16xi32, #tpu.memory_space<vmem>> -> memref<1x16xi32, #tpu.memory_space<vmem>>
      %dma_wait3A_222 = tpu.memref_squeeze %dma_wait3A_221 : memref<1x16xi32, #tpu.memory_space<vmem>> -> memref<16xi32, #tpu.memory_space<vmem>>
      %dma_wait3A_223 = arith.constant 0 : i32
      %dma_wait3A_224 = arith.constant 0 : i32
      %dma_wait3A_225 = tpu.memref_slice %arg23[%dma_wait3A_223, %dma_wait3A_224] : memref<10000x128xf32, #tpu.memory_space<vmem_shared>> -> memref<10000x128xf32, #tpu.memory_space<vmem_shared>>
      tpu.wait_indirect_dma semaphore(%run_scoped3A_207 : memref<!tpu.dma_semaphore, #tpu.memory_space<semaphore_mem>>) src(%dma_wait3A_219 : memref<16x128xf32, #tpu.memory_space<vmem>>) dst(%dma_wait3A_225 : memref<10000x128xf32, #tpu.memory_space<vmem_shared>>)
      tpu.yield
    }) : () -> ()
    %barrier3A_197 = arith.constant 0 : index
    tpu.barrier barrier_id(%barrier3A_197)
    %mul3A_198 = arith.constant 624 : i32
    %mul3A_199 = arith.muli %arg1, %mul3A_198 : i32
    %mul3A_200 = arith.constant 624 : i32
    %mul3A_201 = arith.muli %arg1, %mul3A_200 : i32
    "tpu.region"() ({
      %run_scoped3A_207 = tpu.sem_alloc : memref<!tpu.dma_semaphore, #tpu.memory_space<semaphore_mem>>
      %dma_start3A_208 = arith.constant 0 : i32
      %dma_start3A_209 = tpu.memref_slice %arg6[%arg0, %mul3A_201, %dma_start3A_208] : memref<2x10000x128xf32, #tpu.memory_space<hbm>> -> memref<1x624x128xf32, #tpu.memory_space<hbm>>
      %dma_start3A_210 = tpu.memref_squeeze %dma_start3A_209 : memref<1x624x128xf32, #tpu.memory_space<hbm>> -> memref<624x128xf32, #tpu.memory_space<hbm>>
      %dma_start3A_211 = arith.constant 0 : i32
      %dma_start3A_212 = tpu.memref_slice %arg23[%mul3A_199, %dma_start3A_211] : memref<10000x128xf32, #tpu.memory_space<vmem_shared>> -> memref<624x128xf32, #tpu.memory_space<vmem_shared>>
      tpu.enqueue_dma source(%dma_start3A_212 : memref<624x128xf32, #tpu.memory_space<vmem_shared>>) target(%dma_start3A_210 : memref<624x128xf32, #tpu.memory_space<hbm>>) target_semaphore(%run_scoped3A_207 : memref<!tpu.dma_semaphore, #tpu.memory_space<semaphore_mem>>)
      %dma_wait3A_213 = arith.constant 0 : i32
      %dma_wait3A_214 = tpu.memref_slice %arg6[%arg0, %mul3A_201, %dma_wait3A_213] : memref<2x10000x128xf32, #tpu.memory_space<hbm>> -> memref<1x624x128xf32, #tpu.memory_space<hbm>>
      %dma_wait3A_215 = tpu.memref_squeeze %dma_wait3A_214 : memref<1x624x128xf32, #tpu.memory_space<hbm>> -> memref<624x128xf32, #tpu.memory_space<hbm>>
      %dma_wait3A_216 = arith.constant 0 : i32
      %dma_wait3A_217 = tpu.memref_slice %arg23[%mul3A_199, %dma_wait3A_216] : memref<10000x128xf32, #tpu.memory_space<vmem_shared>> -> memref<624x128xf32, #tpu.memory_space<vmem_shared>>
      tpu.wait_dma2 semaphore(%run_scoped3A_207 : memref<!tpu.dma_semaphore, #tpu.memory_space<semaphore_mem>>) src(%dma_wait3A_217 : memref<624x128xf32, #tpu.memory_space<vmem_shared>>) dst(%dma_wait3A_215 : memref<624x128xf32, #tpu.memory_space<hbm>>)
      tpu.yield
    }) : () -> ()
    %eq3A_202 = arith.constant 0 : i32
    %eq3A_203 = arith.cmpi eq, %arg1, %eq3A_202 : i32
    %convert_element_type3A_204 = arith.extui %eq3A_203 : i1 to i32
    %cond3A_205 = arith.constant 0 : i32
    %cond3A_206 = arith.cmpi ne, %convert_element_type3A_204, %cond3A_205 : i32
    scf.if %cond3A_206 {
      "tpu.region"() ({
        %run_scoped3A_207 = tpu.sem_alloc : memref<!tpu.dma_semaphore, #tpu.memory_space<semaphore_mem>>
        %dma_start3A_208 = arith.constant 9984 : i32
        %dma_start3A_209 = arith.constant 0 : i32
        %dma_start3A_210 = tpu.memref_slice %arg6[%arg0, %dma_start3A_208, %dma_start3A_209] : memref<2x10000x128xf32, #tpu.memory_space<hbm>> -> memref<1x16x128xf32, #tpu.memory_space<hbm>>
        %dma_start3A_211 = tpu.memref_squeeze %dma_start3A_210 : memref<1x16x128xf32, #tpu.memory_space<hbm>> -> memref<16x128xf32, #tpu.memory_space<hbm>>
        %dma_start3A_212 = arith.constant 9984 : i32
        %dma_start3A_213 = arith.constant 0 : i32
        %dma_start3A_214 = tpu.memref_slice %arg23[%dma_start3A_212, %dma_start3A_213] : memref<10000x128xf32, #tpu.memory_space<vmem_shared>> -> memref<16x128xf32, #tpu.memory_space<vmem_shared>>
        tpu.enqueue_dma source(%dma_start3A_214 : memref<16x128xf32, #tpu.memory_space<vmem_shared>>) target(%dma_start3A_211 : memref<16x128xf32, #tpu.memory_space<hbm>>) target_semaphore(%run_scoped3A_207 : memref<!tpu.dma_semaphore, #tpu.memory_space<semaphore_mem>>)
        %dma_wait3A_215 = arith.constant 9984 : i32
        %dma_wait3A_216 = arith.constant 0 : i32
        %dma_wait3A_217 = tpu.memref_slice %arg6[%arg0, %dma_wait3A_215, %dma_wait3A_216] : memref<2x10000x128xf32, #tpu.memory_space<hbm>> -> memref<1x16x128xf32, #tpu.memory_space<hbm>>
        %dma_wait3A_218 = tpu.memref_squeeze %dma_wait3A_217 : memref<1x16x128xf32, #tpu.memory_space<hbm>> -> memref<16x128xf32, #tpu.memory_space<hbm>>
        %dma_wait3A_219 = arith.constant 9984 : i32
        %dma_wait3A_220 = arith.constant 0 : i32
        %dma_wait3A_221 = tpu.memref_slice %arg23[%dma_wait3A_219, %dma_wait3A_220] : memref<10000x128xf32, #tpu.memory_space<vmem_shared>> -> memref<16x128xf32, #tpu.memory_space<vmem_shared>>
        tpu.wait_dma2 semaphore(%run_scoped3A_207 : memref<!tpu.dma_semaphore, #tpu.memory_space<semaphore_mem>>) src(%dma_wait3A_221 : memref<16x128xf32, #tpu.memory_space<vmem_shared>>) dst(%dma_wait3A_218 : memref<16x128xf32, #tpu.memory_space<hbm>>)
        tpu.yield
      }) : () -> ()
    } else {
    }
    return
  }
}

#map = affine_map<(d0, d1) -> (0, 0)>
#map1 = affine_map<(d0, d1) -> (0, 0, 0)>
module attributes {stable_mosaic.version = 14 : i64} {
  func.func @_sc_agg_body(%arg0: i32, %arg1: i32, %arg2: memref<10000x128xf32, #tpu.memory_space<hbm>>, %arg3: memref<2496x2x128xi32, #tpu.memory_space<hbm>>, %arg4: memref<32x2x16xi32, #tpu.memory_space<hbm>>, %arg5: memref<10000x128xf32, #tpu.memory_space<hbm>>, %arg6: memref<2x10000x128xf32, #tpu.memory_space<hbm>>, %arg7: memref<2x128xi32, #tpu.memory_space<vmem>>, %arg8: memref<2x128xi32, #tpu.memory_space<vmem>>, %arg9: memref<2x128xi32, #tpu.memory_space<vmem>>, %arg10: memref<128x128xf32, #tpu.memory_space<vmem>>, %arg11: memref<128x128xf32, #tpu.memory_space<vmem>>, %arg12: memref<128x128xf32, #tpu.memory_space<vmem>>, %arg13: memref<!tpu.dma_semaphore, #tpu.memory_space<semaphore_mem>>, %arg14: memref<!tpu.dma_semaphore, #tpu.memory_space<semaphore_mem>>, %arg15: memref<!tpu.dma_semaphore, #tpu.memory_space<semaphore_mem>>, %arg16: memref<!tpu.dma_semaphore, #tpu.memory_space<semaphore_mem>>, %arg17: memref<!tpu.dma_semaphore, #tpu.memory_space<semaphore_mem>>, %arg18: memref<!tpu.dma_semaphore, #tpu.memory_space<semaphore_mem>>, %arg19: memref<!tpu.dma_semaphore, #tpu.memory_space<semaphore_mem>>, %arg20: memref<!tpu.dma_semaphore, #tpu.memory_space<semaphore_mem>>, %arg21: memref<!tpu.dma_semaphore, #tpu.memory_space<semaphore_mem>>, %arg22: memref<2x16xi32, #tpu.memory_space<vmem>>, %arg23: memref<10000x128xf32, #tpu.memory_space<vmem_shared>>) attributes {dimension_semantics = [#tpu.dimension_semantics<core_parallel>, #tpu.dimension_semantics<subcore_parallel>], iteration_bounds = array<i64: 2, 16>, scalar_prefetch = 0 : i64, scratch_operands = 17 : i64, tpu.core_type = #tpu.core_type<sc_vector_subcore>, window_params = [{transform_indices = #map}, {transform_indices = #map1}, {transform_indices = #map1}, {transform_indices = #map}, {transform_indices = #map1}]} {
    %mul3A = arith.constant 2 : i32
    %mul3A_0 = arith.muli %arg1, %mul3A : i32
    %add3A = arith.addi %mul3A_0, %arg0 : i32
    %mul3A_1 = arith.constant 78 : i32
    %mul3A_2 = arith.muli %add3A, %mul3A_1 : i32
    %add3A_3 = arith.constant 0 : i32
    %add3A_4 = arith.addi %mul3A_2, %add3A_3 : i32
    %dma_start3A = arith.constant 0 : i32
    %dma_start3A_5 = arith.constant 0 : i32
    %dma_start3A_6 = tpu.memref_slice %arg3[%add3A_4, %dma_start3A, %dma_start3A_5] : memref<2496x2x128xi32, #tpu.memory_space<hbm>> -> memref<1x2x128xi32, #tpu.memory_space<hbm>>
    %dma_start3A_7 = tpu.memref_squeeze %dma_start3A_6 : memref<1x2x128xi32, #tpu.memory_space<hbm>> -> memref<2x128xi32, #tpu.memory_space<hbm>>
    %dma_start3A_8 = arith.constant 0 : i32
    %dma_start3A_9 = arith.constant 0 : i32
    %dma_start3A_10 = tpu.memref_slice %arg3[%add3A_4, %dma_start3A_8, %dma_start3A_9] : memref<2496x2x128xi32, #tpu.memory_space<hbm>> -> memref<1x2x128xi32, #tpu.memory_space<hbm>>
    %dma_start3A_11 = tpu.memref_squeeze %dma_start3A_10 : memref<1x2x128xi32, #tpu.memory_space<hbm>> -> memref<2x128xi32, #tpu.memory_space<hbm>>
    tpu.enqueue_dma source(%dma_start3A_11 : memref<2x128xi32, #tpu.memory_space<hbm>>) target(%arg7 : memref<2x128xi32, #tpu.memory_space<vmem>>) target_semaphore(%arg13 : memref<!tpu.dma_semaphore, #tpu.memory_space<semaphore_mem>>)
    %add3A_12 = arith.constant 1 : i32
    %add3A_13 = arith.addi %mul3A_2, %add3A_12 : i32
    %dma_start3A_14 = arith.constant 0 : i32
    %dma_start3A_15 = arith.constant 0 : i32
    %dma_start3A_16 = tpu.memref_slice %arg3[%add3A_13, %dma_start3A_14, %dma_start3A_15] : memref<2496x2x128xi32, #tpu.memory_space<hbm>> -> memref<1x2x128xi32, #tpu.memory_space<hbm>>
    %dma_start3A_17 = tpu.memref_squeeze %dma_start3A_16 : memref<1x2x128xi32, #tpu.memory_space<hbm>> -> memref<2x128xi32, #tpu.memory_space<hbm>>
    %dma_start3A_18 = arith.constant 0 : i32
    %dma_start3A_19 = arith.constant 0 : i32
    %dma_start3A_20 = tpu.memref_slice %arg3[%add3A_13, %dma_start3A_18, %dma_start3A_19] : memref<2496x2x128xi32, #tpu.memory_space<hbm>> -> memref<1x2x128xi32, #tpu.memory_space<hbm>>
    %dma_start3A_21 = tpu.memref_squeeze %dma_start3A_20 : memref<1x2x128xi32, #tpu.memory_space<hbm>> -> memref<2x128xi32, #tpu.memory_space<hbm>>
    tpu.enqueue_dma source(%dma_start3A_21 : memref<2x128xi32, #tpu.memory_space<hbm>>) target(%arg8 : memref<2x128xi32, #tpu.memory_space<vmem>>) target_semaphore(%arg14 : memref<!tpu.dma_semaphore, #tpu.memory_space<semaphore_mem>>)
    %mul3A_22 = arith.constant 624 : i32
    %mul3A_23 = arith.muli %arg1, %mul3A_22 : i32
    %mul3A_24 = arith.constant 624 : i32
    %mul3A_25 = arith.muli %arg1, %mul3A_24 : i32
    "tpu.region"() ({
      %run_scoped3A_207 = tpu.sem_alloc : memref<!tpu.dma_semaphore, #tpu.memory_space<semaphore_mem>>
      %dma_start3A_208 = arith.constant 0 : i32
      %dma_start3A_209 = tpu.memref_slice %arg23[%mul3A_25, %dma_start3A_208] : memref<10000x128xf32, #tpu.memory_space<vmem_shared>> -> memref<624x128xf32, #tpu.memory_space<vmem_shared>>
      %dma_start3A_210 = arith.constant 0 : i32
      %dma_start3A_211 = tpu.memref_slice %arg5[%mul3A_23, %dma_start3A_210] : memref<10000x128xf32, #tpu.memory_space<hbm>> -> memref<624x128xf32, #tpu.memory_space<hbm>>
      tpu.enqueue_dma source(%dma_start3A_211 : memref<624x128xf32, #tpu.memory_space<hbm>>) target(%dma_start3A_209 : memref<624x128xf32, #tpu.memory_space<vmem_shared>>) target_semaphore(%run_scoped3A_207 : memref<!tpu.dma_semaphore, #tpu.memory_space<semaphore_mem>>)
      %dma_wait3A_212 = arith.constant 0 : i32
      %dma_wait3A_213 = tpu.memref_slice %arg23[%mul3A_25, %dma_wait3A_212] : memref<10000x128xf32, #tpu.memory_space<vmem_shared>> -> memref<624x128xf32, #tpu.memory_space<vmem_shared>>
      %dma_wait3A_214 = arith.constant 0 : i32
      %dma_wait3A_215 = tpu.memref_slice %arg5[%mul3A_23, %dma_wait3A_214] : memref<10000x128xf32, #tpu.memory_space<hbm>> -> memref<624x128xf32, #tpu.memory_space<hbm>>
      tpu.wait_dma2 semaphore(%run_scoped3A_207 : memref<!tpu.dma_semaphore, #tpu.memory_space<semaphore_mem>>) src(%dma_wait3A_215 : memref<624x128xf32, #tpu.memory_space<hbm>>) dst(%dma_wait3A_213 : memref<624x128xf32, #tpu.memory_space<vmem_shared>>)
      tpu.yield
    }) : () -> ()
    %eq3A = arith.constant 0 : i32
    %eq3A_26 = arith.cmpi eq, %arg1, %eq3A : i32
    %convert_element_type3A = arith.extui %eq3A_26 : i1 to i32
    %cond3A = arith.constant 0 : i32
    %cond3A_27 = arith.cmpi ne, %convert_element_type3A, %cond3A : i32
    scf.if %cond3A_27 {
      "tpu.region"() ({
        %run_scoped3A_207 = tpu.sem_alloc : memref<!tpu.dma_semaphore, #tpu.memory_space<semaphore_mem>>
        %dma_start3A_208 = arith.constant 9984 : i32
        %dma_start3A_209 = arith.constant 0 : i32
        %dma_start3A_210 = tpu.memref_slice %arg23[%dma_start3A_208, %dma_start3A_209] : memref<10000x128xf32, #tpu.memory_space<vmem_shared>> -> memref<16x128xf32, #tpu.memory_space<vmem_shared>>
        %dma_start3A_211 = arith.constant 9984 : i32
        %dma_start3A_212 = arith.constant 0 : i32
        %dma_start3A_213 = tpu.memref_slice %arg5[%dma_start3A_211, %dma_start3A_212] : memref<10000x128xf32, #tpu.memory_space<hbm>> -> memref<16x128xf32, #tpu.memory_space<hbm>>
        tpu.enqueue_dma source(%dma_start3A_213 : memref<16x128xf32, #tpu.memory_space<hbm>>) target(%dma_start3A_210 : memref<16x128xf32, #tpu.memory_space<vmem_shared>>) target_semaphore(%run_scoped3A_207 : memref<!tpu.dma_semaphore, #tpu.memory_space<semaphore_mem>>)
        %dma_wait3A_214 = arith.constant 9984 : i32
        %dma_wait3A_215 = arith.constant 0 : i32
        %dma_wait3A_216 = tpu.memref_slice %arg23[%dma_wait3A_214, %dma_wait3A_215] : memref<10000x128xf32, #tpu.memory_space<vmem_shared>> -> memref<16x128xf32, #tpu.memory_space<vmem_shared>>
        %dma_wait3A_217 = arith.constant 9984 : i32
        %dma_wait3A_218 = arith.constant 0 : i32
        %dma_wait3A_219 = tpu.memref_slice %arg5[%dma_wait3A_217, %dma_wait3A_218] : memref<10000x128xf32, #tpu.memory_space<hbm>> -> memref<16x128xf32, #tpu.memory_space<hbm>>
        tpu.wait_dma2 semaphore(%run_scoped3A_207 : memref<!tpu.dma_semaphore, #tpu.memory_space<semaphore_mem>>) src(%dma_wait3A_219 : memref<16x128xf32, #tpu.memory_space<hbm>>) dst(%dma_wait3A_216 : memref<16x128xf32, #tpu.memory_space<vmem_shared>>)
        tpu.yield
      }) : () -> ()
    } else {
    }
    %barrier3A = arith.constant 0 : index
    tpu.barrier barrier_id(%barrier3A)
    %dma_wait3A = arith.constant 0 : i32
    %dma_wait3A_28 = arith.constant 0 : i32
    %dma_wait3A_29 = arith.constant 0 : i32
    %dma_wait3A_30 = tpu.memref_slice %arg3[%dma_wait3A, %dma_wait3A_28, %dma_wait3A_29] : memref<2496x2x128xi32, #tpu.memory_space<hbm>> -> memref<1x2x128xi32, #tpu.memory_space<hbm>>
    %dma_wait3A_31 = tpu.memref_squeeze %dma_wait3A_30 : memref<1x2x128xi32, #tpu.memory_space<hbm>> -> memref<2x128xi32, #tpu.memory_space<hbm>>
    %dma_wait3A_32 = arith.constant 0 : i32
    %dma_wait3A_33 = arith.constant 0 : i32
    %dma_wait3A_34 = tpu.memref_slice %arg3[%dma_wait3A, %dma_wait3A_32, %dma_wait3A_33] : memref<2496x2x128xi32, #tpu.memory_space<hbm>> -> memref<1x2x128xi32, #tpu.memory_space<hbm>>
    %dma_wait3A_35 = tpu.memref_squeeze %dma_wait3A_34 : memref<1x2x128xi32, #tpu.memory_space<hbm>> -> memref<2x128xi32, #tpu.memory_space<hbm>>
    tpu.wait_dma2 semaphore(%arg13 : memref<!tpu.dma_semaphore, #tpu.memory_space<semaphore_mem>>) src(%dma_wait3A_35 : memref<2x128xi32, #tpu.memory_space<hbm>>) dst(%arg7 : memref<2x128xi32, #tpu.memory_space<vmem>>)
    %dma_start3A_36 = arith.constant 0 : i32
    %dma_start3A_37 = arith.constant 0 : i32
    %dma_start3A_38 = tpu.memref_slice %arg7[%dma_start3A_36, %dma_start3A_37] : memref<2x128xi32, #tpu.memory_space<vmem>> -> memref<1x128xi32, #tpu.memory_space<vmem>>
    %dma_start3A_39 = tpu.memref_squeeze %dma_start3A_38 : memref<1x128xi32, #tpu.memory_space<vmem>> -> memref<128xi32, #tpu.memory_space<vmem>>
    %dma_start3A_40 = arith.constant 0 : i32
    %dma_start3A_41 = arith.constant 0 : i32
    %dma_start3A_42 = tpu.memref_slice %arg2[%dma_start3A_40, %dma_start3A_41] : memref<10000x128xf32, #tpu.memory_space<hbm>> -> memref<10000x128xf32, #tpu.memory_space<hbm>>
    tpu.enqueue_indirect_dma source(%dma_start3A_42 : memref<10000x128xf32, #tpu.memory_space<hbm>>) target(%arg10 : memref<128x128xf32, #tpu.memory_space<vmem>>) offsets(%dma_start3A_39 : memref<128xi32, #tpu.memory_space<vmem>>) semaphore(%arg16 : memref<!tpu.dma_semaphore, #tpu.memory_space<semaphore_mem>>)
    %scan3A = arith.constant 0 : i32
    %scan3A_43 = arith.constant 0 : i32
    %scan3A_44 = arith.constant 25 : i32
    %scan3A_45 = arith.addi %scan3A_43, %scan3A_44 : i32
    %scan3A_46 = arith.constant 1 : i32
    scf.for %scan3A_207 = %scan3A_43 to %scan3A_45 step %scan3A_46  : i32 {
      %mul3A_208 = arith.constant 3 : i32
      %mul3A_209 = arith.muli %mul3A_208, %scan3A_207 : i32
      %add3A_210 = arith.constant 0 : i32
      %add3A_211 = arith.addi %mul3A_209, %add3A_210 : i32
      %dma_wait3A_212 = arith.constant 0 : i32
      %dma_wait3A_213 = arith.constant 0 : i32
      %dma_wait3A_214 = arith.constant 0 : i32
      %dma_wait3A_215 = tpu.memref_slice %arg3[%dma_wait3A_212, %dma_wait3A_213, %dma_wait3A_214] : memref<2496x2x128xi32, #tpu.memory_space<hbm>> -> memref<1x2x128xi32, #tpu.memory_space<hbm>>
      %dma_wait3A_216 = tpu.memref_squeeze %dma_wait3A_215 : memref<1x2x128xi32, #tpu.memory_space<hbm>> -> memref<2x128xi32, #tpu.memory_space<hbm>>
      %dma_wait3A_217 = arith.constant 0 : i32
      %dma_wait3A_218 = arith.constant 0 : i32
      %dma_wait3A_219 = tpu.memref_slice %arg3[%dma_wait3A_212, %dma_wait3A_217, %dma_wait3A_218] : memref<2496x2x128xi32, #tpu.memory_space<hbm>> -> memref<1x2x128xi32, #tpu.memory_space<hbm>>
      %dma_wait3A_220 = tpu.memref_squeeze %dma_wait3A_219 : memref<1x2x128xi32, #tpu.memory_space<hbm>> -> memref<2x128xi32, #tpu.memory_space<hbm>>
      tpu.wait_dma2 semaphore(%arg14 : memref<!tpu.dma_semaphore, #tpu.memory_space<semaphore_mem>>) src(%dma_wait3A_220 : memref<2x128xi32, #tpu.memory_space<hbm>>) dst(%arg8 : memref<2x128xi32, #tpu.memory_space<vmem>>)
      %dma_start3A_221 = arith.constant 0 : i32
      %dma_start3A_222 = arith.constant 0 : i32
      %dma_start3A_223 = tpu.memref_slice %arg8[%dma_start3A_221, %dma_start3A_222] : memref<2x128xi32, #tpu.memory_space<vmem>> -> memref<1x128xi32, #tpu.memory_space<vmem>>
      %dma_start3A_224 = tpu.memref_squeeze %dma_start3A_223 : memref<1x128xi32, #tpu.memory_space<vmem>> -> memref<128xi32, #tpu.memory_space<vmem>>
      %dma_start3A_225 = arith.constant 0 : i32
      %dma_start3A_226 = arith.constant 0 : i32
      %dma_start3A_227 = tpu.memref_slice %arg2[%dma_start3A_225, %dma_start3A_226] : memref<10000x128xf32, #tpu.memory_space<hbm>> -> memref<10000x128xf32, #tpu.memory_space<hbm>>
      tpu.enqueue_indirect_dma source(%dma_start3A_227 : memref<10000x128xf32, #tpu.memory_space<hbm>>) target(%arg11 : memref<128x128xf32, #tpu.memory_space<vmem>>) offsets(%dma_start3A_224 : memref<128xi32, #tpu.memory_space<vmem>>) semaphore(%arg17 : memref<!tpu.dma_semaphore, #tpu.memory_space<semaphore_mem>>)
      %dma_wait3A_228 = arith.constant 0 : i32
      %dma_wait3A_229 = arith.constant 0 : i32
      %dma_wait3A_230 = tpu.memref_slice %arg7[%dma_wait3A_228, %dma_wait3A_229] : memref<2x128xi32, #tpu.memory_space<vmem>> -> memref<1x128xi32, #tpu.memory_space<vmem>>
      %dma_wait3A_231 = tpu.memref_squeeze %dma_wait3A_230 : memref<1x128xi32, #tpu.memory_space<vmem>> -> memref<128xi32, #tpu.memory_space<vmem>>
      %dma_wait3A_232 = arith.constant 0 : i32
      %dma_wait3A_233 = arith.constant 0 : i32
      %dma_wait3A_234 = tpu.memref_slice %arg2[%dma_wait3A_232, %dma_wait3A_233] : memref<10000x128xf32, #tpu.memory_space<hbm>> -> memref<10000x128xf32, #tpu.memory_space<hbm>>
      tpu.wait_indirect_dma semaphore(%arg16 : memref<!tpu.dma_semaphore, #tpu.memory_space<semaphore_mem>>) src(%dma_wait3A_234 : memref<10000x128xf32, #tpu.memory_space<hbm>>) dst(%arg10 : memref<128x128xf32, #tpu.memory_space<vmem>>)
      %dma_start3A_235 = arith.constant 1 : i32
      %dma_start3A_236 = arith.constant 0 : i32
      %dma_start3A_237 = tpu.memref_slice %arg7[%dma_start3A_235, %dma_start3A_236] : memref<2x128xi32, #tpu.memory_space<vmem>> -> memref<1x128xi32, #tpu.memory_space<vmem>>
      %dma_start3A_238 = tpu.memref_squeeze %dma_start3A_237 : memref<1x128xi32, #tpu.memory_space<vmem>> -> memref<128xi32, #tpu.memory_space<vmem>>
      %dma_start3A_239 = arith.constant 0 : i32
      %dma_start3A_240 = arith.constant 0 : i32
      %dma_start3A_241 = tpu.memref_slice %arg23[%dma_start3A_239, %dma_start3A_240] : memref<10000x128xf32, #tpu.memory_space<vmem_shared>> -> memref<10000x128xf32, #tpu.memory_space<vmem_shared>>
      tpu.enqueue_indirect_dma source(%arg10 : memref<128x128xf32, #tpu.memory_space<vmem>>) target(%dma_start3A_241 : memref<10000x128xf32, #tpu.memory_space<vmem_shared>>) offsets(%dma_start3A_238 : memref<128xi32, #tpu.memory_space<vmem>>) semaphore(%arg19 : memref<!tpu.dma_semaphore, #tpu.memory_space<semaphore_mem>>) {add = true}
      %gt3A = arith.constant 0 : i32
      %gt3A_242 = arith.cmpi sgt, %scan3A_207, %gt3A : i32
      %convert_element_type3A_243 = arith.extui %gt3A_242 : i1 to i32
      %cond3A_244 = arith.constant 0 : i32
      %cond3A_245 = arith.cmpi ne, %convert_element_type3A_243, %cond3A_244 : i32
      scf.if %cond3A_245 {
        %dma_wait3A_361 = arith.constant 1 : i32
        %dma_wait3A_362 = arith.constant 0 : i32
        %dma_wait3A_363 = tpu.memref_slice %arg9[%dma_wait3A_361, %dma_wait3A_362] : memref<2x128xi32, #tpu.memory_space<vmem>> -> memref<1x128xi32, #tpu.memory_space<vmem>>
        %dma_wait3A_364 = tpu.memref_squeeze %dma_wait3A_363 : memref<1x128xi32, #tpu.memory_space<vmem>> -> memref<128xi32, #tpu.memory_space<vmem>>
        %dma_wait3A_365 = arith.constant 0 : i32
        %dma_wait3A_366 = arith.constant 0 : i32
        %dma_wait3A_367 = tpu.memref_slice %arg23[%dma_wait3A_365, %dma_wait3A_366] : memref<10000x128xf32, #tpu.memory_space<vmem_shared>> -> memref<10000x128xf32, #tpu.memory_space<vmem_shared>>
        tpu.wait_indirect_dma semaphore(%arg21 : memref<!tpu.dma_semaphore, #tpu.memory_space<semaphore_mem>>) src(%arg12 : memref<128x128xf32, #tpu.memory_space<vmem>>) dst(%dma_wait3A_367 : memref<10000x128xf32, #tpu.memory_space<vmem_shared>>)
      } else {
      }
      %add3A_246 = arith.constant 2 : i32
      %add3A_247 = arith.addi %add3A_211, %add3A_246 : i32
      %add3A_248 = arith.addi %mul3A_2, %add3A_247 : i32
      %dma_start3A_249 = arith.constant 0 : i32
      %dma_start3A_250 = arith.constant 0 : i32
      %dma_start3A_251 = tpu.memref_slice %arg3[%add3A_248, %dma_start3A_249, %dma_start3A_250] : memref<2496x2x128xi32, #tpu.memory_space<hbm>> -> memref<1x2x128xi32, #tpu.memory_space<hbm>>
      %dma_start3A_252 = tpu.memref_squeeze %dma_start3A_251 : memref<1x2x128xi32, #tpu.memory_space<hbm>> -> memref<2x128xi32, #tpu.memory_space<hbm>>
      %dma_start3A_253 = arith.constant 0 : i32
      %dma_start3A_254 = arith.constant 0 : i32
      %dma_start3A_255 = tpu.memref_slice %arg3[%add3A_248, %dma_start3A_253, %dma_start3A_254] : memref<2496x2x128xi32, #tpu.memory_space<hbm>> -> memref<1x2x128xi32, #tpu.memory_space<hbm>>
      %dma_start3A_256 = tpu.memref_squeeze %dma_start3A_255 : memref<1x2x128xi32, #tpu.memory_space<hbm>> -> memref<2x128xi32, #tpu.memory_space<hbm>>
      tpu.enqueue_dma source(%dma_start3A_256 : memref<2x128xi32, #tpu.memory_space<hbm>>) target(%arg9 : memref<2x128xi32, #tpu.memory_space<vmem>>) target_semaphore(%arg15 : memref<!tpu.dma_semaphore, #tpu.memory_space<semaphore_mem>>)
      %mul3A_257 = arith.constant 3 : i32
      %mul3A_258 = arith.muli %mul3A_257, %scan3A_207 : i32
      %add3A_259 = arith.constant 1 : i32
      %add3A_260 = arith.addi %mul3A_258, %add3A_259 : i32
      %dma_wait3A_261 = arith.constant 0 : i32
      %dma_wait3A_262 = arith.constant 0 : i32
      %dma_wait3A_263 = arith.constant 0 : i32
      %dma_wait3A_264 = tpu.memref_slice %arg3[%dma_wait3A_261, %dma_wait3A_262, %dma_wait3A_263] : memref<2496x2x128xi32, #tpu.memory_space<hbm>> -> memref<1x2x128xi32, #tpu.memory_space<hbm>>
      %dma_wait3A_265 = tpu.memref_squeeze %dma_wait3A_264 : memref<1x2x128xi32, #tpu.memory_space<hbm>> -> memref<2x128xi32, #tpu.memory_space<hbm>>
      %dma_wait3A_266 = arith.constant 0 : i32
      %dma_wait3A_267 = arith.constant 0 : i32
      %dma_wait3A_268 = tpu.memref_slice %arg3[%dma_wait3A_261, %dma_wait3A_266, %dma_wait3A_267] : memref<2496x2x128xi32, #tpu.memory_space<hbm>> -> memref<1x2x128xi32, #tpu.memory_space<hbm>>
      %dma_wait3A_269 = tpu.memref_squeeze %dma_wait3A_268 : memref<1x2x128xi32, #tpu.memory_space<hbm>> -> memref<2x128xi32, #tpu.memory_space<hbm>>
      tpu.wait_dma2 semaphore(%arg15 : memref<!tpu.dma_semaphore, #tpu.memory_space<semaphore_mem>>) src(%dma_wait3A_269 : memref<2x128xi32, #tpu.memory_space<hbm>>) dst(%arg9 : memref<2x128xi32, #tpu.memory_space<vmem>>)
      %dma_start3A_270 = arith.constant 0 : i32
      %dma_start3A_271 = arith.constant 0 : i32
      %dma_start3A_272 = tpu.memref_slice %arg9[%dma_start3A_270, %dma_start3A_271] : memref<2x128xi32, #tpu.memory_space<vmem>> -> memref<1x128xi32, #tpu.memory_space<vmem>>
      %dma_start3A_273 = tpu.memref_squeeze %dma_start3A_272 : memref<1x128xi32, #tpu.memory_space<vmem>> -> memref<128xi32, #tpu.memory_space<vmem>>
      %dma_start3A_274 = arith.constant 0 : i32
      %dma_start3A_275 = arith.constant 0 : i32
      %dma_start3A_276 = tpu.memref_slice %arg2[%dma_start3A_274, %dma_start3A_275] : memref<10000x128xf32, #tpu.memory_space<hbm>> -> memref<10000x128xf32, #tpu.memory_space<hbm>>
      tpu.enqueue_indirect_dma source(%dma_start3A_276 : memref<10000x128xf32, #tpu.memory_space<hbm>>) target(%arg12 : memref<128x128xf32, #tpu.memory_space<vmem>>) offsets(%dma_start3A_273 : memref<128xi32, #tpu.memory_space<vmem>>) semaphore(%arg18 : memref<!tpu.dma_semaphore, #tpu.memory_space<semaphore_mem>>)
      %dma_wait3A_277 = arith.constant 0 : i32
      %dma_wait3A_278 = arith.constant 0 : i32
      %dma_wait3A_279 = tpu.memref_slice %arg8[%dma_wait3A_277, %dma_wait3A_278] : memref<2x128xi32, #tpu.memory_space<vmem>> -> memref<1x128xi32, #tpu.memory_space<vmem>>
      %dma_wait3A_280 = tpu.memref_squeeze %dma_wait3A_279 : memref<1x128xi32, #tpu.memory_space<vmem>> -> memref<128xi32, #tpu.memory_space<vmem>>
      %dma_wait3A_281 = arith.constant 0 : i32
      %dma_wait3A_282 = arith.constant 0 : i32
      %dma_wait3A_283 = tpu.memref_slice %arg2[%dma_wait3A_281, %dma_wait3A_282] : memref<10000x128xf32, #tpu.memory_space<hbm>> -> memref<10000x128xf32, #tpu.memory_space<hbm>>
      tpu.wait_indirect_dma semaphore(%arg17 : memref<!tpu.dma_semaphore, #tpu.memory_space<semaphore_mem>>) src(%dma_wait3A_283 : memref<10000x128xf32, #tpu.memory_space<hbm>>) dst(%arg11 : memref<128x128xf32, #tpu.memory_space<vmem>>)
      %dma_start3A_284 = arith.constant 1 : i32
      %dma_start3A_285 = arith.constant 0 : i32
      %dma_start3A_286 = tpu.memref_slice %arg8[%dma_start3A_284, %dma_start3A_285] : memref<2x128xi32, #tpu.memory_space<vmem>> -> memref<1x128xi32, #tpu.memory_space<vmem>>
      %dma_start3A_287 = tpu.memref_squeeze %dma_start3A_286 : memref<1x128xi32, #tpu.memory_space<vmem>> -> memref<128xi32, #tpu.memory_space<vmem>>
      %dma_start3A_288 = arith.constant 0 : i32
      %dma_start3A_289 = arith.constant 0 : i32
      %dma_start3A_290 = tpu.memref_slice %arg23[%dma_start3A_288, %dma_start3A_289] : memref<10000x128xf32, #tpu.memory_space<vmem_shared>> -> memref<10000x128xf32, #tpu.memory_space<vmem_shared>>
      tpu.enqueue_indirect_dma source(%arg11 : memref<128x128xf32, #tpu.memory_space<vmem>>) target(%dma_start3A_290 : memref<10000x128xf32, #tpu.memory_space<vmem_shared>>) offsets(%dma_start3A_287 : memref<128xi32, #tpu.memory_space<vmem>>) semaphore(%arg20 : memref<!tpu.dma_semaphore, #tpu.memory_space<semaphore_mem>>) {add = true}
      %dma_wait3A_291 = arith.constant 1 : i32
      %dma_wait3A_292 = arith.constant 0 : i32
      %dma_wait3A_293 = tpu.memref_slice %arg7[%dma_wait3A_291, %dma_wait3A_292] : memref<2x128xi32, #tpu.memory_space<vmem>> -> memref<1x128xi32, #tpu.memory_space<vmem>>
      %dma_wait3A_294 = tpu.memref_squeeze %dma_wait3A_293 : memref<1x128xi32, #tpu.memory_space<vmem>> -> memref<128xi32, #tpu.memory_space<vmem>>
      %dma_wait3A_295 = arith.constant 0 : i32
      %dma_wait3A_296 = arith.constant 0 : i32
      %dma_wait3A_297 = tpu.memref_slice %arg23[%dma_wait3A_295, %dma_wait3A_296] : memref<10000x128xf32, #tpu.memory_space<vmem_shared>> -> memref<10000x128xf32, #tpu.memory_space<vmem_shared>>
      tpu.wait_indirect_dma semaphore(%arg19 : memref<!tpu.dma_semaphore, #tpu.memory_space<semaphore_mem>>) src(%arg10 : memref<128x128xf32, #tpu.memory_space<vmem>>) dst(%dma_wait3A_297 : memref<10000x128xf32, #tpu.memory_space<vmem_shared>>)
      %add3A_298 = arith.constant 2 : i32
      %add3A_299 = arith.addi %add3A_260, %add3A_298 : i32
      %add3A_300 = arith.addi %mul3A_2, %add3A_299 : i32
      %dma_start3A_301 = arith.constant 0 : i32
      %dma_start3A_302 = arith.constant 0 : i32
      %dma_start3A_303 = tpu.memref_slice %arg3[%add3A_300, %dma_start3A_301, %dma_start3A_302] : memref<2496x2x128xi32, #tpu.memory_space<hbm>> -> memref<1x2x128xi32, #tpu.memory_space<hbm>>
      %dma_start3A_304 = tpu.memref_squeeze %dma_start3A_303 : memref<1x2x128xi32, #tpu.memory_space<hbm>> -> memref<2x128xi32, #tpu.memory_space<hbm>>
      %dma_start3A_305 = arith.constant 0 : i32
      %dma_start3A_306 = arith.constant 0 : i32
      %dma_start3A_307 = tpu.memref_slice %arg3[%add3A_300, %dma_start3A_305, %dma_start3A_306] : memref<2496x2x128xi32, #tpu.memory_space<hbm>> -> memref<1x2x128xi32, #tpu.memory_space<hbm>>
      %dma_start3A_308 = tpu.memref_squeeze %dma_start3A_307 : memref<1x2x128xi32, #tpu.memory_space<hbm>> -> memref<2x128xi32, #tpu.memory_space<hbm>>
      tpu.enqueue_dma source(%dma_start3A_308 : memref<2x128xi32, #tpu.memory_space<hbm>>) target(%arg7 : memref<2x128xi32, #tpu.memory_space<vmem>>) target_semaphore(%arg13 : memref<!tpu.dma_semaphore, #tpu.memory_space<semaphore_mem>>)
      %mul3A_309 = arith.constant 3 : i32
      %mul3A_310 = arith.muli %mul3A_309, %scan3A_207 : i32
      %add3A_311 = arith.constant 2 : i32
      %add3A_312 = arith.addi %mul3A_310, %add3A_311 : i32
      %dma_wait3A_313 = arith.constant 0 : i32
      %dma_wait3A_314 = arith.constant 0 : i32
      %dma_wait3A_315 = arith.constant 0 : i32
      %dma_wait3A_316 = tpu.memref_slice %arg3[%dma_wait3A_313, %dma_wait3A_314, %dma_wait3A_315] : memref<2496x2x128xi32, #tpu.memory_space<hbm>> -> memref<1x2x128xi32, #tpu.memory_space<hbm>>
      %dma_wait3A_317 = tpu.memref_squeeze %dma_wait3A_316 : memref<1x2x128xi32, #tpu.memory_space<hbm>> -> memref<2x128xi32, #tpu.memory_space<hbm>>
      %dma_wait3A_318 = arith.constant 0 : i32
      %dma_wait3A_319 = arith.constant 0 : i32
      %dma_wait3A_320 = tpu.memref_slice %arg3[%dma_wait3A_313, %dma_wait3A_318, %dma_wait3A_319] : memref<2496x2x128xi32, #tpu.memory_space<hbm>> -> memref<1x2x128xi32, #tpu.memory_space<hbm>>
      %dma_wait3A_321 = tpu.memref_squeeze %dma_wait3A_320 : memref<1x2x128xi32, #tpu.memory_space<hbm>> -> memref<2x128xi32, #tpu.memory_space<hbm>>
      tpu.wait_dma2 semaphore(%arg13 : memref<!tpu.dma_semaphore, #tpu.memory_space<semaphore_mem>>) src(%dma_wait3A_321 : memref<2x128xi32, #tpu.memory_space<hbm>>) dst(%arg7 : memref<2x128xi32, #tpu.memory_space<vmem>>)
      %dma_start3A_322 = arith.constant 0 : i32
      %dma_start3A_323 = arith.constant 0 : i32
      %dma_start3A_324 = tpu.memref_slice %arg7[%dma_start3A_322, %dma_start3A_323] : memref<2x128xi32, #tpu.memory_space<vmem>> -> memref<1x128xi32, #tpu.memory_space<vmem>>
      %dma_start3A_325 = tpu.memref_squeeze %dma_start3A_324 : memref<1x128xi32, #tpu.memory_space<vmem>> -> memref<128xi32, #tpu.memory_space<vmem>>
      %dma_start3A_326 = arith.constant 0 : i32
      %dma_start3A_327 = arith.constant 0 : i32
      %dma_start3A_328 = tpu.memref_slice %arg2[%dma_start3A_326, %dma_start3A_327] : memref<10000x128xf32, #tpu.memory_space<hbm>> -> memref<10000x128xf32, #tpu.memory_space<hbm>>
      tpu.enqueue_indirect_dma source(%dma_start3A_328 : memref<10000x128xf32, #tpu.memory_space<hbm>>) target(%arg10 : memref<128x128xf32, #tpu.memory_space<vmem>>) offsets(%dma_start3A_325 : memref<128xi32, #tpu.memory_space<vmem>>) semaphore(%arg16 : memref<!tpu.dma_semaphore, #tpu.memory_space<semaphore_mem>>)
      %dma_wait3A_329 = arith.constant 0 : i32
      %dma_wait3A_330 = arith.constant 0 : i32
      %dma_wait3A_331 = tpu.memref_slice %arg9[%dma_wait3A_329, %dma_wait3A_330] : memref<2x128xi32, #tpu.memory_space<vmem>> -> memref<1x128xi32, #tpu.memory_space<vmem>>
      %dma_wait3A_332 = tpu.memref_squeeze %dma_wait3A_331 : memref<1x128xi32, #tpu.memory_space<vmem>> -> memref<128xi32, #tpu.memory_space<vmem>>
      %dma_wait3A_333 = arith.constant 0 : i32
      %dma_wait3A_334 = arith.constant 0 : i32
      %dma_wait3A_335 = tpu.memref_slice %arg2[%dma_wait3A_333, %dma_wait3A_334] : memref<10000x128xf32, #tpu.memory_space<hbm>> -> memref<10000x128xf32, #tpu.memory_space<hbm>>
      tpu.wait_indirect_dma semaphore(%arg18 : memref<!tpu.dma_semaphore, #tpu.memory_space<semaphore_mem>>) src(%dma_wait3A_335 : memref<10000x128xf32, #tpu.memory_space<hbm>>) dst(%arg12 : memref<128x128xf32, #tpu.memory_space<vmem>>)
      %dma_start3A_336 = arith.constant 1 : i32
      %dma_start3A_337 = arith.constant 0 : i32
      %dma_start3A_338 = tpu.memref_slice %arg9[%dma_start3A_336, %dma_start3A_337] : memref<2x128xi32, #tpu.memory_space<vmem>> -> memref<1x128xi32, #tpu.memory_space<vmem>>
      %dma_start3A_339 = tpu.memref_squeeze %dma_start3A_338 : memref<1x128xi32, #tpu.memory_space<vmem>> -> memref<128xi32, #tpu.memory_space<vmem>>
      %dma_start3A_340 = arith.constant 0 : i32
      %dma_start3A_341 = arith.constant 0 : i32
      %dma_start3A_342 = tpu.memref_slice %arg23[%dma_start3A_340, %dma_start3A_341] : memref<10000x128xf32, #tpu.memory_space<vmem_shared>> -> memref<10000x128xf32, #tpu.memory_space<vmem_shared>>
      tpu.enqueue_indirect_dma source(%arg12 : memref<128x128xf32, #tpu.memory_space<vmem>>) target(%dma_start3A_342 : memref<10000x128xf32, #tpu.memory_space<vmem_shared>>) offsets(%dma_start3A_339 : memref<128xi32, #tpu.memory_space<vmem>>) semaphore(%arg21 : memref<!tpu.dma_semaphore, #tpu.memory_space<semaphore_mem>>) {add = true}
      %dma_wait3A_343 = arith.constant 1 : i32
      %dma_wait3A_344 = arith.constant 0 : i32
      %dma_wait3A_345 = tpu.memref_slice %arg8[%dma_wait3A_343, %dma_wait3A_344] : memref<2x128xi32, #tpu.memory_space<vmem>> -> memref<1x128xi32, #tpu.memory_space<vmem>>
      %dma_wait3A_346 = tpu.memref_squeeze %dma_wait3A_345 : memref<1x128xi32, #tpu.memory_space<vmem>> -> memref<128xi32, #tpu.memory_space<vmem>>
      %dma_wait3A_347 = arith.constant 0 : i32
      %dma_wait3A_348 = arith.constant 0 : i32
      %dma_wait3A_349 = tpu.memref_slice %arg23[%dma_wait3A_347, %dma_wait3A_348] : memref<10000x128xf32, #tpu.memory_space<vmem_shared>> -> memref<10000x128xf32, #tpu.memory_space<vmem_shared>>
      tpu.wait_indirect_dma semaphore(%arg20 : memref<!tpu.dma_semaphore, #tpu.memory_space<semaphore_mem>>) src(%arg11 : memref<128x128xf32, #tpu.memory_space<vmem>>) dst(%dma_wait3A_349 : memref<10000x128xf32, #tpu.memory_space<vmem_shared>>)
      %add3A_350 = arith.constant 2 : i32
      %add3A_351 = arith.addi %add3A_312, %add3A_350 : i32
      %add3A_352 = arith.addi %mul3A_2, %add3A_351 : i32
      %dma_start3A_353 = arith.constant 0 : i32
      %dma_start3A_354 = arith.constant 0 : i32
      %dma_start3A_355 = tpu.memref_slice %arg3[%add3A_352, %dma_start3A_353, %dma_start3A_354] : memref<2496x2x128xi32, #tpu.memory_space<hbm>> -> memref<1x2x128xi32, #tpu.memory_space<hbm>>
      %dma_start3A_356 = tpu.memref_squeeze %dma_start3A_355 : memref<1x2x128xi32, #tpu.memory_space<hbm>> -> memref<2x128xi32, #tpu.memory_space<hbm>>
      %dma_start3A_357 = arith.constant 0 : i32
      %dma_start3A_358 = arith.constant 0 : i32
      %dma_start3A_359 = tpu.memref_slice %arg3[%add3A_352, %dma_start3A_357, %dma_start3A_358] : memref<2496x2x128xi32, #tpu.memory_space<hbm>> -> memref<1x2x128xi32, #tpu.memory_space<hbm>>
      %dma_start3A_360 = tpu.memref_squeeze %dma_start3A_359 : memref<1x2x128xi32, #tpu.memory_space<hbm>> -> memref<2x128xi32, #tpu.memory_space<hbm>>
      tpu.enqueue_dma source(%dma_start3A_360 : memref<2x128xi32, #tpu.memory_space<hbm>>) target(%arg8 : memref<2x128xi32, #tpu.memory_space<vmem>>) target_semaphore(%arg14 : memref<!tpu.dma_semaphore, #tpu.memory_space<semaphore_mem>>)
    }
    %scan3A_47 = arith.constant 25 : i32
    %dma_wait3A_48 = arith.constant 0 : i32
    %dma_wait3A_49 = arith.constant 0 : i32
    %dma_wait3A_50 = arith.constant 0 : i32
    %dma_wait3A_51 = tpu.memref_slice %arg3[%dma_wait3A_48, %dma_wait3A_49, %dma_wait3A_50] : memref<2496x2x128xi32, #tpu.memory_space<hbm>> -> memref<1x2x128xi32, #tpu.memory_space<hbm>>
    %dma_wait3A_52 = tpu.memref_squeeze %dma_wait3A_51 : memref<1x2x128xi32, #tpu.memory_space<hbm>> -> memref<2x128xi32, #tpu.memory_space<hbm>>
    %dma_wait3A_53 = arith.constant 0 : i32
    %dma_wait3A_54 = arith.constant 0 : i32
    %dma_wait3A_55 = tpu.memref_slice %arg3[%dma_wait3A_48, %dma_wait3A_53, %dma_wait3A_54] : memref<2496x2x128xi32, #tpu.memory_space<hbm>> -> memref<1x2x128xi32, #tpu.memory_space<hbm>>
    %dma_wait3A_56 = tpu.memref_squeeze %dma_wait3A_55 : memref<1x2x128xi32, #tpu.memory_space<hbm>> -> memref<2x128xi32, #tpu.memory_space<hbm>>
    tpu.wait_dma2 semaphore(%arg14 : memref<!tpu.dma_semaphore, #tpu.memory_space<semaphore_mem>>) src(%dma_wait3A_56 : memref<2x128xi32, #tpu.memory_space<hbm>>) dst(%arg8 : memref<2x128xi32, #tpu.memory_space<vmem>>)
    %dma_start3A_57 = arith.constant 0 : i32
    %dma_start3A_58 = arith.constant 0 : i32
    %dma_start3A_59 = tpu.memref_slice %arg8[%dma_start3A_57, %dma_start3A_58] : memref<2x128xi32, #tpu.memory_space<vmem>> -> memref<1x128xi32, #tpu.memory_space<vmem>>
    %dma_start3A_60 = tpu.memref_squeeze %dma_start3A_59 : memref<1x128xi32, #tpu.memory_space<vmem>> -> memref<128xi32, #tpu.memory_space<vmem>>
    %dma_start3A_61 = arith.constant 0 : i32
    %dma_start3A_62 = arith.constant 0 : i32
    %dma_start3A_63 = tpu.memref_slice %arg2[%dma_start3A_61, %dma_start3A_62] : memref<10000x128xf32, #tpu.memory_space<hbm>> -> memref<10000x128xf32, #tpu.memory_space<hbm>>
    tpu.enqueue_indirect_dma source(%dma_start3A_63 : memref<10000x128xf32, #tpu.memory_space<hbm>>) target(%arg11 : memref<128x128xf32, #tpu.memory_space<vmem>>) offsets(%dma_start3A_60 : memref<128xi32, #tpu.memory_space<vmem>>) semaphore(%arg17 : memref<!tpu.dma_semaphore, #tpu.memory_space<semaphore_mem>>)
    %dma_wait3A_64 = arith.constant 0 : i32
    %dma_wait3A_65 = arith.constant 0 : i32
    %dma_wait3A_66 = tpu.memref_slice %arg7[%dma_wait3A_64, %dma_wait3A_65] : memref<2x128xi32, #tpu.memory_space<vmem>> -> memref<1x128xi32, #tpu.memory_space<vmem>>
    %dma_wait3A_67 = tpu.memref_squeeze %dma_wait3A_66 : memref<1x128xi32, #tpu.memory_space<vmem>> -> memref<128xi32, #tpu.memory_space<vmem>>
    %dma_wait3A_68 = arith.constant 0 : i32
    %dma_wait3A_69 = arith.constant 0 : i32
    %dma_wait3A_70 = tpu.memref_slice %arg2[%dma_wait3A_68, %dma_wait3A_69] : memref<10000x128xf32, #tpu.memory_space<hbm>> -> memref<10000x128xf32, #tpu.memory_space<hbm>>
    tpu.wait_indirect_dma semaphore(%arg16 : memref<!tpu.dma_semaphore, #tpu.memory_space<semaphore_mem>>) src(%dma_wait3A_70 : memref<10000x128xf32, #tpu.memory_space<hbm>>) dst(%arg10 : memref<128x128xf32, #tpu.memory_space<vmem>>)
    %dma_start3A_71 = arith.constant 1 : i32
    %dma_start3A_72 = arith.constant 0 : i32
    %dma_start3A_73 = tpu.memref_slice %arg7[%dma_start3A_71, %dma_start3A_72] : memref<2x128xi32, #tpu.memory_space<vmem>> -> memref<1x128xi32, #tpu.memory_space<vmem>>
    %dma_start3A_74 = tpu.memref_squeeze %dma_start3A_73 : memref<1x128xi32, #tpu.memory_space<vmem>> -> memref<128xi32, #tpu.memory_space<vmem>>
    %dma_start3A_75 = arith.constant 0 : i32
    %dma_start3A_76 = arith.constant 0 : i32
    %dma_start3A_77 = tpu.memref_slice %arg23[%dma_start3A_75, %dma_start3A_76] : memref<10000x128xf32, #tpu.memory_space<vmem_shared>> -> memref<10000x128xf32, #tpu.memory_space<vmem_shared>>
    tpu.enqueue_indirect_dma source(%arg10 : memref<128x128xf32, #tpu.memory_space<vmem>>) target(%dma_start3A_77 : memref<10000x128xf32, #tpu.memory_space<vmem_shared>>) offsets(%dma_start3A_74 : memref<128xi32, #tpu.memory_space<vmem>>) semaphore(%arg19 : memref<!tpu.dma_semaphore, #tpu.memory_space<semaphore_mem>>) {add = true}
    %dma_wait3A_78 = arith.constant 1 : i32
    %dma_wait3A_79 = arith.constant 0 : i32
    %dma_wait3A_80 = tpu.memref_slice %arg9[%dma_wait3A_78, %dma_wait3A_79] : memref<2x128xi32, #tpu.memory_space<vmem>> -> memref<1x128xi32, #tpu.memory_space<vmem>>
    %dma_wait3A_81 = tpu.memref_squeeze %dma_wait3A_80 : memref<1x128xi32, #tpu.memory_space<vmem>> -> memref<128xi32, #tpu.memory_space<vmem>>
    %dma_wait3A_82 = arith.constant 0 : i32
    %dma_wait3A_83 = arith.constant 0 : i32
    %dma_wait3A_84 = tpu.memref_slice %arg23[%dma_wait3A_82, %dma_wait3A_83] : memref<10000x128xf32, #tpu.memory_space<vmem_shared>> -> memref<10000x128xf32, #tpu.memory_space<vmem_shared>>
    tpu.wait_indirect_dma semaphore(%arg21 : memref<!tpu.dma_semaphore, #tpu.memory_space<semaphore_mem>>) src(%arg12 : memref<128x128xf32, #tpu.memory_space<vmem>>) dst(%dma_wait3A_84 : memref<10000x128xf32, #tpu.memory_space<vmem_shared>>)
    %add3A_85 = arith.constant 77 : i32
    %add3A_86 = arith.addi %mul3A_2, %add3A_85 : i32
    %dma_start3A_87 = arith.constant 0 : i32
    %dma_start3A_88 = arith.constant 0 : i32
    %dma_start3A_89 = tpu.memref_slice %arg3[%add3A_86, %dma_start3A_87, %dma_start3A_88] : memref<2496x2x128xi32, #tpu.memory_space<hbm>> -> memref<1x2x128xi32, #tpu.memory_space<hbm>>
    %dma_start3A_90 = tpu.memref_squeeze %dma_start3A_89 : memref<1x2x128xi32, #tpu.memory_space<hbm>> -> memref<2x128xi32, #tpu.memory_space<hbm>>
    %dma_start3A_91 = arith.constant 0 : i32
    %dma_start3A_92 = arith.constant 0 : i32
    %dma_start3A_93 = tpu.memref_slice %arg3[%add3A_86, %dma_start3A_91, %dma_start3A_92] : memref<2496x2x128xi32, #tpu.memory_space<hbm>> -> memref<1x2x128xi32, #tpu.memory_space<hbm>>
    %dma_start3A_94 = tpu.memref_squeeze %dma_start3A_93 : memref<1x2x128xi32, #tpu.memory_space<hbm>> -> memref<2x128xi32, #tpu.memory_space<hbm>>
    tpu.enqueue_dma source(%dma_start3A_94 : memref<2x128xi32, #tpu.memory_space<hbm>>) target(%arg9 : memref<2x128xi32, #tpu.memory_space<vmem>>) target_semaphore(%arg15 : memref<!tpu.dma_semaphore, #tpu.memory_space<semaphore_mem>>)
    %dma_wait3A_95 = arith.constant 0 : i32
    %dma_wait3A_96 = arith.constant 0 : i32
    %dma_wait3A_97 = arith.constant 0 : i32
    %dma_wait3A_98 = tpu.memref_slice %arg3[%dma_wait3A_95, %dma_wait3A_96, %dma_wait3A_97] : memref<2496x2x128xi32, #tpu.memory_space<hbm>> -> memref<1x2x128xi32, #tpu.memory_space<hbm>>
    %dma_wait3A_99 = tpu.memref_squeeze %dma_wait3A_98 : memref<1x2x128xi32, #tpu.memory_space<hbm>> -> memref<2x128xi32, #tpu.memory_space<hbm>>
    %dma_wait3A_100 = arith.constant 0 : i32
    %dma_wait3A_101 = arith.constant 0 : i32
    %dma_wait3A_102 = tpu.memref_slice %arg3[%dma_wait3A_95, %dma_wait3A_100, %dma_wait3A_101] : memref<2496x2x128xi32, #tpu.memory_space<hbm>> -> memref<1x2x128xi32, #tpu.memory_space<hbm>>
    %dma_wait3A_103 = tpu.memref_squeeze %dma_wait3A_102 : memref<1x2x128xi32, #tpu.memory_space<hbm>> -> memref<2x128xi32, #tpu.memory_space<hbm>>
    tpu.wait_dma2 semaphore(%arg15 : memref<!tpu.dma_semaphore, #tpu.memory_space<semaphore_mem>>) src(%dma_wait3A_103 : memref<2x128xi32, #tpu.memory_space<hbm>>) dst(%arg9 : memref<2x128xi32, #tpu.memory_space<vmem>>)
    %dma_start3A_104 = arith.constant 0 : i32
    %dma_start3A_105 = arith.constant 0 : i32
    %dma_start3A_106 = tpu.memref_slice %arg9[%dma_start3A_104, %dma_start3A_105] : memref<2x128xi32, #tpu.memory_space<vmem>> -> memref<1x128xi32, #tpu.memory_space<vmem>>
    %dma_start3A_107 = tpu.memref_squeeze %dma_start3A_106 : memref<1x128xi32, #tpu.memory_space<vmem>> -> memref<128xi32, #tpu.memory_space<vmem>>
    %dma_start3A_108 = arith.constant 0 : i32
    %dma_start3A_109 = arith.constant 0 : i32
    %dma_start3A_110 = tpu.memref_slice %arg2[%dma_start3A_108, %dma_start3A_109] : memref<10000x128xf32, #tpu.memory_space<hbm>> -> memref<10000x128xf32, #tpu.memory_space<hbm>>
    tpu.enqueue_indirect_dma source(%dma_start3A_110 : memref<10000x128xf32, #tpu.memory_space<hbm>>) target(%arg12 : memref<128x128xf32, #tpu.memory_space<vmem>>) offsets(%dma_start3A_107 : memref<128xi32, #tpu.memory_space<vmem>>) semaphore(%arg18 : memref<!tpu.dma_semaphore, #tpu.memory_space<semaphore_mem>>)
    %dma_wait3A_111 = arith.constant 0 : i32
    %dma_wait3A_112 = arith.constant 0 : i32
    %dma_wait3A_113 = tpu.memref_slice %arg8[%dma_wait3A_111, %dma_wait3A_112] : memref<2x128xi32, #tpu.memory_space<vmem>> -> memref<1x128xi32, #tpu.memory_space<vmem>>
    %dma_wait3A_114 = tpu.memref_squeeze %dma_wait3A_113 : memref<1x128xi32, #tpu.memory_space<vmem>> -> memref<128xi32, #tpu.memory_space<vmem>>
    %dma_wait3A_115 = arith.constant 0 : i32
    %dma_wait3A_116 = arith.constant 0 : i32
    %dma_wait3A_117 = tpu.memref_slice %arg2[%dma_wait3A_115, %dma_wait3A_116] : memref<10000x128xf32, #tpu.memory_space<hbm>> -> memref<10000x128xf32, #tpu.memory_space<hbm>>
    tpu.wait_indirect_dma semaphore(%arg17 : memref<!tpu.dma_semaphore, #tpu.memory_space<semaphore_mem>>) src(%dma_wait3A_117 : memref<10000x128xf32, #tpu.memory_space<hbm>>) dst(%arg11 : memref<128x128xf32, #tpu.memory_space<vmem>>)
    %dma_start3A_118 = arith.constant 1 : i32
    %dma_start3A_119 = arith.constant 0 : i32
    %dma_start3A_120 = tpu.memref_slice %arg8[%dma_start3A_118, %dma_start3A_119] : memref<2x128xi32, #tpu.memory_space<vmem>> -> memref<1x128xi32, #tpu.memory_space<vmem>>
    %dma_start3A_121 = tpu.memref_squeeze %dma_start3A_120 : memref<1x128xi32, #tpu.memory_space<vmem>> -> memref<128xi32, #tpu.memory_space<vmem>>
    %dma_start3A_122 = arith.constant 0 : i32
    %dma_start3A_123 = arith.constant 0 : i32
    %dma_start3A_124 = tpu.memref_slice %arg23[%dma_start3A_122, %dma_start3A_123] : memref<10000x128xf32, #tpu.memory_space<vmem_shared>> -> memref<10000x128xf32, #tpu.memory_space<vmem_shared>>
    tpu.enqueue_indirect_dma source(%arg11 : memref<128x128xf32, #tpu.memory_space<vmem>>) target(%dma_start3A_124 : memref<10000x128xf32, #tpu.memory_space<vmem_shared>>) offsets(%dma_start3A_121 : memref<128xi32, #tpu.memory_space<vmem>>) semaphore(%arg20 : memref<!tpu.dma_semaphore, #tpu.memory_space<semaphore_mem>>) {add = true}
    %dma_wait3A_125 = arith.constant 0 : i32
    %dma_wait3A_126 = arith.constant 0 : i32
    %dma_wait3A_127 = tpu.memref_slice %arg9[%dma_wait3A_125, %dma_wait3A_126] : memref<2x128xi32, #tpu.memory_space<vmem>> -> memref<1x128xi32, #tpu.memory_space<vmem>>
    %dma_wait3A_128 = tpu.memref_squeeze %dma_wait3A_127 : memref<1x128xi32, #tpu.memory_space<vmem>> -> memref<128xi32, #tpu.memory_space<vmem>>
    %dma_wait3A_129 = arith.constant 0 : i32
    %dma_wait3A_130 = arith.constant 0 : i32
    %dma_wait3A_131 = tpu.memref_slice %arg2[%dma_wait3A_129, %dma_wait3A_130] : memref<10000x128xf32, #tpu.memory_space<hbm>> -> memref<10000x128xf32, #tpu.memory_space<hbm>>
    tpu.wait_indirect_dma semaphore(%arg18 : memref<!tpu.dma_semaphore, #tpu.memory_space<semaphore_mem>>) src(%dma_wait3A_131 : memref<10000x128xf32, #tpu.memory_space<hbm>>) dst(%arg12 : memref<128x128xf32, #tpu.memory_space<vmem>>)
    %dma_start3A_132 = arith.constant 1 : i32
    %dma_start3A_133 = arith.constant 0 : i32
    %dma_start3A_134 = tpu.memref_slice %arg9[%dma_start3A_132, %dma_start3A_133] : memref<2x128xi32, #tpu.memory_space<vmem>> -> memref<1x128xi32, #tpu.memory_space<vmem>>
    %dma_start3A_135 = tpu.memref_squeeze %dma_start3A_134 : memref<1x128xi32, #tpu.memory_space<vmem>> -> memref<128xi32, #tpu.memory_space<vmem>>
    %dma_start3A_136 = arith.constant 0 : i32
    %dma_start3A_137 = arith.constant 0 : i32
    %dma_start3A_138 = tpu.memref_slice %arg23[%dma_start3A_136, %dma_start3A_137] : memref<10000x128xf32, #tpu.memory_space<vmem_shared>> -> memref<10000x128xf32, #tpu.memory_space<vmem_shared>>
    tpu.enqueue_indirect_dma source(%arg12 : memref<128x128xf32, #tpu.memory_space<vmem>>) target(%dma_start3A_138 : memref<10000x128xf32, #tpu.memory_space<vmem_shared>>) offsets(%dma_start3A_135 : memref<128xi32, #tpu.memory_space<vmem>>) semaphore(%arg21 : memref<!tpu.dma_semaphore, #tpu.memory_space<semaphore_mem>>) {add = true}
    %dma_wait3A_139 = arith.constant 1 : i32
    %dma_wait3A_140 = arith.constant 0 : i32
    %dma_wait3A_141 = tpu.memref_slice %arg7[%dma_wait3A_139, %dma_wait3A_140] : memref<2x128xi32, #tpu.memory_space<vmem>> -> memref<1x128xi32, #tpu.memory_space<vmem>>
    %dma_wait3A_142 = tpu.memref_squeeze %dma_wait3A_141 : memref<1x128xi32, #tpu.memory_space<vmem>> -> memref<128xi32, #tpu.memory_space<vmem>>
    %dma_wait3A_143 = arith.constant 0 : i32
    %dma_wait3A_144 = arith.constant 0 : i32
    %dma_wait3A_145 = tpu.memref_slice %arg23[%dma_wait3A_143, %dma_wait3A_144] : memref<10000x128xf32, #tpu.memory_space<vmem_shared>> -> memref<10000x128xf32, #tpu.memory_space<vmem_shared>>
    tpu.wait_indirect_dma semaphore(%arg19 : memref<!tpu.dma_semaphore, #tpu.memory_space<semaphore_mem>>) src(%arg10 : memref<128x128xf32, #tpu.memory_space<vmem>>) dst(%dma_wait3A_145 : memref<10000x128xf32, #tpu.memory_space<vmem_shared>>)
    %dma_wait3A_146 = arith.constant 1 : i32
    %dma_wait3A_147 = arith.constant 0 : i32
    %dma_wait3A_148 = tpu.memref_slice %arg8[%dma_wait3A_146, %dma_wait3A_147] : memref<2x128xi32, #tpu.memory_space<vmem>> -> memref<1x128xi32, #tpu.memory_space<vmem>>
    %dma_wait3A_149 = tpu.memref_squeeze %dma_wait3A_148 : memref<1x128xi32, #tpu.memory_space<vmem>> -> memref<128xi32, #tpu.memory_space<vmem>>
    %dma_wait3A_150 = arith.constant 0 : i32
    %dma_wait3A_151 = arith.constant 0 : i32
    %dma_wait3A_152 = tpu.memref_slice %arg23[%dma_wait3A_150, %dma_wait3A_151] : memref<10000x128xf32, #tpu.memory_space<vmem_shared>> -> memref<10000x128xf32, #tpu.memory_space<vmem_shared>>
    tpu.wait_indirect_dma semaphore(%arg20 : memref<!tpu.dma_semaphore, #tpu.memory_space<semaphore_mem>>) src(%arg11 : memref<128x128xf32, #tpu.memory_space<vmem>>) dst(%dma_wait3A_152 : memref<10000x128xf32, #tpu.memory_space<vmem_shared>>)
    %dma_wait3A_153 = arith.constant 1 : i32
    %dma_wait3A_154 = arith.constant 0 : i32
    %dma_wait3A_155 = tpu.memref_slice %arg9[%dma_wait3A_153, %dma_wait3A_154] : memref<2x128xi32, #tpu.memory_space<vmem>> -> memref<1x128xi32, #tpu.memory_space<vmem>>
    %dma_wait3A_156 = tpu.memref_squeeze %dma_wait3A_155 : memref<1x128xi32, #tpu.memory_space<vmem>> -> memref<128xi32, #tpu.memory_space<vmem>>
    %dma_wait3A_157 = arith.constant 0 : i32
    %dma_wait3A_158 = arith.constant 0 : i32
    %dma_wait3A_159 = tpu.memref_slice %arg23[%dma_wait3A_157, %dma_wait3A_158] : memref<10000x128xf32, #tpu.memory_space<vmem_shared>> -> memref<10000x128xf32, #tpu.memory_space<vmem_shared>>
    tpu.wait_indirect_dma semaphore(%arg21 : memref<!tpu.dma_semaphore, #tpu.memory_space<semaphore_mem>>) src(%arg12 : memref<128x128xf32, #tpu.memory_space<vmem>>) dst(%dma_wait3A_159 : memref<10000x128xf32, #tpu.memory_space<vmem_shared>>)
    %dma_start3A_160 = arith.constant 0 : i32
    %dma_start3A_161 = arith.constant 0 : i32
    %dma_start3A_162 = tpu.memref_slice %arg4[%add3A, %dma_start3A_160, %dma_start3A_161] : memref<32x2x16xi32, #tpu.memory_space<hbm>> -> memref<1x2x16xi32, #tpu.memory_space<hbm>>
    %dma_start3A_163 = tpu.memref_squeeze %dma_start3A_162 : memref<1x2x16xi32, #tpu.memory_space<hbm>> -> memref<2x16xi32, #tpu.memory_space<hbm>>
    %dma_start3A_164 = arith.constant 0 : i32
    %dma_start3A_165 = arith.constant 0 : i32
    %dma_start3A_166 = tpu.memref_slice %arg4[%add3A, %dma_start3A_164, %dma_start3A_165] : memref<32x2x16xi32, #tpu.memory_space<hbm>> -> memref<1x2x16xi32, #tpu.memory_space<hbm>>
    %dma_start3A_167 = tpu.memref_squeeze %dma_start3A_166 : memref<1x2x16xi32, #tpu.memory_space<hbm>> -> memref<2x16xi32, #tpu.memory_space<hbm>>
    tpu.enqueue_dma source(%dma_start3A_167 : memref<2x16xi32, #tpu.memory_space<hbm>>) target(%arg22 : memref<2x16xi32, #tpu.memory_space<vmem>>) target_semaphore(%arg13 : memref<!tpu.dma_semaphore, #tpu.memory_space<semaphore_mem>>)
    %dma_wait3A_168 = arith.constant 0 : i32
    %dma_wait3A_169 = arith.constant 0 : i32
    %dma_wait3A_170 = arith.constant 0 : i32
    %dma_wait3A_171 = tpu.memref_slice %arg4[%dma_wait3A_168, %dma_wait3A_169, %dma_wait3A_170] : memref<32x2x16xi32, #tpu.memory_space<hbm>> -> memref<1x2x16xi32, #tpu.memory_space<hbm>>
    %dma_wait3A_172 = tpu.memref_squeeze %dma_wait3A_171 : memref<1x2x16xi32, #tpu.memory_space<hbm>> -> memref<2x16xi32, #tpu.memory_space<hbm>>
    %dma_wait3A_173 = arith.constant 0 : i32
    %dma_wait3A_174 = arith.constant 0 : i32
    %dma_wait3A_175 = tpu.memref_slice %arg4[%dma_wait3A_168, %dma_wait3A_173, %dma_wait3A_174] : memref<32x2x16xi32, #tpu.memory_space<hbm>> -> memref<1x2x16xi32, #tpu.memory_space<hbm>>
    %dma_wait3A_176 = tpu.memref_squeeze %dma_wait3A_175 : memref<1x2x16xi32, #tpu.memory_space<hbm>> -> memref<2x16xi32, #tpu.memory_space<hbm>>
    tpu.wait_dma2 semaphore(%arg13 : memref<!tpu.dma_semaphore, #tpu.memory_space<semaphore_mem>>) src(%dma_wait3A_176 : memref<2x16xi32, #tpu.memory_space<hbm>>) dst(%arg22 : memref<2x16xi32, #tpu.memory_space<vmem>>)
    %dma_start3A_177 = arith.constant 0 : i32
    %dma_start3A_178 = arith.constant 0 : i32
    %dma_start3A_179 = arith.constant 0 : i32
    %dma_start3A_180 = tpu.memref_slice %arg10[%dma_start3A_178, %dma_start3A_179] : memref<128x128xf32, #tpu.memory_space<vmem>> -> memref<16x128xf32, #tpu.memory_space<vmem>>
    %dma_start3A_181 = arith.constant 0 : i32
    %dma_start3A_182 = tpu.memref_slice %arg22[%dma_start3A_177, %dma_start3A_181] : memref<2x16xi32, #tpu.memory_space<vmem>> -> memref<1x16xi32, #tpu.memory_space<vmem>>
    %dma_start3A_183 = tpu.memref_squeeze %dma_start3A_182 : memref<1x16xi32, #tpu.memory_space<vmem>> -> memref<16xi32, #tpu.memory_space<vmem>>
    %dma_start3A_184 = arith.constant 0 : i32
    %dma_start3A_185 = arith.constant 0 : i32
    %dma_start3A_186 = tpu.memref_slice %arg2[%dma_start3A_184, %dma_start3A_185] : memref<10000x128xf32, #tpu.memory_space<hbm>> -> memref<10000x128xf32, #tpu.memory_space<hbm>>
    tpu.enqueue_indirect_dma source(%dma_start3A_186 : memref<10000x128xf32, #tpu.memory_space<hbm>>) target(%dma_start3A_180 : memref<16x128xf32, #tpu.memory_space<vmem>>) offsets(%dma_start3A_183 : memref<16xi32, #tpu.memory_space<vmem>>) semaphore(%arg16 : memref<!tpu.dma_semaphore, #tpu.memory_space<semaphore_mem>>)
    %dma_wait3A_187 = arith.constant 0 : i32
    %dma_wait3A_188 = arith.constant 0 : i32
    %dma_wait3A_189 = arith.constant 0 : i32
    %dma_wait3A_190 = tpu.memref_slice %arg10[%dma_wait3A_188, %dma_wait3A_189] : memref<128x128xf32, #tpu.memory_space<vmem>> -> memref<16x128xf32, #tpu.memory_space<vmem>>
    %dma_wait3A_191 = arith.constant 0 : i32
    %dma_wait3A_192 = tpu.memref_slice %arg22[%dma_wait3A_187, %dma_wait3A_191] : memref<2x16xi32, #tpu.memory_space<vmem>> -> memref<1x16xi32, #tpu.memory_space<vmem>>
    %dma_wait3A_193 = tpu.memref_squeeze %dma_wait3A_192 : memref<1x16xi32, #tpu.memory_space<vmem>> -> memref<16xi32, #tpu.memory_space<vmem>>
    %dma_wait3A_194 = arith.constant 0 : i32
    %dma_wait3A_195 = arith.constant 0 : i32
    %dma_wait3A_196 = tpu.memref_slice %arg2[%dma_wait3A_194, %dma_wait3A_195] : memref<10000x128xf32, #tpu.memory_space<hbm>> -> memref<10000x128xf32, #tpu.memory_space<hbm>>
    tpu.wait_indirect_dma semaphore(%arg16 : memref<!tpu.dma_semaphore, #tpu.memory_space<semaphore_mem>>) src(%dma_wait3A_196 : memref<10000x128xf32, #tpu.memory_space<hbm>>) dst(%dma_wait3A_190 : memref<16x128xf32, #tpu.memory_space<vmem>>)
    %run_scoped3A = arith.constant 1 : i32
    "tpu.region"() ({
      %run_scoped3A_207 = tpu.sem_alloc : memref<!tpu.dma_semaphore, #tpu.memory_space<semaphore_mem>>
      %dma_start3A_208 = arith.constant 0 : i32
      %dma_start3A_209 = arith.constant 0 : i32
      %dma_start3A_210 = tpu.memref_slice %arg10[%dma_start3A_208, %dma_start3A_209] : memref<128x128xf32, #tpu.memory_space<vmem>> -> memref<16x128xf32, #tpu.memory_space<vmem>>
      %dma_start3A_211 = arith.constant 0 : i32
      %dma_start3A_212 = tpu.memref_slice %arg22[%run_scoped3A, %dma_start3A_211] : memref<2x16xi32, #tpu.memory_space<vmem>> -> memref<1x16xi32, #tpu.memory_space<vmem>>
      %dma_start3A_213 = tpu.memref_squeeze %dma_start3A_212 : memref<1x16xi32, #tpu.memory_space<vmem>> -> memref<16xi32, #tpu.memory_space<vmem>>
      %dma_start3A_214 = arith.constant 0 : i32
      %dma_start3A_215 = arith.constant 0 : i32
      %dma_start3A_216 = tpu.memref_slice %arg23[%dma_start3A_214, %dma_start3A_215] : memref<10000x128xf32, #tpu.memory_space<vmem_shared>> -> memref<10000x128xf32, #tpu.memory_space<vmem_shared>>
      tpu.enqueue_indirect_dma source(%dma_start3A_210 : memref<16x128xf32, #tpu.memory_space<vmem>>) target(%dma_start3A_216 : memref<10000x128xf32, #tpu.memory_space<vmem_shared>>) offsets(%dma_start3A_213 : memref<16xi32, #tpu.memory_space<vmem>>) semaphore(%run_scoped3A_207 : memref<!tpu.dma_semaphore, #tpu.memory_space<semaphore_mem>>) {add = true}
      %dma_wait3A_217 = arith.constant 0 : i32
      %dma_wait3A_218 = arith.constant 0 : i32
      %dma_wait3A_219 = tpu.memref_slice %arg10[%dma_wait3A_217, %dma_wait3A_218] : memref<128x128xf32, #tpu.memory_space<vmem>> -> memref<16x128xf32, #tpu.memory_space<vmem>>
      %dma_wait3A_220 = arith.constant 0 : i32
      %dma_wait3A_221 = tpu.memref_slice %arg22[%run_scoped3A, %dma_wait3A_220] : memref<2x16xi32, #tpu.memory_space<vmem>> -> memref<1x16xi32, #tpu.memory_space<vmem>>
      %dma_wait3A_222 = tpu.memref_squeeze %dma_wait3A_221 : memref<1x16xi32, #tpu.memory_space<vmem>> -> memref<16xi32, #tpu.memory_space<vmem>>
      %dma_wait3A_223 = arith.constant 0 : i32
      %dma_wait3A_224 = arith.constant 0 : i32
      %dma_wait3A_225 = tpu.memref_slice %arg23[%dma_wait3A_223, %dma_wait3A_224] : memref<10000x128xf32, #tpu.memory_space<vmem_shared>> -> memref<10000x128xf32, #tpu.memory_space<vmem_shared>>
      tpu.wait_indirect_dma semaphore(%run_scoped3A_207 : memref<!tpu.dma_semaphore, #tpu.memory_space<semaphore_mem>>) src(%dma_wait3A_219 : memref<16x128xf32, #tpu.memory_space<vmem>>) dst(%dma_wait3A_225 : memref<10000x128xf32, #tpu.memory_space<vmem_shared>>)
      tpu.yield
    }) : () -> ()
    %barrier3A_197 = arith.constant 0 : index
    tpu.barrier barrier_id(%barrier3A_197)
    %mul3A_198 = arith.constant 624 : i32
    %mul3A_199 = arith.muli %arg1, %mul3A_198 : i32
    %mul3A_200 = arith.constant 624 : i32
    %mul3A_201 = arith.muli %arg1, %mul3A_200 : i32
    "tpu.region"() ({
      %run_scoped3A_207 = tpu.sem_alloc : memref<!tpu.dma_semaphore, #tpu.memory_space<semaphore_mem>>
      %dma_start3A_208 = arith.constant 0 : i32
      %dma_start3A_209 = tpu.memref_slice %arg6[%arg0, %mul3A_201, %dma_start3A_208] : memref<2x10000x128xf32, #tpu.memory_space<hbm>> -> memref<1x624x128xf32, #tpu.memory_space<hbm>>
      %dma_start3A_210 = tpu.memref_squeeze %dma_start3A_209 : memref<1x624x128xf32, #tpu.memory_space<hbm>> -> memref<624x128xf32, #tpu.memory_space<hbm>>
      %dma_start3A_211 = arith.constant 0 : i32
      %dma_start3A_212 = tpu.memref_slice %arg23[%mul3A_199, %dma_start3A_211] : memref<10000x128xf32, #tpu.memory_space<vmem_shared>> -> memref<624x128xf32, #tpu.memory_space<vmem_shared>>
      tpu.enqueue_dma source(%dma_start3A_212 : memref<624x128xf32, #tpu.memory_space<vmem_shared>>) target(%dma_start3A_210 : memref<624x128xf32, #tpu.memory_space<hbm>>) target_semaphore(%run_scoped3A_207 : memref<!tpu.dma_semaphore, #tpu.memory_space<semaphore_mem>>)
      %dma_wait3A_213 = arith.constant 0 : i32
      %dma_wait3A_214 = tpu.memref_slice %arg6[%arg0, %mul3A_201, %dma_wait3A_213] : memref<2x10000x128xf32, #tpu.memory_space<hbm>> -> memref<1x624x128xf32, #tpu.memory_space<hbm>>
      %dma_wait3A_215 = tpu.memref_squeeze %dma_wait3A_214 : memref<1x624x128xf32, #tpu.memory_space<hbm>> -> memref<624x128xf32, #tpu.memory_space<hbm>>
      %dma_wait3A_216 = arith.constant 0 : i32
      %dma_wait3A_217 = tpu.memref_slice %arg23[%mul3A_199, %dma_wait3A_216] : memref<10000x128xf32, #tpu.memory_space<vmem_shared>> -> memref<624x128xf32, #tpu.memory_space<vmem_shared>>
      tpu.wait_dma2 semaphore(%run_scoped3A_207 : memref<!tpu.dma_semaphore, #tpu.memory_space<semaphore_mem>>) src(%dma_wait3A_217 : memref<624x128xf32, #tpu.memory_space<vmem_shared>>) dst(%dma_wait3A_215 : memref<624x128xf32, #tpu.memory_space<hbm>>)
      tpu.yield
    }) : () -> ()
    %eq3A_202 = arith.constant 0 : i32
    %eq3A_203 = arith.cmpi eq, %arg1, %eq3A_202 : i32
    %convert_element_type3A_204 = arith.extui %eq3A_203 : i1 to i32
    %cond3A_205 = arith.constant 0 : i32
    %cond3A_206 = arith.cmpi ne, %convert_element_type3A_204, %cond3A_205 : i32
    scf.if %cond3A_206 {
      "tpu.region"() ({
        %run_scoped3A_207 = tpu.sem_alloc : memref<!tpu.dma_semaphore, #tpu.memory_space<semaphore_mem>>
        %dma_start3A_208 = arith.constant 9984 : i32
        %dma_start3A_209 = arith.constant 0 : i32
        %dma_start3A_210 = tpu.memref_slice %arg6[%arg0, %dma_start3A_208, %dma_start3A_209] : memref<2x10000x128xf32, #tpu.memory_space<hbm>> -> memref<1x16x128xf32, #tpu.memory_space<hbm>>
        %dma_start3A_211 = tpu.memref_squeeze %dma_start3A_210 : memref<1x16x128xf32, #tpu.memory_space<hbm>> -> memref<16x128xf32, #tpu.memory_space<hbm>>
        %dma_start3A_212 = arith.constant 9984 : i32
        %dma_start3A_213 = arith.constant 0 : i32
        %dma_start3A_214 = tpu.memref_slice %arg23[%dma_start3A_212, %dma_start3A_213] : memref<10000x128xf32, #tpu.memory_space<vmem_shared>> -> memref<16x128xf32, #tpu.memory_space<vmem_shared>>
        tpu.enqueue_dma source(%dma_start3A_214 : memref<16x128xf32, #tpu.memory_space<vmem_shared>>) target(%dma_start3A_211 : memref<16x128xf32, #tpu.memory_space<hbm>>) target_semaphore(%run_scoped3A_207 : memref<!tpu.dma_semaphore, #tpu.memory_space<semaphore_mem>>)
        %dma_wait3A_215 = arith.constant 9984 : i32
        %dma_wait3A_216 = arith.constant 0 : i32
        %dma_wait3A_217 = tpu.memref_slice %arg6[%arg0, %dma_wait3A_215, %dma_wait3A_216] : memref<2x10000x128xf32, #tpu.memory_space<hbm>> -> memref<1x16x128xf32, #tpu.memory_space<hbm>>
        %dma_wait3A_218 = tpu.memref_squeeze %dma_wait3A_217 : memref<1x16x128xf32, #tpu.memory_space<hbm>> -> memref<16x128xf32, #tpu.memory_space<hbm>>
        %dma_wait3A_219 = arith.constant 9984 : i32
        %dma_wait3A_220 = arith.constant 0 : i32
        %dma_wait3A_221 = tpu.memref_slice %arg23[%dma_wait3A_219, %dma_wait3A_220] : memref<10000x128xf32, #tpu.memory_space<vmem_shared>> -> memref<16x128xf32, #tpu.memory_space<vmem_shared>>
        tpu.wait_dma2 semaphore(%run_scoped3A_207 : memref<!tpu.dma_semaphore, #tpu.memory_space<semaphore_mem>>) src(%dma_wait3A_221 : memref<16x128xf32, #tpu.memory_space<vmem_shared>>) dst(%dma_wait3A_218 : memref<16x128xf32, #tpu.memory_space<hbm>>)
        tpu.yield
      }) : () -> ()
    } else {
    }
    return
  }
}

module attributes {stable_mosaic.version = 14 : i64} {
  func.func @_proj_body(%arg0: i32, %arg1: memref<1000x128xf32, #tpu.memory_space<vmem>>, %arg2: memref<128x128xf32, #tpu.memory_space<vmem>>, %arg3: memref<1x128xf32, #tpu.memory_space<vmem>>, %arg4: memref<1000x128xf32, #tpu.memory_space<vmem>>) attributes {dimension_semantics = [#tpu.dimension_semantics<arbitrary>], iteration_bounds = array<i64: 10>, scalar_prefetch = 0 : i64, scratch_operands = 0 : i64, tpu.core_type = #tpu.core_type<tc>, window_params = [{transform_indices = @transform_0, window_bounds = array<i64: 1000, 128>}, {pipeline_mode = #tpu.pipeline_mode<synchronous>, transform_indices = @transform_1, window_bounds = array<i64: 128, 128>}, {pipeline_mode = #tpu.pipeline_mode<synchronous>, transform_indices = @transform_2, window_bounds = array<i64: 1, 128>}, {transform_indices = @transform_3, window_bounds = array<i64: 1000, 128>}]} {
    %get3A = arith.constant 0 : index
    %get3A_0 = arith.constant 0 : index
    %get3A_1 = vector.load %arg1[%get3A, %get3A_0] : memref<1000x128xf32, #tpu.memory_space<vmem>>, vector<1000x128xf32>
    %get3A_2 = arith.constant 0 : index
    %get3A_3 = arith.constant 0 : index
    %get3A_4 = vector.load %arg2[%get3A_2, %get3A_3] : memref<128x128xf32, #tpu.memory_space<vmem>>, vector<128x128xf32>
    %dot_general3A = arith.constant dense<0.000000e+00> : vector<1000x128xf32>
    %dot_general3A_5 = tpu.matmul %get3A_1, %get3A_4, %dot_general3A {dimension_numbers = #tpu.dot_dimension_numbers<[1], [0], [0], [1], [0, 0, 1, 1], [], []>, transpose_lhs_hint = false} : vector<1000x128xf32>, vector<128x128xf32>, vector<1000x128xf32> -> vector<1000x128xf32>
    %get3A_6 = arith.constant 0 : index
    %get3A_7 = arith.constant 0 : index
    %get3A_8 = vector.load %arg3[%get3A_6, %get3A_7] : memref<1x128xf32, #tpu.memory_space<vmem>>, vector<1x128xf32>
    %add3A = vector.broadcast %get3A_8 : vector<1x128xf32> to vector<1000x128xf32>
    %add3A_9 = arith.addf %dot_general3A_5, %add3A : vector<1000x128xf32>
    %swap3A = arith.constant 0 : index
    %swap3A_10 = arith.constant 0 : index
    %swap3A_11 = vector.load %arg4[%swap3A, %swap3A_10] : memref<1000x128xf32, #tpu.memory_space<vmem>>, vector<1000x128xf32>
    tpu.vector_store %arg4[%swap3A, %swap3A_10], %add3A_9 {strides = array<i32>} : memref<1000x128xf32, #tpu.memory_space<vmem>>, vector<1000x128xf32>,
    return
  }
  func.func @transform_0(%arg0: i32) -> (i32, i32) {
    %c0_i32 = arith.constant 0 : i32
    %c0_i32_0 = arith.constant 0 : i32
    return %arg0, %c0_i32 : i32, i32
  }
  func.func @transform_1(%arg0: i32) -> (i32, i32) {
    %c0_i32 = arith.constant 0 : i32
    %c0_i32_0 = arith.constant 0 : i32
    %c0_i32_1 = arith.constant 0 : i32
    return %c0_i32, %c0_i32_0 : i32, i32
  }
  func.func @transform_2(%arg0: i32) -> (i32, i32) {
    %c0_i32 = arith.constant 0 : i32
    %c0_i32_0 = arith.constant 0 : i32
    %c0_i32_1 = arith.constant 0 : i32
    return %c0_i32, %c0_i32_0 : i32, i32
  }
  func.func @transform_3(%arg0: i32) -> (i32, i32) {
    %c0_i32 = arith.constant 0 : i32
    %c0_i32_0 = arith.constant 0 : i32
    return %arg0, %c0_i32 : i32, i32
  }
}

module attributes {stable_mosaic.version = 14 : i64} {
  func.func @_gin_body(%arg0: i32, %arg1: memref<1000x128xf32, #tpu.memory_space<vmem>>, %arg2: memref<1000x128xf32, #tpu.memory_space<vmem>>, %arg3: memref<1000x128xf32, #tpu.memory_space<vmem>>, %arg4: memref<128x128xf32, #tpu.memory_space<vmem>>, %arg5: memref<1x128xf32, #tpu.memory_space<vmem>>, %arg6: memref<1x128xf32, #tpu.memory_space<vmem>>, %arg7: memref<1000x128xf32, #tpu.memory_space<vmem>>) attributes {dimension_semantics = [#tpu.dimension_semantics<arbitrary>], iteration_bounds = array<i64: 10>, scalar_prefetch = 0 : i64, scratch_operands = 0 : i64, tpu.core_type = #tpu.core_type<tc>, window_params = [{transform_indices = @transform_0, window_bounds = array<i64: 1000, 128>}, {transform_indices = @transform_1, window_bounds = array<i64: 1000, 128>}, {transform_indices = @transform_2, window_bounds = array<i64: 1000, 128>}, {pipeline_mode = #tpu.pipeline_mode<synchronous>, transform_indices = @transform_3, window_bounds = array<i64: 128, 128>}, {pipeline_mode = #tpu.pipeline_mode<synchronous>, transform_indices = @transform_4, window_bounds = array<i64: 1, 128>}, {pipeline_mode = #tpu.pipeline_mode<synchronous>, transform_indices = @transform_5, window_bounds = array<i64: 1, 128>}, {transform_indices = @transform_6, window_bounds = array<i64: 1000, 128>}]} {
    %get3A = arith.constant 0 : index
    %get3A_0 = arith.constant 0 : index
    %get3A_1 = vector.load %arg6[%get3A, %get3A_0] : memref<1x128xf32, #tpu.memory_space<vmem>>, vector<1x128xf32>
    %get3A_2 = arith.constant 0 : index
    %get3A_3 = arith.constant 0 : index
    %get3A_4 = vector.load %arg1[%get3A_2, %get3A_3] : memref<1000x128xf32, #tpu.memory_space<vmem>>, vector<1000x128xf32>
    %mul3A = vector.broadcast %get3A_1 : vector<1x128xf32> to vector<1000x128xf32>
    %mul3A_5 = arith.mulf %mul3A, %get3A_4 : vector<1000x128xf32>
    %get3A_6 = arith.constant 0 : index
    %get3A_7 = arith.constant 0 : index
    %get3A_8 = vector.load %arg2[%get3A_6, %get3A_7] : memref<1000x128xf32, #tpu.memory_space<vmem>>, vector<1000x128xf32>
    %add3A = arith.addf %mul3A_5, %get3A_8 : vector<1000x128xf32>
    %get3A_9 = arith.constant 0 : index
    %get3A_10 = arith.constant 0 : index
    %get3A_11 = vector.load %arg3[%get3A_9, %get3A_10] : memref<1000x128xf32, #tpu.memory_space<vmem>>, vector<1000x128xf32>
    %add3A_12 = arith.addf %add3A, %get3A_11 : vector<1000x128xf32>
    %get3A_13 = arith.constant 0 : index
    %get3A_14 = arith.constant 0 : index
    %get3A_15 = vector.load %arg4[%get3A_13, %get3A_14] : memref<128x128xf32, #tpu.memory_space<vmem>>, vector<128x128xf32>
    %dot_general3A = arith.constant dense<0.000000e+00> : vector<1000x128xf32>
    %dot_general3A_16 = tpu.matmul %add3A_12, %get3A_15, %dot_general3A {dimension_numbers = #tpu.dot_dimension_numbers<[1], [0], [0], [1], [0, 0, 1, 1], [], []>, transpose_lhs_hint = false} : vector<1000x128xf32>, vector<128x128xf32>, vector<1000x128xf32> -> vector<1000x128xf32>
    %get3A_17 = arith.constant 0 : index
    %get3A_18 = arith.constant 0 : index
    %get3A_19 = vector.load %arg5[%get3A_17, %get3A_18] : memref<1x128xf32, #tpu.memory_space<vmem>>, vector<1x128xf32>
    %add3A_20 = vector.broadcast %get3A_19 : vector<1x128xf32> to vector<1000x128xf32>
    %add3A_21 = arith.addf %dot_general3A_16, %add3A_20 : vector<1000x128xf32>
    %max3A = arith.constant 0.000000e+00 : f32
    %max3A_22 = vector.broadcast %max3A : f32 to vector<1000x128xf32>
    %max3A_23 = arith.maximumf %add3A_21, %max3A_22 : vector<1000x128xf32>
    %swap3A = arith.constant 0 : index
    %swap3A_24 = arith.constant 0 : index
    %swap3A_25 = vector.load %arg7[%swap3A, %swap3A_24] : memref<1000x128xf32, #tpu.memory_space<vmem>>, vector<1000x128xf32>
    tpu.vector_store %arg7[%swap3A, %swap3A_24], %max3A_23 {strides = array<i32>} : memref<1000x128xf32, #tpu.memory_space<vmem>>, vector<1000x128xf32>,
    return
  }
  func.func @transform_0(%arg0: i32) -> (i32, i32) {
    %c0_i32 = arith.constant 0 : i32
    %c0_i32_0 = arith.constant 0 : i32
    return %arg0, %c0_i32 : i32, i32
  }
  func.func @transform_1(%arg0: i32) -> (i32, i32) {
    %c0_i32 = arith.constant 0 : i32
    %c0_i32_0 = arith.constant 0 : i32
    return %arg0, %c0_i32 : i32, i32
  }
  func.func @transform_2(%arg0: i32) -> (i32, i32) {
    %c0_i32 = arith.constant 0 : i32
    %c0_i32_0 = arith.constant 0 : i32
    return %arg0, %c0_i32 : i32, i32
  }
  func.func @transform_3(%arg0: i32) -> (i32, i32) {
    %c0_i32 = arith.constant 0 : i32
    %c0_i32_0 = arith.constant 0 : i32
    %c0_i32_1 = arith.constant 0 : i32
    return %c0_i32, %c0_i32_0 : i32, i32
  }
  func.func @transform_4(%arg0: i32) -> (i32, i32) {
    %c0_i32 = arith.constant 0 : i32
    %c0_i32_0 = arith.constant 0 : i32
    %c0_i32_1 = arith.constant 0 : i32
    return %c0_i32, %c0_i32_0 : i32, i32
  }
  func.func @transform_5(%arg0: i32) -> (i32, i32) {
    %c0_i32 = arith.constant 0 : i32
    %c0_i32_0 = arith.constant 0 : i32
    %c0_i32_1 = arith.constant 0 : i32
    return %c0_i32, %c0_i32_0 : i32, i32
  }
  func.func @transform_6(%arg0: i32) -> (i32, i32) {
    %c0_i32 = arith.constant 0 : i32
    %c0_i32_0 = arith.constant 0 : i32
    return %arg0, %c0_i32 : i32, i32
  }
}

module attributes {stable_mosaic.version = 14 : i64} {
  func.func @_rhead_body(%arg0: i32, %arg1: memref<1000x128xf32, #tpu.memory_space<vmem>>, %arg2: memref<1000x128xf32, #tpu.memory_space<vmem>>, %arg3: memref<1000x128xf32, #tpu.memory_space<vmem>>, %arg4: memref<1000x128xf32, #tpu.memory_space<vmem>>, %arg5: memref<1000x1xi32, #tpu.memory_space<vmem>>, %arg6: memref<256x128xf32, #tpu.memory_space<vmem>>, %arg7: memref<512x256xf32, #tpu.memory_space<vmem>>, %arg8: memref<128x256xf32, #tpu.memory_space<vmem>>, %arg9: memref<1x256xf32, #tpu.memory_space<vmem>>, %arg10: memref<256x256xf32, #tpu.memory_space<vmem>>, %arg11: memref<1x256xf32, #tpu.memory_space<vmem>>, %arg12: memref<256x128xf32, #tpu.memory_space<vmem>>, %arg13: memref<1x128xf32, #tpu.memory_space<vmem>>, %arg14: memref<256x128xf32, #tpu.memory_space<vmem>>, %arg15: memref<256x128xf32, #tpu.memory_space<vmem>>, %arg16: memref<256x128xf32, #tpu.memory_space<vmem>>, %arg17: memref<256x128xf32, #tpu.memory_space<vmem>>, %arg18: memref<256x128xf32, #tpu.memory_space<vmem>>) attributes {dimension_semantics = [#tpu.dimension_semantics<arbitrary>], iteration_bounds = array<i64: 10>, scalar_prefetch = 0 : i64, scratch_operands = 4 : i64, tpu.core_type = #tpu.core_type<tc>, window_params = [{transform_indices = @transform_0, window_bounds = array<i64: 1000, 128>}, {transform_indices = @transform_1, window_bounds = array<i64: 1000, 128>}, {transform_indices = @transform_2, window_bounds = array<i64: 1000, 128>}, {transform_indices = @transform_3, window_bounds = array<i64: 1000, 128>}, {transform_indices = @transform_4, window_bounds = array<i64: 1000, 1>}, {pipeline_mode = #tpu.pipeline_mode<synchronous>, transform_indices = @transform_5, window_bounds = array<i64: 256, 128>}, {pipeline_mode = #tpu.pipeline_mode<synchronous>, transform_indices = @transform_6, window_bounds = array<i64: 512, 256>}, {pipeline_mode = #tpu.pipeline_mode<synchronous>, transform_indices = @transform_7, window_bounds = array<i64: 128, 256>}, {pipeline_mode = #tpu.pipeline_mode<synchronous>, transform_indices = @transform_8, window_bounds = array<i64: 1, 256>}, {pipeline_mode = #tpu.pipeline_mode<synchronous>, transform_indices = @transform_9, window_bounds = array<i64: 256, 256>}, {pipeline_mode = #tpu.pipeline_mode<synchronous>, transform_indices = @transform_10, window_bounds = array<i64: 1, 256>}, {pipeline_mode = #tpu.pipeline_mode<synchronous>, transform_indices = @transform_11, window_bounds = array<i64: 256, 128>}, {pipeline_mode = #tpu.pipeline_mode<synchronous>, transform_indices = @transform_12, window_bounds = array<i64: 1, 128>}, {pipeline_mode = #tpu.pipeline_mode<synchronous>, transform_indices = @transform_13, window_bounds = array<i64: 256, 128>}]} {
    %eq3A = arith.constant 0 : i32
    %eq3A_0 = arith.cmpi eq, %arg0, %eq3A : i32
    %convert_element_type3A = arith.extui %eq3A_0 : i1 to i32
    %cond3A = arith.constant 0 : i32
    %cond3A_1 = arith.cmpi ne, %convert_element_type3A, %cond3A : i32
    scf.if %cond3A_1 {
      %broadcast_in_dim3A = arith.constant 0.000000e+00 : f32
      %broadcast_in_dim3A_58 = vector.broadcast %broadcast_in_dim3A : f32 to vector<256x128xf32>
      %swap3A_59 = arith.constant 0 : index
      %swap3A_60 = arith.constant 0 : index
      %swap3A_61 = vector.load %arg15[%swap3A_59, %swap3A_60] : memref<256x128xf32, #tpu.memory_space<vmem>>, vector<256x128xf32>
      tpu.vector_store %arg15[%swap3A_59, %swap3A_60], %broadcast_in_dim3A_58 {strides = array<i32>} : memref<256x128xf32, #tpu.memory_space<vmem>>, vector<256x128xf32>,
      %broadcast_in_dim3A_62 = arith.constant 0.000000e+00 : f32
      %broadcast_in_dim3A_63 = vector.broadcast %broadcast_in_dim3A_62 : f32 to vector<256x128xf32>
      %swap3A_64 = arith.constant 0 : index
      %swap3A_65 = arith.constant 0 : index
      %swap3A_66 = vector.load %arg16[%swap3A_64, %swap3A_65] : memref<256x128xf32, #tpu.memory_space<vmem>>, vector<256x128xf32>
      tpu.vector_store %arg16[%swap3A_64, %swap3A_65], %broadcast_in_dim3A_63 {strides = array<i32>} : memref<256x128xf32, #tpu.memory_space<vmem>>, vector<256x128xf32>,
      %broadcast_in_dim3A_67 = arith.constant 0.000000e+00 : f32
      %broadcast_in_dim3A_68 = vector.broadcast %broadcast_in_dim3A_67 : f32 to vector<256x128xf32>
      %swap3A_69 = arith.constant 0 : index
      %swap3A_70 = arith.constant 0 : index
      %swap3A_71 = vector.load %arg17[%swap3A_69, %swap3A_70] : memref<256x128xf32, #tpu.memory_space<vmem>>, vector<256x128xf32>
      tpu.vector_store %arg17[%swap3A_69, %swap3A_70], %broadcast_in_dim3A_68 {strides = array<i32>} : memref<256x128xf32, #tpu.memory_space<vmem>>, vector<256x128xf32>,
      %broadcast_in_dim3A_72 = arith.constant 0.000000e+00 : f32
      %broadcast_in_dim3A_73 = vector.broadcast %broadcast_in_dim3A_72 : f32 to vector<256x128xf32>
      %swap3A_74 = arith.constant 0 : index
      %swap3A_75 = arith.constant 0 : index
      %swap3A_76 = vector.load %arg18[%swap3A_74, %swap3A_75] : memref<256x128xf32, #tpu.memory_space<vmem>>, vector<256x128xf32>
      tpu.vector_store %arg18[%swap3A_74, %swap3A_75], %broadcast_in_dim3A_73 {strides = array<i32>} : memref<256x128xf32, #tpu.memory_space<vmem>>, vector<256x128xf32>,
    } else {
    }
    %iota3A = tpu.iota {dimensions = array<i32: 1>} : vector<1000x256xi32>
    %get3A = arith.constant 0 : index
    %get3A_2 = arith.constant 0 : index
    %get3A_3 = vector.load %arg5[%get3A, %get3A_2] : memref<1000x1xi32, #tpu.memory_space<vmem>>, vector<1000x1xi32>
    %eq3A_4 = vector.broadcast %get3A_3 : vector<1000x1xi32> to vector<1000x256xi32>
    %eq3A_5 = arith.cmpi eq, %eq3A_4, %iota3A : vector<1000x256xi32>
    %convert_element_type3A_6 = arith.extui %eq3A_5 : vector<1000x256xi1> to vector<1000x256xi32>
    %convert_element_type3A_7 = arith.sitofp %convert_element_type3A_6 : vector<1000x256xi32> to vector<1000x256xf32>
    %get3A_8 = arith.constant 0 : index
    %get3A_9 = arith.constant 0 : index
    %get3A_10 = vector.load %arg15[%get3A_8, %get3A_9] : memref<256x128xf32, #tpu.memory_space<vmem>>, vector<256x128xf32>
    %get3A_11 = arith.constant 0 : index
    %get3A_12 = arith.constant 0 : index
    %get3A_13 = vector.load %arg1[%get3A_11, %get3A_12] : memref<1000x128xf32, #tpu.memory_space<vmem>>, vector<1000x128xf32>
    %dot_general3A = arith.constant dense<0.000000e+00> : vector<256x128xf32>
    %dot_general3A_14 = tpu.matmul %convert_element_type3A_7, %get3A_13, %dot_general3A {dimension_numbers = #tpu.dot_dimension_numbers<[0], [0], [1], [1], [0, 1, 1, 1], [], []>, precision = #tpu.contract_precision<fp32>, transpose_lhs_hint = false} : vector<1000x256xf32>, vector<1000x128xf32>, vector<256x128xf32> -> vector<256x128xf32>
    %add3A = arith.addf %get3A_10, %dot_general3A_14 : vector<256x128xf32>
    %swap3A = arith.constant 0 : index
    %swap3A_15 = arith.constant 0 : index
    %swap3A_16 = vector.load %arg15[%swap3A, %swap3A_15] : memref<256x128xf32, #tpu.memory_space<vmem>>, vector<256x128xf32>
    tpu.vector_store %arg15[%swap3A, %swap3A_15], %add3A {strides = array<i32>} : memref<256x128xf32, #tpu.memory_space<vmem>>, vector<256x128xf32>,
    %get3A_17 = arith.constant 0 : index
    %get3A_18 = arith.constant 0 : index
    %get3A_19 = vector.load %arg16[%get3A_17, %get3A_18] : memref<256x128xf32, #tpu.memory_space<vmem>>, vector<256x128xf32>
    %get3A_20 = arith.constant 0 : index
    %get3A_21 = arith.constant 0 : index
    %get3A_22 = vector.load %arg2[%get3A_20, %get3A_21] : memref<1000x128xf32, #tpu.memory_space<vmem>>, vector<1000x128xf32>
    %dot_general3A_23 = arith.constant dense<0.000000e+00> : vector<256x128xf32>
    %dot_general3A_24 = tpu.matmul %convert_element_type3A_7, %get3A_22, %dot_general3A_23 {dimension_numbers = #tpu.dot_dimension_numbers<[0], [0], [1], [1], [0, 1, 1, 1], [], []>, precision = #tpu.contract_precision<fp32>, transpose_lhs_hint = false} : vector<1000x256xf32>, vector<1000x128xf32>, vector<256x128xf32> -> vector<256x128xf32>
    %add3A_25 = arith.addf %get3A_19, %dot_general3A_24 : vector<256x128xf32>
    %swap3A_26 = arith.constant 0 : index
    %swap3A_27 = arith.constant 0 : index
    %swap3A_28 = vector.load %arg16[%swap3A_26, %swap3A_27] : memref<256x128xf32, #tpu.memory_space<vmem>>, vector<256x128xf32>
    tpu.vector_store %arg16[%swap3A_26, %swap3A_27], %add3A_25 {strides = array<i32>} : memref<256x128xf32, #tpu.memory_space<vmem>>, vector<256x128xf32>,
    %get3A_29 = arith.constant 0 : index
    %get3A_30 = arith.constant 0 : index
    %get3A_31 = vector.load %arg17[%get3A_29, %get3A_30] : memref<256x128xf32, #tpu.memory_space<vmem>>, vector<256x128xf32>
    %get3A_32 = arith.constant 0 : index
    %get3A_33 = arith.constant 0 : index
    %get3A_34 = vector.load %arg3[%get3A_32, %get3A_33] : memref<1000x128xf32, #tpu.memory_space<vmem>>, vector<1000x128xf32>
    %dot_general3A_35 = arith.constant dense<0.000000e+00> : vector<256x128xf32>
    %dot_general3A_36 = tpu.matmul %convert_element_type3A_7, %get3A_34, %dot_general3A_35 {dimension_numbers = #tpu.dot_dimension_numbers<[0], [0], [1], [1], [0, 1, 1, 1], [], []>, precision = #tpu.contract_precision<fp32>, transpose_lhs_hint = false} : vector<1000x256xf32>, vector<1000x128xf32>, vector<256x128xf32> -> vector<256x128xf32>
    %add3A_37 = arith.addf %get3A_31, %dot_general3A_36 : vector<256x128xf32>
    %swap3A_38 = arith.constant 0 : index
    %swap3A_39 = arith.constant 0 : index
    %swap3A_40 = vector.load %arg17[%swap3A_38, %swap3A_39] : memref<256x128xf32, #tpu.memory_space<vmem>>, vector<256x128xf32>
    tpu.vector_store %arg17[%swap3A_38, %swap3A_39], %add3A_37 {strides = array<i32>} : memref<256x128xf32, #tpu.memory_space<vmem>>, vector<256x128xf32>,
    %get3A_41 = arith.constant 0 : index
    %get3A_42 = arith.constant 0 : index
    %get3A_43 = vector.load %arg18[%get3A_41, %get3A_42] : memref<256x128xf32, #tpu.memory_space<vmem>>, vector<256x128xf32>
    %get3A_44 = arith.constant 0 : index
    %get3A_45 = arith.constant 0 : index
    %get3A_46 = vector.load %arg4[%get3A_44, %get3A_45] : memref<1000x128xf32, #tpu.memory_space<vmem>>, vector<1000x128xf32>
    %dot_general3A_47 = arith.constant dense<0.000000e+00> : vector<256x128xf32>
    %dot_general3A_48 = tpu.matmul %convert_element_type3A_7, %get3A_46, %dot_general3A_47 {dimension_numbers = #tpu.dot_dimension_numbers<[0], [0], [1], [1], [0, 1, 1, 1], [], []>, precision = #tpu.contract_precision<fp32>, transpose_lhs_hint = false} : vector<1000x256xf32>, vector<1000x128xf32>, vector<256x128xf32> -> vector<256x128xf32>
    %add3A_49 = arith.addf %get3A_43, %dot_general3A_48 : vector<256x128xf32>
    %swap3A_50 = arith.constant 0 : index
    %swap3A_51 = arith.constant 0 : index
    %swap3A_52 = vector.load %arg18[%swap3A_50, %swap3A_51] : memref<256x128xf32, #tpu.memory_space<vmem>>, vector<256x128xf32>
    tpu.vector_store %arg18[%swap3A_50, %swap3A_51], %add3A_49 {strides = array<i32>} : memref<256x128xf32, #tpu.memory_space<vmem>>, vector<256x128xf32>,
    %eq3A_53 = arith.constant 9 : i32
    %eq3A_54 = arith.cmpi eq, %arg0, %eq3A_53 : i32
    %convert_element_type3A_55 = arith.extui %eq3A_54 : i1 to i32
    %cond3A_56 = arith.constant 0 : i32
    %cond3A_57 = arith.cmpi ne, %convert_element_type3A_55, %cond3A_56 : i32
    scf.if %cond3A_57 {
      %get3A_58 = arith.constant 0 : index
      %get3A_59 = arith.constant 0 : index
      %get3A_60 = vector.load %arg6[%get3A_58, %get3A_59] : memref<256x128xf32, #tpu.memory_space<vmem>>, vector<256x128xf32>
      %get3A_61 = arith.constant 0 : index
      %get3A_62 = arith.constant 0 : index
      %get3A_63 = vector.load %arg8[%get3A_61, %get3A_62] : memref<128x256xf32, #tpu.memory_space<vmem>>, vector<128x256xf32>
      %dot_general3A_64 = arith.constant dense<0.000000e+00> : vector<256x256xf32>
      %dot_general3A_65 = tpu.matmul %get3A_60, %get3A_63, %dot_general3A_64 {dimension_numbers = #tpu.dot_dimension_numbers<[1], [0], [0], [1], [0, 0, 1, 1], [], []>, transpose_lhs_hint = false} : vector<256x128xf32>, vector<128x256xf32>, vector<256x256xf32> -> vector<256x256xf32>
      %get3A_66 = arith.constant 0 : index
      %get3A_67 = arith.constant 0 : index
      %get3A_68 = vector.load %arg9[%get3A_66, %get3A_67] : memref<1x256xf32, #tpu.memory_space<vmem>>, vector<1x256xf32>
      %add3A_69 = vector.broadcast %get3A_68 : vector<1x256xf32> to vector<256x256xf32>
      %add3A_70 = arith.addf %dot_general3A_65, %add3A_69 : vector<256x256xf32>
      %get3A_71 = arith.constant 0 : index
      %get3A_72 = arith.constant 0 : index
      %get3A_73 = vector.load %arg15[%get3A_71, %get3A_72] : memref<256x128xf32, #tpu.memory_space<vmem>>, vector<256x128xf32>
      %get3A_74 = arith.constant 0 : index
      %get3A_75 = arith.constant 0 : index
      %get3A_76 = vector.load %arg7[%get3A_74, %get3A_75] : memref<512x256xf32, #tpu.memory_space<vmem>>, vector<128x256xf32>
      %dot_general3A_77 = arith.constant dense<0.000000e+00> : vector<256x256xf32>
      %dot_general3A_78 = tpu.matmul %get3A_73, %get3A_76, %dot_general3A_77 {dimension_numbers = #tpu.dot_dimension_numbers<[1], [0], [0], [1], [0, 0, 1, 1], [], []>, transpose_lhs_hint = false} : vector<256x128xf32>, vector<128x256xf32>, vector<256x256xf32> -> vector<256x256xf32>
      %add3A_79 = arith.addf %add3A_70, %dot_general3A_78 : vector<256x256xf32>
      %get3A_80 = arith.constant 0 : index
      %get3A_81 = arith.constant 0 : index
      %get3A_82 = vector.load %arg16[%get3A_80, %get3A_81] : memref<256x128xf32, #tpu.memory_space<vmem>>, vector<256x128xf32>
      %get3A_83 = arith.constant 128 : index
      %get3A_84 = arith.constant 0 : index
      %get3A_85 = vector.load %arg7[%get3A_83, %get3A_84] : memref<512x256xf32, #tpu.memory_space<vmem>>, vector<128x256xf32>
      %dot_general3A_86 = arith.constant dense<0.000000e+00> : vector<256x256xf32>
      %dot_general3A_87 = tpu.matmul %get3A_82, %get3A_85, %dot_general3A_86 {dimension_numbers = #tpu.dot_dimension_numbers<[1], [0], [0], [1], [0, 0, 1, 1], [], []>, transpose_lhs_hint = false} : vector<256x128xf32>, vector<128x256xf32>, vector<256x256xf32> -> vector<256x256xf32>
      %add3A_88 = arith.addf %add3A_79, %dot_general3A_87 : vector<256x256xf32>
      %get3A_89 = arith.constant 0 : index
      %get3A_90 = arith.constant 0 : index
      %get3A_91 = vector.load %arg17[%get3A_89, %get3A_90] : memref<256x128xf32, #tpu.memory_space<vmem>>, vector<256x128xf32>
      %get3A_92 = arith.constant 256 : index
      %get3A_93 = arith.constant 0 : index
      %get3A_94 = vector.load %arg7[%get3A_92, %get3A_93] : memref<512x256xf32, #tpu.memory_space<vmem>>, vector<128x256xf32>
      %dot_general3A_95 = arith.constant dense<0.000000e+00> : vector<256x256xf32>
      %dot_general3A_96 = tpu.matmul %get3A_91, %get3A_94, %dot_general3A_95 {dimension_numbers = #tpu.dot_dimension_numbers<[1], [0], [0], [1], [0, 0, 1, 1], [], []>, transpose_lhs_hint = false} : vector<256x128xf32>, vector<128x256xf32>, vector<256x256xf32> -> vector<256x256xf32>
      %add3A_97 = arith.addf %add3A_88, %dot_general3A_96 : vector<256x256xf32>
      %get3A_98 = arith.constant 0 : index
      %get3A_99 = arith.constant 0 : index
      %get3A_100 = vector.load %arg18[%get3A_98, %get3A_99] : memref<256x128xf32, #tpu.memory_space<vmem>>, vector<256x128xf32>
      %get3A_101 = arith.constant 384 : index
      %get3A_102 = arith.constant 0 : index
      %get3A_103 = vector.load %arg7[%get3A_101, %get3A_102] : memref<512x256xf32, #tpu.memory_space<vmem>>, vector<128x256xf32>
      %dot_general3A_104 = arith.constant dense<0.000000e+00> : vector<256x256xf32>
      %dot_general3A_105 = tpu.matmul %get3A_100, %get3A_103, %dot_general3A_104 {dimension_numbers = #tpu.dot_dimension_numbers<[1], [0], [0], [1], [0, 0, 1, 1], [], []>, transpose_lhs_hint = false} : vector<256x128xf32>, vector<128x256xf32>, vector<256x256xf32> -> vector<256x256xf32>
      %add3A_106 = arith.addf %add3A_97, %dot_general3A_105 : vector<256x256xf32>
      %max3A = arith.constant 0.000000e+00 : f32
      %max3A_107 = vector.broadcast %max3A : f32 to vector<256x256xf32>
      %max3A_108 = arith.maximumf %add3A_106, %max3A_107 : vector<256x256xf32>
      %get3A_109 = arith.constant 0 : index
      %get3A_110 = arith.constant 0 : index
      %get3A_111 = vector.load %arg10[%get3A_109, %get3A_110] : memref<256x256xf32, #tpu.memory_space<vmem>>, vector<256x256xf32>
      %dot_general3A_112 = arith.constant dense<0.000000e+00> : vector<256x256xf32>
      %dot_general3A_113 = tpu.matmul %max3A_108, %get3A_111, %dot_general3A_112 {dimension_numbers = #tpu.dot_dimension_numbers<[1], [0], [0], [1], [0, 0, 1, 1], [], []>, transpose_lhs_hint = false} : vector<256x256xf32>, vector<256x256xf32>, vector<256x256xf32> -> vector<256x256xf32>
      %get3A_114 = arith.constant 0 : index
      %get3A_115 = arith.constant 0 : index
      %get3A_116 = vector.load %arg11[%get3A_114, %get3A_115] : memref<1x256xf32, #tpu.memory_space<vmem>>, vector<1x256xf32>
      %add3A_117 = vector.broadcast %get3A_116 : vector<1x256xf32> to vector<256x256xf32>
      %add3A_118 = arith.addf %dot_general3A_113, %add3A_117 : vector<256x256xf32>
      %max3A_119 = arith.constant 0.000000e+00 : f32
      %max3A_120 = vector.broadcast %max3A_119 : f32 to vector<256x256xf32>
      %max3A_121 = arith.maximumf %add3A_118, %max3A_120 : vector<256x256xf32>
      %get3A_122 = arith.constant 0 : index
      %get3A_123 = arith.constant 0 : index
      %get3A_124 = vector.load %arg12[%get3A_122, %get3A_123] : memref<256x128xf32, #tpu.memory_space<vmem>>, vector<256x128xf32>
      %dot_general3A_125 = arith.constant dense<0.000000e+00> : vector<256x128xf32>
      %dot_general3A_126 = tpu.matmul %max3A_121, %get3A_124, %dot_general3A_125 {dimension_numbers = #tpu.dot_dimension_numbers<[1], [0], [0], [1], [0, 0, 1, 1], [], []>, transpose_lhs_hint = false} : vector<256x256xf32>, vector<256x128xf32>, vector<256x128xf32> -> vector<256x128xf32>
      %get3A_127 = arith.constant 0 : index
      %get3A_128 = arith.constant 0 : index
      %get3A_129 = vector.load %arg13[%get3A_127, %get3A_128] : memref<1x128xf32, #tpu.memory_space<vmem>>, vector<1x128xf32>
      %add3A_130 = vector.broadcast %get3A_129 : vector<1x128xf32> to vector<256x128xf32>
      %add3A_131 = arith.addf %dot_general3A_126, %add3A_130 : vector<256x128xf32>
      %swap3A_132 = arith.constant 0 : index
      %swap3A_133 = arith.constant 0 : index
      %swap3A_134 = vector.load %arg14[%swap3A_132, %swap3A_133] : memref<256x128xf32, #tpu.memory_space<vmem>>, vector<256x128xf32>
      tpu.vector_store %arg14[%swap3A_132, %swap3A_133], %add3A_131 {strides = array<i32>} : memref<256x128xf32, #tpu.memory_space<vmem>>, vector<256x128xf32>,
    } else {
    }
    return
  }
  func.func @transform_0(%arg0: i32) -> (i32, i32) {
    %c0_i32 = arith.constant 0 : i32
    %c0_i32_0 = arith.constant 0 : i32
    return %arg0, %c0_i32 : i32, i32
  }
  func.func @transform_1(%arg0: i32) -> (i32, i32) {
    %c0_i32 = arith.constant 0 : i32
    %c0_i32_0 = arith.constant 0 : i32
    return %arg0, %c0_i32 : i32, i32
  }
  func.func @transform_2(%arg0: i32) -> (i32, i32) {
    %c0_i32 = arith.constant 0 : i32
    %c0_i32_0 = arith.constant 0 : i32
    return %arg0, %c0_i32 : i32, i32
  }
  func.func @transform_3(%arg0: i32) -> (i32, i32) {
    %c0_i32 = arith.constant 0 : i32
    %c0_i32_0 = arith.constant 0 : i32
    return %arg0, %c0_i32 : i32, i32
  }
  func.func @transform_4(%arg0: i32) -> (i32, i32) {
    %c0_i32 = arith.constant 0 : i32
    %c0_i32_0 = arith.constant 0 : i32
    return %arg0, %c0_i32 : i32, i32
  }
  func.func @transform_5(%arg0: i32) -> (i32, i32) {
    %c0_i32 = arith.constant 0 : i32
    %c0_i32_0 = arith.constant 0 : i32
    %c0_i32_1 = arith.constant 0 : i32
    return %c0_i32, %c0_i32_0 : i32, i32
  }
  func.func @transform_6(%arg0: i32) -> (i32, i32) {
    %c0_i32 = arith.constant 0 : i32
    %c0_i32_0 = arith.constant 0 : i32
    %c0_i32_1 = arith.constant 0 : i32
    return %c0_i32, %c0_i32_0 : i32, i32
  }
  func.func @transform_7(%arg0: i32) -> (i32, i32) {
    %c0_i32 = arith.constant 0 : i32
    %c0_i32_0 = arith.constant 0 : i32
    %c0_i32_1 = arith.constant 0 : i32
    return %c0_i32, %c0_i32_0 : i32, i32
  }
  func.func @transform_8(%arg0: i32) -> (i32, i32) {
    %c0_i32 = arith.constant 0 : i32
    %c0_i32_0 = arith.constant 0 : i32
    %c0_i32_1 = arith.constant 0 : i32
    return %c0_i32, %c0_i32_0 : i32, i32
  }
  func.func @transform_9(%arg0: i32) -> (i32, i32) {
    %c0_i32 = arith.constant 0 : i32
    %c0_i32_0 = arith.constant 0 : i32
    %c0_i32_1 = arith.constant 0 : i32
    return %c0_i32, %c0_i32_0 : i32, i32
  }
  func.func @transform_10(%arg0: i32) -> (i32, i32) {
    %c0_i32 = arith.constant 0 : i32
    %c0_i32_0 = arith.constant 0 : i32
    %c0_i32_1 = arith.constant 0 : i32
    return %c0_i32, %c0_i32_0 : i32, i32
  }
  func.func @transform_11(%arg0: i32) -> (i32, i32) {
    %c0_i32 = arith.constant 0 : i32
    %c0_i32_0 = arith.constant 0 : i32
    %c0_i32_1 = arith.constant 0 : i32
    return %c0_i32, %c0_i32_0 : i32, i32
  }
  func.func @transform_12(%arg0: i32) -> (i32, i32) {
    %c0_i32 = arith.constant 0 : i32
    %c0_i32_0 = arith.constant 0 : i32
    %c0_i32_1 = arith.constant 0 : i32
    return %c0_i32, %c0_i32_0 : i32, i32
  }
  func.func @transform_13(%arg0: i32) -> (i32, i32) {
    %c0_i32 = arith.constant 0 : i32
    %c0_i32_0 = arith.constant 0 : i32
    %c0_i32_1 = arith.constant 0 : i32
    return %c0_i32, %c0_i32_0 : i32, i32
  }
}

</mosaic_0001>

<sc_bundles>
// kernel: kernel.10.cloned.1.call-start
scs
__scs_entry_jumppad:
0x0: {  	(pc) =	sbr.rel $0x88, $3  }
0x1: {  	(tag) =	ssettag $0x0;
	lr =	simm.s32 $0x1  }
0x2: {  	[smem:$0x3F92] =	sst lr;
	_ =	strace $0xD0000000  }
0x3: {  	_ = 	snop  }
0x4: {  	_ = 	snop  }
0x5: {  	_ = 	snop  }
0x6: {  	_ = 	snop  }
0x7: {  	_ = 	snop  }
__scs_overlays_trampoline_lowered:
0x8: {  	[smem:$0x3FA1] =	sst s0  }
0x9: {  	[smem:$0x3FA2] =	sst s1  }
0xa: {  	[smem:$0x3FA3] =	sst s2  }
0xb: {  	[smem:$0x3FA4] =	sst s3  }
0xc: {  	[smem:$0x3FA5] =	sst s4  }
0xd: {  	[smem:$0x3FA6] =	sst s5  }
0xe: {  	[smem:$0x3FA7] =	sst s6  }
0xf: {  	[smem:$0x3FA8] =	sst s7  }
0x10: {  	[smem:$0x3FA9] =	sst s8  }
0x11: {  	[smem:$0x3FAA] =	sst s9;
	s0 =	simm.s32 @!p0 $0x0  }
0x12: {  	s1 =	sld [smem:$0x3F90];
	s0 =	simm.s32 @p0 $0x1  }
0x13: {  	[smem:$0x3FAB] =	sst s0;
	s0 =	simm.s32 @!p1 $0x0  }
0x14: {  	s2 =	sld [smem:$0x3F8F];
	s0 =	simm.s32 @p1 $0x1  }
0x15: {  	[smem:$0x3FAC] =	sst s0;
	s0 =	simm.s32 @!p2 $0x0  }
0x16: {  	s3 =	sld [smem:$0x3FDB];
	s0 =	simm.s32 @p2 $0x1  }
0x17: {  	s4 =	simm.s32 $0x1BF5;
	[smem:$0x3FAE] =	sst s0  }
0x18: {  	s0 =	sld [smem:$0x3F91];
	_ =	swait.ge [sflag:s4], $0x0  }
0x19: {  	s7 =	sld [smem:$0x3F92]  }
0x1a: {  	s8 =	sadd.s32 $0xFFFFE003, lr  }
0x1b: {  	s9 =	sadd.s32 $0xFFFFFEF7, lr;
	s5 =	simm.s32 $0xFFFFFFFF;
	p2 =	slt.u32 s8, $0xFFFFF086  }
0x1c: {  	p1 =	slt.u32 s9, $0xF7A;
	s5 =	simm.s32 @!p2 $0x0  }
0x1d: {  	s5 =	simm.s32 @p1 $0x1;
	p0 =	seq.s32 s7, s2  }
0x1e: {  	s7 =	smul.u32 @!p0 $0xF7A, s2;
	p2 =	seq.s32 @!p0 s5, $0x0  }
0x1f: {  	s9 =	smul.u32 $0xF7A, s1;
	s8 =	simm.s32 @!p0 $0x1BF5;
	p2 =	por !p2, p0  }
0x20: {  	[sflag:s8] =	ssyncset.s32 @!p0 $0xFFFFF086;
	s6 =	sadd.s32 @!p0 s3, s7;
	s7 =	simm.s32 @!p0 $0x108  }
0x21: {  	s3 =	sadd.s32 s3, s9;
	s6 =	sadd.s32 @!p0 $0x88, s6;
	s7 =	simm.s32 @p2 $0x1082  }
0x22: {  	[simem:s7], [sflag:s8] =	dma.local @!p0 [hbm:s6], $0xF7A  }
0x23: {  	s9 =	sor.u32 $0xD0000000, s2;
	s6 =	simm.s32 $0x108;
	_ =	swait.ge @!p0 [sflag:s8], $0x0  }
0x24: {  	s3 =	sadd.s32 $0x88, s3;
	s6 =	simm.s32 @!p1 $0x1082;
	[sflag:s4] =	ssyncset.s32 $0xFFFFF086  }
0x25: {  	[simem:s6], [sflag:s4] =	dma.local [hbm:s3], $0xF7A  }
0x26: {  	[smem:$0x3F92] =	sst s1;
	(tag) =	ssettag s2;
	_ =	strace s9  }
0x27: {  	s1 =	sld [smem:$0x3FA2]  }
0x28: {  	s2 =	sld [smem:$0x3FA3]  }
0x29: {  	s4 =	sld [smem:$0x3FA5]  }
0x2a: {  	p0 =	seq.s32 s5, $0x0;
	s5 =	sld [smem:$0x3FA6]  }
0x2b: {  	s6 =	sld [smem:$0x3FA7]  }
0x2c: {  	s7 =	sld [smem:$0x3FA8]  }
0x2d: {  	s3 =	simm.s32 $0x108;
	s8 =	sld [smem:$0x3FA9]  }
0x2e: {  	s3 =	simm.s32 @!p0 $0x1082;
	s9 =	sld [smem:$0x3FAA]  }
0x2f: {  	lr =	sadd.s32 s0, s3;
	s0 =	sld [smem:$0x3FA1]  }
0x30: {  	s3 =	sld [smem:$0x3FA4]  }
0x31: {  	[smem:$0x3FAD] =	sst s10  }
0x32: {  	s10 =	sld [smem:$0x3FAB];
	_ =	sdelay $0x3  }
0x33: {  	p0 =	seq.s32 s10, $0x1;
	s10 =	sld [smem:$0x3FAD];
	_ =	sdelay $0x3  }
0x34: {  	[smem:$0x3FAD] =	sst s10  }
0x35: {  	s10 =	sld [smem:$0x3FAC];
	_ =	sdelay $0x3  }
0x36: {  	p1 =	seq.s32 s10, $0x1;
	s10 =	sld [smem:$0x3FAD];
	_ =	sdelay $0x3  }
0x37: {  	[smem:$0x3FAD] =	sst s10  }
0x38: {  	s10 =	sld [smem:$0x3FAE]  }
0x39: {  	_ = 	snop;
	(pc) =	sbr.ind lr, $3  }
0x3a: {  	_ = 	snop  }
0x3b: {  	_ = 	snop  }
0x3c: {  	p2 =	seq.s32 s10, $0x1;
	s10 =	sld [smem:$0x3FAD]  }
0x3d: {  	_ =	shalt  }
0x3e: {  	_ =	shalt  }
0x3f: {  	_ =	shalt  }
0x40: {  	_ =	shalt  }
0x41: {  	_ =	shalt  }
0x42: {  	_ =	shalt  }
0x43: {  	_ =	shalt  }
0x44: {  	_ =	shalt  }
0x45: {  	_ =	shalt  }
0x46: {  	_ =	shalt  }
0x47: {  	_ =	shalt  }
0x48: {  	_ =	shalt  }
0x49: {  	_ =	shalt  }
0x4a: {  	_ =	shalt  }
0x4b: {  	_ =	shalt  }
0x4c: {  	_ =	shalt  }
0x4d: {  	_ =	shalt  }
0x4e: {  	_ =	shalt  }
0x4f: {  	_ =	shalt  }
0x50: {  	_ =	shalt  }
0x51: {  	_ =	shalt  }
0x52: {  	_ =	shalt  }
0x53: {  	_ =	shalt  }
0x54: {  	_ =	shalt  }
0x55: {  	_ =	shalt  }
0x56: {  	_ =	shalt  }
0x57: {  	_ =	shalt  }
0x58: {  	_ =	shalt  }
0x59: {  	_ =	shalt  }
0x5a: {  	_ =	shalt  }
0x5b: {  	_ =	shalt  }
0x5c: {  	_ =	shalt  }
0x5d: {  	_ =	shalt  }
0x5e: {  	_ =	shalt  }
0x5f: {  	_ =	shalt  }
0x60: {  	_ =	shalt  }
0x61: {  	_ =	shalt  }
0x62: {  	_ =	shalt  }
0x63: {  	_ =	shalt  }
0x64: {  	_ =	shalt  }
0x65: {  	_ =	shalt  }
0x66: {  	_ =	shalt  }
0x67: {  	_ =	shalt  }
0x68: {  	_ =	shalt  }
0x69: {  	_ =	shalt  }
0x6a: {  	_ =	shalt  }
0x6b: {  	_ =	shalt  }
0x6c: {  	_ =	shalt  }
0x6d: {  	_ =	shalt  }
0x6e: {  	_ =	shalt  }
0x6f: {  	_ =	shalt  }
0x70: {  	_ =	shalt  }
0x71: {  	_ =	shalt  }
0x72: {  	_ =	shalt  }
0x73: {  	_ =	shalt  }
0x74: {  	_ =	shalt  }
0x75: {  	_ =	shalt  }
0x76: {  	_ =	shalt  }
0x77: {  	_ =	shalt  }
0x78: {  	_ =	shalt  }
0x79: {  	_ =	shalt  }
0x7a: {  	_ =	shalt  }
0x7b: {  	_ =	shalt  }
0x7c: {  	_ =	shalt  }
0x7d: {  	_ =	shalt  }
0x7e: {  	_ =	shalt  }
0x7f: {  	_ =	shalt  }
0x80: {  	_ =	shalt  }
0x81: {  	_ =	shalt  }
0x82: {  	_ =	shalt  }
0x83: {  	_ =	shalt  }
0x84: {  	_ =	shalt  }
0x85: {  	_ =	shalt  }
0x86: {  	_ =	shalt  }
0x87: {  	_ =	shalt  }
.Lfunc_end0:
.L_simem_size_0:
called_computation_lowered:
.L_overlay_start_0:
0x88: {  	s2 =	sld [smem:$0x3FD9]  }
0x89: {  	s3 =	sld [smem:$0x3FFE];
	_ =	sdelay $0x1  }
0x8a: {  	s1 =	srdreg.scid  }
0x8b: {  	s0 =	sand.u32 $0x1, s1  }
0x8c: {  	s16 =	sshll.u32 s0, $0xA;
	s2 =	sadd.s32 s3, s2  }
0x8d: {  	s2 =	sadd.s32 s2, s16  }
0x8e: {  	[smem:$0x3FB9] =	sst s2  }
0x8f: {  	_ = 	snop  }
0x90: {  	(tm) =	ssettm $0x1  }
0x91: {  	s17 =	sld [smem:$0x3FFB];
	_ =	sdelay $0x3  }
0x92: {  	_ =	strace s17  }
0x93: {  	s2 =	sld [smem:$0x3FFC];
	_ =	sdelay $0x3  }
0x94: {  	_ =	strace s2  }
0x95: {  	s2 =	sld [smem:$0x3FFD];
	_ =	sdelay $0x3  }
0x96: {  	_ =	strace s2  }
0x97: {  	_ =	strace $0x8FFFFFFF  }
0x98: {  	s18 =	sld [smem:$0x3FDB];
	_ =	sdelay $0x1  }
0x99: {  	s19 =	simm.s32 $_scs_section_size  }
0x9a: {  	s4 =	simm.s32 $_size__tile_overlayer_lowered;
	s5 =	simm.s32 $_tile_overlayer_lowered  }
0x9b: {  	s22 =	simm.s32 $0x1BFF;
	s21 =	sshll.u32 s5, $0x1;
	s2 =	sadd.s32 s19, s18  }
0x9c: {  	s6 =	simm.s32 $0x0;
	s20 =	sshll.u32 s4, $0x1;
	s4 =	sadd.s32 s21, s2  }
0x9d: {  	[timem:s6], [sflag:s22] =	dma.local [hbm:s4], s20  }
0x9e: {  	_ =	swait.ge [sflag:s22], s20  }
0x9f: {  	s3 =	ssub.s32 $0x0, s20;
	[sflag:s22] =	ssyncset.done $0x0  }
0xa0: {  	[sflag:s22] =	ssyncadd.s32 s3;
	_ =	sdelay $0x1  }
0xa1: {  	s23 =	simm.s32 $0x1B8B  }
0xa2: {  	_ =	swait.ge [sflag:s23], $0x1  }
0xa3: {  	[sflag:s23] =	ssyncset.done $0x0  }
0xa4: {  	s25 =	simm.s32 $0x1B8E;
	s24 =	sld [smem:$0x3FFE];
	[sflag:s23] =	ssyncadd.s32 $0xFFFFFFFF  }
0xa5: {  	s26 =	simm.s32 $execute0_lowered;
	[smem:$0x3FD2] =	sst s25  }
0xa6: {  	s4 =	sshll.u32 s26, $0x1;
	_ =	strace $0x80000046;
	[dreg:$0x1] =	wrdreg $0xFFFFFFFF  }
0xa7: {  	s28 =	simm.s32 $_size_execute0_lowered;
	s2 =	sadd.s32 s2, s4;
	[dreg:$0x0] =	wrdreg $0x0  }
0xa8: {  	s4 =	sshll.u32 s28, $0x1;
	[dreg:$0x2] =	wrdreg s2  }
0xa9: {  	[dreg:$0x3] =	wrdreg s4  }
0xaa: {  	[dreg:$0x4] =	wrdreg $0xC0  }
0xab: {  	_ =	task [dreg:s6], $0x5FFFF  }
0xac: {  	[dreg:$0x1] =	wrdreg $0xFFFFFFFF  }
0xad: {  	[dreg:$0x0] =	wrdreg $0x60  }
0xae: {  	[dreg:$0x2] =	wrdreg s24  }
0xaf: {  	[dreg:$0x3] =	wrdreg $0xC4000  }
0xb0: {  	[dreg:$0x4] =	wrdreg $0x9  }
0xb1: {  	_ =	task.clear_ibuf [dreg:s6], $0x5FFFF;
	_ =	strace $0x90000046  }
0xb2: {  	s29 =	simm.s32 $0x9;
	_ =	strace $0x80000048  }
0xb3: {  	_ =	swait.ge [sflag:s29], $0x1  }
0xb4: {  	[sflag:s29] =	ssyncadd.s32 $0xFFFFFFFF  }
0xb5: {  	_ =	strace $0x90000048  }
0xb6: {  	_ =	sfence  }
0xb7: {  	s30 =	sld [smem:$0x0];
	_ =	sdelay $0x2  }
0xb8: {  	s31 =	sshll.u32 s1, $0xD;
	s1 =	sshrl.u32 s1, $0x2  }
0xb9: {  	s3 =	sand.u32 $0x4000, s31;
	s1 =	sadd.s32 s1, s30  }
0xba: {  	s0 =	sor.u32 s3, s0;
	s1 =	sshll.u32 s1, $0x11  }
0xbb: {  	s0 =	sor.u32 s1, s0  }
0xbc: {  	s0 =	sadd.s32 $0x8F2B, s0  }
0xbd: {  	[sflag:s0] =	ssyncadd.remote.s32 $0x1  }
0xbe: {  	_ =	sfence.sel $0xFFFF  }
0xbf: {  	[dreg:$0x0] =	wrdreg $0xFFFFFFFF;
	(pc) =	sbr.abs _section_cstart, $3  }
0xc0: {  	[dreg:$0x1] =	wrdreg $0xFFFFFFFF  }
0xc1: {  	_ =	task.clear_ibuf [dreg:s6], $0x2FFFF;
	_ =	strace $0x9FFFFFFF  }
0xc2: {  	(tm) =	ssettm $0x7FFFFFFF  }
0xc3: {  	_ =	shalt  }
tec
execute0_lowered:
.L_overlay_start_1:
0x0: {  	(tag) =	ssettag $0x1  }
0x1: {  	s0 =	rddreg [dreg:$0x0]  }
0x2: {  	s1 =	rddreg [dreg:$0x1]  }
0x3: {  	s2 =	simm.s32 $0x0;
	s3 =	srdreg.scid;
	s4 =	stileid.u32  }
0x4: {  	s28 =	simm.s32 $0x4300;
	s29 =	simm.s32 $0x4;
	s30 =	simm.s32 $0x200  }
0x5: {  	s31 =	simm.s32 $0x3;
	[smem:$0x7FF] =	sst s2;
	s5 =	sand.u32 $0x1, s3  }
0x6: {  	s20 =	sshll.u32 s4, $0x1;
	s6 =	smul.u32 $0x13800, s4;
	s3 =	sadd.s32 $0x2D800, s0  }
0x7: {  	s10 =	sadd.s32 $0x1A000, s0;
	s22 =	sadd.s32 $0x7BC00, s0;
	s15 =	sadd.s32 $0x1A020, s0  }
0x8: {  	s16 =	smul.u32 $0x4E000, s4;
	s24 =	sshll.u32 s4, $0x6;
	s25 =	sadd.s32 $0x138000, s1  }
0x9: {  	p0 =	sne.s32 s4, $0x0;
	_ =	strace $0x80000047;
	s7 =	sor.u32 s5, s20  }
0xa: {  	s12 =	ssub.s32 $0x2, s5;
	[dreg:$0x7] =	wrdreg s25;
	s26 =	smul.u32 $0x138800, s5  }
0xb: {  	s5 =	smul.u32 $0x4E, s5;
	s8 =	sshll.u32 s7, $0x5;
	s9 =	sshrl.u32 s6, $0x3  }
0xc: {  	s13 =	smul.u32 $0x9C0, s7;
	s14 =	sshrl.u32 s12, $0x1;
	s23 =	sshrl.u32 s16, $0x2  }
0xd: {  	s7 =	smul.u32 $0x4E00, s7;
	s11 =	sadd.s32 s8, s0;
	s21 =	sadd.s32 s9, s0  }
0xe: {  	s12 =	ssub.s32 s12, s14;
	s0 =	sadd.s32 $0x7BA00, s0;
	s14 =	smul.u32 $0x9C, s4  }
0xf: {  	s16 =	sadd.s32 s6, s26;
	s19 =	sshrl.u32 s26, $0x3;
	s6 =	simm.s32 $0x180  }
0x10: {  	s17 =	sadd.s32 s10, s13;
	s13 =	sadd.s32 s13, s15;
	[dreg:$0x8] =	wrdreg s0  }
0x11: {  	s9 =	simm.s32 $0x6;
	s8 =	sadd.s32 $0x54A00, s21;
	[dreg:$0x4] =	wrdreg s13  }
0x12: {  	s7 =	sshrl.u32 s7, $0x3;
	s18 =	sadd.s32 $0x6400, s11;
	[dreg:$0x6] =	wrdreg s8  }
0x13: {  	s20 =	sadd.s32 s22, s19;
	s21 =	smax.u32 s12, $0x1;
	[dreg:$0xa] =	wrdreg s18  }
0x14: {  	s11 =	simm.s32 $0x8;
	s12 =	simm.s32 $0x9;
	[dreg:$0xd] =	wrdreg s21  }
0x15: {  	s13 =	sadd.s32 s23, s1;
	s8 =	sor.u32 $0x1C0A, s24;
	[dreg:$0x3] =	wrdreg s17  }
0x16: {  	s7 =	sadd.s32 s10, s7;
	s23 =	sadd.s32 $0x40, s17;
	[dreg:$0x5] =	wrdreg s13  }
0x17: {  	s5 =	sadd.s32 s5, s14;
	s24 =	sadd.s32 $0x60, s17;
	[dreg:$0xe] =	wrdreg s23  }
0x18: {  	s26 =	sadd.s32 $0x80, s17;
	s21 =	simm.s32 $0x100;
	[dreg:$0xf] =	wrdreg s24  }
0x19: {  	s14 =	simm.s32 $0x10;
	s0 =	sadd.s32 $0x9A0, s7;
	[dreg:$0x10] =	wrdreg s26  }
0x1a: {  	s23 =	simm.s32 $0x1;
	s24 =	simm.s32 $0x80;
	s26 =	simm.s32 $0x2  }
0x1b: {  	s7 =	simm.s32 $0x7;
	[dreg:$0x9] =	wrdreg s0;
	s0 =	sshrl.u32 s16, $0x3  }
0x1c: {  	s0 =	sadd.s32 s22, s0;
	s22 =	sshll.u32 s5, $0x5;
	s5 =	simm.s32 $0x5  }
0x1d: {  	[dreg:$0xb] =	wrdreg s0;
	s0 =	sadd.s32 $0x27000, s20;
	s25 =	sadd.s32 s10, s22  }
0x1e: {  	s10 =	simm.s32 $0x280;
	[dreg:$0xc] =	wrdreg s0;
	s19 =	sadd.s32 $0xC0, s25  }
0x1f: {  	s0 =	sadd.s32 s15, s22;
	s22 =	simm.s32 $0xA;
	s25 =	simm.s32 $0x300  }
0x20: {  	s15 =	simm.s32 $0x0;
	s20 =	sadd.s32 $0x80, s0;
	s0 =	simm.s32 $0x8300  }
.LBB2_1:
0x21: {  	s4 =	rddreg [dreg:$0x3]  }
0x22: {  	s17 =	rddreg [dreg:$0x4]  }
0x23: {  	s18 =	rddreg [dreg:$0x5]  }
0x24: {  	[tilespmem:s2], [sflag:$0x1] =	stream.linear.gather [hbm4b:s4+s2], $0x100, $0x38;
	[tilespmem:$0x1FC80] =	vst v63  }
0x25: {  	s13 =	rddreg [dreg:$0x6];
	s16 =	sshrl.u32 s18, $0x3  }
0x26: {  	[tilespmem:s21], [sflag:$0x2] =	stream.linear.gather [hbm4b:s17+s2], $0x100, $0x38;
	[tilespmem:$0x1FC80] =	vst v63  }
0x27: {  	[spmem:s16], [sflag:s8] =	dma.local [hbm:s13], $0x2700  }
0x28: {  	_ =	swait.ge [sflag:s22], $0x2700  }
0x29: {  	s17 =	simm.s32 @!p0 $0xA;
	[sflag:s22] =	ssyncset.done $0x0;
	s4 =	rddreg [dreg:$0x7]  }
0x2a: {  	s13 =	rddreg [dreg:$0x8];
	[sflag:s22] =	ssyncadd.s32 $0xFFFFD900;
	s4 =	sshrl.u32 @!p0 s4, $0x3  }
0x2b: {  	[spmem:s4], [sflag:s8] =	dma.local @!p0 [hbm:s13], $0x100  }
0x2c: {  	_ =	swait.ge @!p0 [sflag:s17], $0x100  }
0x2d: {  	[sflag:s17] =	ssyncset.done @!p0 $0x0  }
0x2e: {  	[sflag:s17] =	ssyncadd.s32 @!p0 $0xFFFFFF00  }
0x2f: {  	[bflag:$0x0] =	sbarrier.arrive $0xFFFF  }
0x30: {  	_ =	swait.ge [sflag:s23], $0x100  }
0x31: {  	[sflag:s23] =	ssyncset.done $0x0  }
0x32: {  	[sflag:s23] =	ssyncadd.s32 $0xFFFFFF00  }
0x33: {  	[tilespmem:s25], [sflag:$0x4] =	stream.indirect.gather [hbm4b:s3+s24], $0x80, s2, s24, $0xb8;
	[tilespmem:$0x1FC80] =	vst v63  }
0x34: {  	_ =	swait.ge [sflag:s26], $0x100  }
0x35: {  	[sflag:s26] =	ssyncset.done $0x0  }
0x36: {  	[sflag:s26] =	ssyncadd.s32 $0xFFFFFF00  }
0x37: {  	[tilespmem:s28], [sflag:$0x5] =	stream.indirect.gather [hbm4b:s3+s24], $0x80, s21, s24, $0xb8;
	[tilespmem:$0x1FC80] =	vst v63  }
0x38: {  	_ =	swait.ge [sflag:s29], $0x4000  }
0x39: {  	[sflag:s29] =	ssyncset.done $0x0  }
0x3a: {  	[sflag:s29] =	ssyncadd.s32 $0xFFFFC000  }
0x3b: {  	[spmem:s1] =	stream.indirect.scatter.add.f32 [tilespmem:s25], [sflag:$0x7], $0x80, s24, s24, $0xb8;
	[tilespmem:$0x1FC80] =	vst v63  }
0x3c: {  	s17 =	rddreg [dreg:$0xe]  }
0x3d: {  	[tilespmem:s30], [sflag:$0x3] =	stream.linear.gather [hbm4b:s17+s2], $0x100, $0x38;
	[tilespmem:$0x1FC80] =	vst v63  }
0x3e: {  	_ =	swait.ge [sflag:s31], $0x100  }
0x3f: {  	[sflag:s31] =	ssyncset.done $0x0  }
0x40: {  	[sflag:s31] =	ssyncadd.s32 $0xFFFFFF00  }
0x41: {  	[tilespmem:s0], [sflag:$0x6] =	stream.indirect.gather [hbm4b:s3+s24], $0x80, s30, s24, $0xb8;
	[tilespmem:$0x1FC80] =	vst v63  }
0x42: {  	_ =	swait.ge [sflag:s5], $0x4000  }
0x43: {  	[sflag:s5] =	ssyncset.done $0x0  }
0x44: {  	[sflag:s5] =	ssyncadd.s32 $0xFFFFC000  }
0x45: {  	[spmem:s1] =	stream.indirect.scatter.add.f32 [tilespmem:s28], [sflag:$0x8], $0x80, s6, s24, $0xb8;
	[tilespmem:$0x1FC80] =	vst v63  }
0x46: {  	_ =	swait.ge [sflag:s7], $0x4000  }
0x47: {  	[sflag:s7] =	ssyncset.done $0x0  }
0x48: {  	s18 =	rddreg [dreg:$0xf];
	[sflag:s7] =	ssyncadd.s32 $0xFFFFC000  }
0x49: {  	[tilespmem:s2], [sflag:$0x1] =	stream.linear.gather [hbm4b:s18+s2], $0x100, $0x38;
	[tilespmem:$0x1FC80] =	vst v63  }
0x4a: {  	_ =	swait.ge [sflag:s23], $0x100  }
0x4b: {  	[sflag:s23] =	ssyncset.done $0x0  }
0x4c: {  	[sflag:s23] =	ssyncadd.s32 $0xFFFFFF00  }
0x4d: {  	[tilespmem:s25], [sflag:$0x4] =	stream.indirect.gather [hbm4b:s3+s24], $0x80, s2, s24, $0xb8;
	[tilespmem:$0x1FC80] =	vst v63  }
0x4e: {  	_ =	swait.ge [sflag:s9], $0x4000  }
0x4f: {  	[sflag:s9] =	ssyncset.done $0x0  }
0x50: {  	[sflag:s9] =	ssyncadd.s32 $0xFFFFC000  }
0x51: {  	[spmem:s1] =	stream.indirect.scatter.add.f32 [tilespmem:s0], [sflag:$0x9], $0x80, s10, s24, $0xb8;
	[tilespmem:$0x1FC80] =	vst v63  }
0x52: {  	_ =	swait.ge [sflag:s11], $0x4000  }
0x53: {  	[sflag:s11] =	ssyncset.done $0x0  }
0x54: {  	s17 =	rddreg [dreg:$0x10];
	[sflag:s11] =	ssyncadd.s32 $0xFFFFC000  }
0x55: {  	[tilespmem:s21], [sflag:$0x2] =	stream.linear.gather [hbm4b:s17+s2], $0x100, $0x38;
	[tilespmem:$0x1FC80] =	vst v63  }
0x56: {  	_ =	swait.ge [sflag:s26], $0x100  }
0x57: {  	[sflag:s26] =	ssyncset.done $0x0  }
0x58: {  	[sflag:s26] =	ssyncadd.s32 $0xFFFFFF00  }
0x59: {  	[tilespmem:s28], [sflag:$0x5] =	stream.indirect.gather [hbm4b:s3+s24], $0x80, s21, s24, $0xb8;
	[tilespmem:$0x1FC80] =	vst v63  }
0x5a: {  	_ =	swait.ge [sflag:s29], $0x4000  }
0x5b: {  	[sflag:s29] =	ssyncset.done $0x0  }
0x5c: {  	[sflag:s29] =	ssyncadd.s32 $0xFFFFC000  }
0x5d: {  	[spmem:s1] =	stream.indirect.scatter.add.f32 [tilespmem:s25], [sflag:$0x7], $0x80, s24, s24, $0xb8;
	[tilespmem:$0x1FC80] =	vst v63  }
0x5e: {  	_ =	swait.ge [sflag:s12], $0x4000  }
0x5f: {  	[sflag:s12] =	ssyncset.done $0x0  }
0x60: {  	s18 =	sadd.s32 $0x0, s20;
	[sflag:s12] =	ssyncadd.s32 $0xFFFFC000  }
0x61: {  	[tilespmem:s30], [sflag:$0x3] =	stream.linear.gather [hbm4b:s18+s2], $0x100, $0x38;
	[tilespmem:$0x1FC80] =	vst v63  }
0x62: {  	_ =	swait.ge [sflag:s31], $0x100  }
0x63: {  	[sflag:s31] =	ssyncset.done $0x0  }
0x64: {  	[sflag:s31] =	ssyncadd.s32 $0xFFFFFF00  }
0x65: {  	[tilespmem:s0], [sflag:$0x6] =	stream.indirect.gather [hbm4b:s3+s24], $0x80, s30, s24, $0xb8;
	[tilespmem:$0x1FC80] =	vst v63  }
0x66: {  	_ =	swait.ge [sflag:s5], $0x4000  }
0x67: {  	[sflag:s5] =	ssyncset.done $0x0  }
0x68: {  	[sflag:s5] =	ssyncadd.s32 $0xFFFFC000  }
0x69: {  	[spmem:s1] =	stream.indirect.scatter.add.f32 [tilespmem:s28], [sflag:$0x8], $0x80, s6, s24, $0xb8;
	[tilespmem:$0x1FC80] =	vst v63  }
0x6a: {  	_ =	swait.ge [sflag:s7], $0x4000  }
0x6b: {  	[sflag:s7] =	ssyncset.done $0x0  }
0x6c: {  	s18 =	sadd.s32 $0x0, s19;
	[sflag:s7] =	ssyncadd.s32 $0xFFFFC000  }
0x6d: {  	[tilespmem:s2], [sflag:$0x1] =	stream.linear.gather [hbm4b:s18+s2], $0x100, $0x38;
	[tilespmem:$0x1FC80] =	vst v63  }
0x6e: {  	_ =	swait.ge [sflag:s23], $0x100  }
0x6f: {  	[sflag:s23] =	ssyncset.done $0x0  }
0x70: {  	[sflag:s23] =	ssyncadd.s32 $0xFFFFFF00  }
0x71: {  	[tilespmem:s25], [sflag:$0x4] =	stream.indirect.gather [hbm4b:s3+s24], $0x80, s2, s24, $0xb8;
	[tilespmem:$0x1FC80] =	vst v63  }
0x72: {  	_ =	swait.ge [sflag:s9], $0x4000  }
0x73: {  	[sflag:s9] =	ssyncset.done $0x0  }
0x74: {  	[sflag:s9] =	ssyncadd.s32 $0xFFFFC000  }
0x75: {  	[spmem:s1] =	stream.indirect.scatter.add.f32 [tilespmem:s0], [sflag:$0x9], $0x80, s10, s24, $0xb8;
	[tilespmem:$0x1FC80] =	vst v63  }
0x76: {  	_ =	swait.ge [sflag:s11], $0x4000  }
0x77: {  	[sflag:s11] =	ssyncset.done $0x0  }
0x78: {  	s17 =	simm.s32 $0x60;
	s18 =	sadd.s32 $0x20, s18;
	[sflag:s11] =	ssyncadd.s32 $0xFFFFC000  }
.LBB2_2:
0x79: {  	[tilespmem:s21], [sflag:$0x2] =	stream.linear.gather [hbm4b:s18+s2], $0x100, $0x38;
	[tilespmem:$0x1FC80] =	vst v63  }
0x7a: {  	s18 =	smov.u32 s17  }
0x7b: {  	p1 =	sne.s32 s17, $0x8A0;
	s17 =	sadd.s32 $0x60, s17;
	_ =	swait.ge [sflag:s26], $0x100  }
0x7c: {  	[sflag:s26] =	ssyncset.done $0x0  }
0x7d: {  	[sflag:s26] =	ssyncadd.s32 $0xFFFFFF00  }
0x7e: {  	[tilespmem:s28], [sflag:$0x5] =	stream.indirect.gather [hbm4b:s3+s24], $0x80, s21, s24, $0xb8;
	[tilespmem:$0x1FC80] =	vst v63  }
0x7f: {  	_ =	swait.ge [sflag:s29], $0x4000  }
0x80: {  	[sflag:s29] =	ssyncset.done $0x0  }
0x81: {  	[sflag:s29] =	ssyncadd.s32 $0xFFFFC000  }
0x82: {  	[spmem:s1] =	stream.indirect.scatter.add.f32 [tilespmem:s25], [sflag:$0x7], $0x80, s24, s24, $0xb8;
	[tilespmem:$0x1FC80] =	vst v63  }
0x83: {  	_ =	swait.ge [sflag:s12], $0x4000  }
0x84: {  	[sflag:s12] =	ssyncset.done $0x0  }
0x85: {  	s13 =	sadd.s32 s18, s20;
	[sflag:s12] =	ssyncadd.s32 $0xFFFFC000  }
0x86: {  	[tilespmem:s30], [sflag:$0x3] =	stream.linear.gather [hbm4b:s13+s2], $0x100, $0x38;
	[tilespmem:$0x1FC80] =	vst v63  }
0x87: {  	_ =	swait.ge [sflag:s31], $0x100  }
0x88: {  	[sflag:s31] =	ssyncset.done $0x0  }
0x89: {  	[sflag:s31] =	ssyncadd.s32 $0xFFFFFF00  }
0x8a: {  	[tilespmem:s0], [sflag:$0x6] =	stream.indirect.gather [hbm4b:s3+s24], $0x80, s30, s24, $0xb8;
	[tilespmem:$0x1FC80] =	vst v63  }
0x8b: {  	_ =	swait.ge [sflag:s5], $0x4000  }
0x8c: {  	[sflag:s5] =	ssyncset.done $0x0  }
0x8d: {  	[sflag:s5] =	ssyncadd.s32 $0xFFFFC000  }
0x8e: {  	[spmem:s1] =	stream.indirect.scatter.add.f32 [tilespmem:s28], [sflag:$0x8], $0x80, s6, s24, $0xb8;
	[tilespmem:$0x1FC80] =	vst v63  }
0x8f: {  	_ =	swait.ge [sflag:s7], $0x4000  }
0x90: {  	[sflag:s7] =	ssyncset.done $0x0  }
0x91: {  	s13 =	sadd.s32 s18, s19;
	[sflag:s7] =	ssyncadd.s32 $0xFFFFC000  }
0x92: {  	[tilespmem:s2], [sflag:$0x1] =	stream.linear.gather [hbm4b:s13+s2], $0x100, $0x38;
	[tilespmem:$0x1FC80] =	vst v63  }
0x93: {  	_ =	swait.ge [sflag:s23], $0x100  }
0x94: {  	[sflag:s23] =	ssyncset.done $0x0  }
0x95: {  	[sflag:s23] =	ssyncadd.s32 $0xFFFFFF00  }
0x96: {  	[tilespmem:s25], [sflag:$0x4] =	stream.indirect.gather [hbm4b:s3+s24], $0x80, s2, s24, $0xb8;
	[tilespmem:$0x1FC80] =	vst v63  }
0x97: {  	_ =	swait.ge [sflag:s9], $0x4000  }
0x98: {  	[sflag:s9] =	ssyncset.done $0x0  }
.Ltmp0:
0x99: {  	[sflag:s9] =	ssyncadd.s32 $0xFFFFC000;
	(pc) =	sbr.rel @p1 .LBB2_2-.Ltmp0, $4  }
0x9a: {  	[spmem:s1] =	stream.indirect.scatter.add.f32 [tilespmem:s0], [sflag:$0x9], $0x80, s10, s24, $0xb8;
	[tilespmem:$0x1FC80] =	vst v63  }
0x9b: {  	_ =	swait.ge [sflag:s11], $0x4000  }
0x9c: {  	[sflag:s11] =	ssyncset.done $0x0  }
0x9d: {  	s18 =	sadd.s32 $0x20, s13;
	[sflag:s11] =	ssyncadd.s32 $0xFFFFC000  }
0x9e: {  	[tilespmem:s21], [sflag:$0x2] =	stream.linear.gather [hbm4b:s18+s2], $0x100, $0x38;
	[tilespmem:$0x1FC80] =	vst v63  }
0x9f: {  	_ =	swait.ge [sflag:s26], $0x100  }
0xa0: {  	[sflag:s26] =	ssyncset.done $0x0  }
0xa1: {  	[sflag:s26] =	ssyncadd.s32 $0xFFFFFF00  }
0xa2: {  	[tilespmem:s28], [sflag:$0x5] =	stream.indirect.gather [hbm4b:s3+s24], $0x80, s21, s24, $0xb8;
	[tilespmem:$0x1FC80] =	vst v63  }
0xa3: {  	_ =	swait.ge [sflag:s29], $0x4000  }
0xa4: {  	[sflag:s29] =	ssyncset.done $0x0  }
0xa5: {  	[sflag:s29] =	ssyncadd.s32 $0xFFFFC000  }
0xa6: {  	[spmem:s1] =	stream.indirect.scatter.add.f32 [tilespmem:s25], [sflag:$0x7], $0x80, s24, s24, $0xb8;
	[tilespmem:$0x1FC80] =	vst v63  }
0xa7: {  	_ =	swait.ge [sflag:s12], $0x4000  }
0xa8: {  	[sflag:s12] =	ssyncset.done $0x0  }
0xa9: {  	s13 =	rddreg [dreg:$0x9];
	[sflag:s12] =	ssyncadd.s32 $0xFFFFC000  }
0xaa: {  	[tilespmem:s30], [sflag:$0x3] =	stream.linear.gather [hbm4b:s13+s2], $0x100, $0x38;
	[tilespmem:$0x1FC80] =	vst v63  }
0xab: {  	_ =	swait.ge [sflag:s31], $0x100  }
0xac: {  	[sflag:s31] =	ssyncset.done $0x0  }
0xad: {  	[sflag:s31] =	ssyncadd.s32 $0xFFFFFF00  }
0xae: {  	[tilespmem:s0], [sflag:$0x6] =	stream.indirect.gather [hbm4b:s3+s24], $0x80, s30, s24, $0xb8;
	[tilespmem:$0x1FC80] =	vst v63  }
0xaf: {  	_ =	swait.ge [sflag:s5], $0x4000  }
0xb0: {  	[sflag:s5] =	ssyncset.done $0x0  }
0xb1: {  	[sflag:s5] =	ssyncadd.s32 $0xFFFFC000  }
0xb2: {  	[spmem:s1] =	stream.indirect.scatter.add.f32 [tilespmem:s28], [sflag:$0x8], $0x80, s6, s24, $0xb8;
	[tilespmem:$0x1FC80] =	vst v63  }
0xb3: {  	_ =	swait.ge [sflag:s9], $0x4000  }
0xb4: {  	[sflag:s9] =	ssyncset.done $0x0  }
0xb5: {  	[sflag:s9] =	ssyncadd.s32 $0xFFFFC000  }
0xb6: {  	[spmem:s1] =	stream.indirect.scatter.add.f32 [tilespmem:s0], [sflag:$0x9], $0x80, s10, s24, $0xb8;
	[tilespmem:$0x1FC80] =	vst v63  }
0xb7: {  	_ =	swait.ge [sflag:s7], $0x4000  }
0xb8: {  	[sflag:s7] =	ssyncset.done $0x0  }
0xb9: {  	[sflag:s7] =	ssyncadd.s32 $0xFFFFC000  }
0xba: {  	_ =	swait.ge [sflag:s11], $0x4000  }
0xbb: {  	[sflag:s11] =	ssyncset.done $0x0  }
0xbc: {  	[sflag:s11] =	ssyncadd.s32 $0xFFFFC000  }
0xbd: {  	_ =	swait.ge [sflag:s12], $0x4000  }
0xbe: {  	[sflag:s12] =	ssyncset.done $0x0  }
0xbf: {  	s17 =	simm.s32 $0xC300;
	s18 =	rddreg [dreg:$0xa];
	[sflag:s12] =	ssyncadd.s32 $0xFFFFC000  }
0xc0: {  	[tilespmem:s17], [sflag:$0x1] =	stream.linear.gather [hbm4b:s18+s2], $0x100, $0x38;
	[tilespmem:$0x1FC80] =	vst v63  }
0xc1: {  	_ =	swait.ge [sflag:s23], $0x100  }
0xc2: {  	[sflag:s23] =	ssyncset.done $0x0  }
0xc3: {  	[sflag:s23] =	ssyncadd.s32 $0xFFFFFF00  }
0xc4: {  	[tilespmem:s25], [sflag:$0x4] =	stream.indirect.gather [hbm4b:s3+s14], $0x80, s17, s14, $0xb8;
	[tilespmem:$0x1FC80] =	vst v63  }
0xc5: {  	_ =	swait.ge [sflag:s29], $0x800  }
0xc6: {  	[sflag:s29] =	ssyncset.done $0x0  }
0xc7: {  	s18 =	simm.s32 $0xC380;
	[sflag:s29] =	ssyncadd.s32 $0xFFFFF800  }
0xc8: {  	[spmem:s1] =	stream.indirect.scatter.add.f32 [tilespmem:s25], [sflag:$0xA], $0x80, s18, s14, $0xb8;
	[tilespmem:$0x1FC80] =	vst v63  }
0xc9: {  	_ =	swait.ge [sflag:s22], $0x800  }
0xca: {  	[sflag:s22] =	ssyncset.done $0x0  }
0xcb: {  	[sflag:s22] =	ssyncadd.s32 $0xFFFFF800  }
0xcc: {  	[bflag:$0x0] =	sbarrier.arrive $0xFFFF  }
0xcd: {  	s17 =	rddreg [dreg:$0xb]  }
0xce: {  	[hbm:s17], [sflag:s8] =	dma.local [spmem:s16], $0x2700  }
0xcf: {  	_ =	swait.ge [sflag:s22], $0x2700  }
0xd0: {  	[sflag:s22] =	ssyncset.done $0x0  }
0xd1: {  	s13 =	rddreg [dreg:$0xc];
	[sflag:s22] =	ssyncadd.s32 $0xFFFFD900  }
0xd2: {  	[hbm:s13], [sflag:s8] =	dma.local @!p0 [spmem:s4], $0x100  }
0xd3: {  	s4 =	simm.s32 @!p0 $0xA  }
0xd4: {  	_ =	swait.ge @!p0 [sflag:s4], $0x100  }
0xd5: {  	s15 =	sadd.s32 $0x1, s15;
	s18 =	rddreg [dreg:$0xd]  }
0xd6: {  	p1 =	sne.s32 s15, s18  }
.Ltmp1:
0xd7: {  	_ = 	snop;
	(pc) =	sbr.rel @p1 .LBB2_1-.Ltmp1, $3  }
0xd8: {  	_ =	sdelay $0x1  }
0xd9: {  	[sflag:s4] =	ssyncset.done @!p0 $0x0  }
0xda: {  	[sflag:s4] =	ssyncadd.s32 @!p0 $0xFFFFFF00  }
0xdb: {  	_ =	sfence.sel $0x180000  }
0xdc: {  	[bflag:$0x0] =	sbarrier.arrive $0xFFFF  }
0xdd: {  	_ =	strace $0x90000047  }
0xde: {  	[bflag:$0x2] =	sbarrier.arrive $0xFFFF  }
0xdf: {  	s0 =	rddreg [dreg:$0x2]  }
0xe0: {  	s0 =	sadd.s32 @!p0 $0x100000, s0  }
0xe1: {  	[sflag:s0] =	ssyncadd.tile.s32 @!p0 $0x1;
	_ =	shalt  }
.Lfunc_end2:
_tile_overlayer_lowered:
.L_overlay_start_2:
0xe2: {  	(tag) =	ssettag $0x2  }
0xe3: {  	s0 =	rddreg [dreg:$0x0];
	s2 =	stileid.u32  }
0xe4: {  	s1 =	rddreg [dreg:$0x1];
	p0 =	sne.s32 s2, $0x0  }
0xe5: {  	s3 =	rddreg [dreg:$0x2];
	[bflag:$0x3] =	sbarrier.arrive $0xFFFF;
	s2 =	simm.s32 @!p0 $0x1C0A  }
0xe6: {  	[timem:s3], [sflag:s2] =	dma.local @!p0 [hbm:s0], s1  }
0xe7: {  	s0 =	simm.s32 @!p0 $0xA  }
0xe8: {  	_ =	swait.ge @!p0 [sflag:s0], s1  }
0xe9: {  	s1 =	ssub.s32 @!p0 $0x0, s1;
	[sflag:s0] =	ssyncset.done @!p0 $0x0  }
0xea: {  	[sflag:s0] =	ssyncadd.s32 @!p0 s1  }
0xeb: {  	[bflag:$0x3] =	sbarrier.arrive $0xFFFF  }
0xec: {  	_ =	shalt  }

// kernel: kernel.13.cloned.1.call-start
scs
__scs_entry_jumppad:
0x0: {  	(pc) =	sbr.rel $0x88, $3  }
0x1: {  	(tag) =	ssettag $0x0;
	lr =	simm.s32 $0x1  }
0x2: {  	[smem:$0x3F92] =	sst lr;
	_ =	strace $0xD0000000  }
0x3: {  	_ = 	snop  }
0x4: {  	_ = 	snop  }
0x5: {  	_ = 	snop  }
0x6: {  	_ = 	snop  }
0x7: {  	_ = 	snop  }
__scs_overlays_trampoline_lowered:
0x8: {  	[smem:$0x3FA1] =	sst s0  }
0x9: {  	[smem:$0x3FA2] =	sst s1  }
0xa: {  	[smem:$0x3FA3] =	sst s2  }
0xb: {  	[smem:$0x3FA4] =	sst s3  }
0xc: {  	[smem:$0x3FA5] =	sst s4  }
0xd: {  	[smem:$0x3FA6] =	sst s5  }
0xe: {  	[smem:$0x3FA7] =	sst s6  }
0xf: {  	[smem:$0x3FA8] =	sst s7  }
0x10: {  	[smem:$0x3FA9] =	sst s8  }
0x11: {  	[smem:$0x3FAA] =	sst s9;
	s0 =	simm.s32 @!p0 $0x0  }
0x12: {  	s1 =	sld [smem:$0x3F90];
	s0 =	simm.s32 @p0 $0x1  }
0x13: {  	[smem:$0x3FAB] =	sst s0;
	s0 =	simm.s32 @!p1 $0x0  }
0x14: {  	s2 =	sld [smem:$0x3F8F];
	s0 =	simm.s32 @p1 $0x1  }
0x15: {  	[smem:$0x3FAC] =	sst s0;
	s0 =	simm.s32 @!p2 $0x0  }
0x16: {  	s3 =	sld [smem:$0x3FDB];
	s0 =	simm.s32 @p2 $0x1  }
0x17: {  	s4 =	simm.s32 $0x1BF5;
	[smem:$0x3FAE] =	sst s0  }
0x18: {  	s0 =	sld [smem:$0x3F91];
	_ =	swait.ge [sflag:s4], $0x0  }
0x19: {  	s7 =	sld [smem:$0x3F92]  }
0x1a: {  	s8 =	sadd.s32 $0xFFFFE003, lr  }
0x1b: {  	s9 =	sadd.s32 $0xFFFFFEF7, lr;
	s5 =	simm.s32 $0xFFFFFFFF;
	p2 =	slt.u32 s8, $0xFFFFF086  }
0x1c: {  	p1 =	slt.u32 s9, $0xF7A;
	s5 =	simm.s32 @!p2 $0x0  }
0x1d: {  	s5 =	simm.s32 @p1 $0x1;
	p0 =	seq.s32 s7, s2  }
0x1e: {  	s7 =	smul.u32 @!p0 $0xF7A, s2;
	p2 =	seq.s32 @!p0 s5, $0x0  }
0x1f: {  	s9 =	smul.u32 $0xF7A, s1;
	s8 =	simm.s32 @!p0 $0x1BF5;
	p2 =	por !p2, p0  }
0x20: {  	[sflag:s8] =	ssyncset.s32 @!p0 $0xFFFFF086;
	s6 =	sadd.s32 @!p0 s3, s7;
	s7 =	simm.s32 @!p0 $0x108  }
0x21: {  	s3 =	sadd.s32 s3, s9;
	s6 =	sadd.s32 @!p0 $0x88, s6;
	s7 =	simm.s32 @p2 $0x1082  }
0x22: {  	[simem:s7], [sflag:s8] =	dma.local @!p0 [hbm:s6], $0xF7A  }
0x23: {  	s9 =	sor.u32 $0xD0000000, s2;
	s6 =	simm.s32 $0x108;
	_ =	swait.ge @!p0 [sflag:s8], $0x0  }
0x24: {  	s3 =	sadd.s32 $0x88, s3;
	s6 =	simm.s32 @!p1 $0x1082;
	[sflag:s4] =	ssyncset.s32 $0xFFFFF086  }
0x25: {  	[simem:s6], [sflag:s4] =	dma.local [hbm:s3], $0xF7A  }
0x26: {  	[smem:$0x3F92] =	sst s1;
	(tag) =	ssettag s2;
	_ =	strace s9  }
0x27: {  	s1 =	sld [smem:$0x3FA2]  }
0x28: {  	s2 =	sld [smem:$0x3FA3]  }
0x29: {  	s4 =	sld [smem:$0x3FA5]  }
0x2a: {  	p0 =	seq.s32 s5, $0x0;
	s5 =	sld [smem:$0x3FA6]  }
0x2b: {  	s6 =	sld [smem:$0x3FA7]  }
0x2c: {  	s7 =	sld [smem:$0x3FA8]  }
0x2d: {  	s3 =	simm.s32 $0x108;
	s8 =	sld [smem:$0x3FA9]  }
0x2e: {  	s3 =	simm.s32 @!p0 $0x1082;
	s9 =	sld [smem:$0x3FAA]  }
0x2f: {  	lr =	sadd.s32 s0, s3;
	s0 =	sld [smem:$0x3FA1]  }
0x30: {  	s3 =	sld [smem:$0x3FA4]  }
0x31: {  	[smem:$0x3FAD] =	sst s10  }
0x32: {  	s10 =	sld [smem:$0x3FAB];
	_ =	sdelay $0x3  }
0x33: {  	p0 =	seq.s32 s10, $0x1;
	s10 =	sld [smem:$0x3FAD];
	_ =	sdelay $0x3  }
0x34: {  	[smem:$0x3FAD] =	sst s10  }
0x35: {  	s10 =	sld [smem:$0x3FAC];
	_ =	sdelay $0x3  }
0x36: {  	p1 =	seq.s32 s10, $0x1;
	s10 =	sld [smem:$0x3FAD];
	_ =	sdelay $0x3  }
0x37: {  	[smem:$0x3FAD] =	sst s10  }
0x38: {  	s10 =	sld [smem:$0x3FAE]  }
0x39: {  	_ = 	snop;
	(pc) =	sbr.ind lr, $3  }
0x3a: {  	_ = 	snop  }
0x3b: {  	_ = 	snop  }
0x3c: {  	p2 =	seq.s32 s10, $0x1;
	s10 =	sld [smem:$0x3FAD]  }
0x3d: {  	_ =	shalt  }
0x3e: {  	_ =	shalt  }
0x3f: {  	_ =	shalt  }
0x40: {  	_ =	shalt  }
0x41: {  	_ =	shalt  }
0x42: {  	_ =	shalt  }
0x43: {  	_ =	shalt  }
0x44: {  	_ =	shalt  }
0x45: {  	_ =	shalt  }
0x46: {  	_ =	shalt  }
0x47: {  	_ =	shalt  }
0x48: {  	_ =	shalt  }
0x49: {  	_ =	shalt  }
0x4a: {  	_ =	shalt  }
0x4b: {  	_ =	shalt  }
0x4c: {  	_ =	shalt  }
0x4d: {  	_ =	shalt  }
0x4e: {  	_ =	shalt  }
0x4f: {  	_ =	shalt  }
0x50: {  	_ =	shalt  }
0x51: {  	_ =	shalt  }
0x52: {  	_ =	shalt  }
0x53: {  	_ =	shalt  }
0x54: {  	_ =	shalt  }
0x55: {  	_ =	shalt  }
0x56: {  	_ =	shalt  }
0x57: {  	_ =	shalt  }
0x58: {  	_ =	shalt  }
0x59: {  	_ =	shalt  }
0x5a: {  	_ =	shalt  }
0x5b: {  	_ =	shalt  }
0x5c: {  	_ =	shalt  }
0x5d: {  	_ =	shalt  }
0x5e: {  	_ =	shalt  }
0x5f: {  	_ =	shalt  }
0x60: {  	_ =	shalt  }
0x61: {  	_ =	shalt  }
0x62: {  	_ =	shalt  }
0x63: {  	_ =	shalt  }
0x64: {  	_ =	shalt  }
0x65: {  	_ =	shalt  }
0x66: {  	_ =	shalt  }
0x67: {  	_ =	shalt  }
0x68: {  	_ =	shalt  }
0x69: {  	_ =	shalt  }
0x6a: {  	_ =	shalt  }
0x6b: {  	_ =	shalt  }
0x6c: {  	_ =	shalt  }
0x6d: {  	_ =	shalt  }
0x6e: {  	_ =	shalt  }
0x6f: {  	_ =	shalt  }
0x70: {  	_ =	shalt  }
0x71: {  	_ =	shalt  }
0x72: {  	_ =	shalt  }
0x73: {  	_ =	shalt  }
0x74: {  	_ =	shalt  }
0x75: {  	_ =	shalt  }
0x76: {  	_ =	shalt  }
0x77: {  	_ =	shalt  }
0x78: {  	_ =	shalt  }
0x79: {  	_ =	shalt  }
0x7a: {  	_ =	shalt  }
0x7b: {  	_ =	shalt  }
0x7c: {  	_ =	shalt  }
0x7d: {  	_ =	shalt  }
0x7e: {  	_ =	shalt  }
0x7f: {  	_ =	shalt  }
0x80: {  	_ =	shalt  }
0x81: {  	_ =	shalt  }
0x82: {  	_ =	shalt  }
0x83: {  	_ =	shalt  }
0x84: {  	_ =	shalt  }
0x85: {  	_ =	shalt  }
0x86: {  	_ =	shalt  }
0x87: {  	_ =	shalt  }
.Lfunc_end0:
.L_simem_size_0:
called_computation.1_lowered:
.L_overlay_start_0:
0x88: {  	s2 =	sld [smem:$0x3FD9]  }
0x89: {  	s3 =	sld [smem:$0x3FFE];
	_ =	sdelay $0x1  }
0x8a: {  	s1 =	srdreg.scid  }
0x8b: {  	s0 =	sand.u32 $0x1, s1  }
0x8c: {  	s16 =	sshll.u32 s0, $0xA;
	s2 =	sadd.s32 s3, s2  }
0x8d: {  	s2 =	sadd.s32 s2, s16  }
0x8e: {  	[smem:$0x3FB9] =	sst s2  }
0x8f: {  	_ = 	snop  }
0x90: {  	(tm) =	ssettm $0x1  }
0x91: {  	s17 =	sld [smem:$0x3FFB];
	_ =	sdelay $0x3  }
0x92: {  	_ =	strace s17  }
0x93: {  	s2 =	sld [smem:$0x3FFC];
	_ =	sdelay $0x3  }
0x94: {  	_ =	strace s2  }
0x95: {  	s2 =	sld [smem:$0x3FFD];
	_ =	sdelay $0x3  }
0x96: {  	_ =	strace s2  }
0x97: {  	_ =	strace $0x8FFFFFFF  }
0x98: {  	s18 =	sld [smem:$0x3FDB];
	_ =	sdelay $0x1  }
0x99: {  	s19 =	simm.s32 $_scs_section_size  }
0x9a: {  	s4 =	simm.s32 $_size__tile_overlayer_lowered;
	s5 =	simm.s32 $_tile_overlayer_lowered  }
0x9b: {  	s22 =	simm.s32 $0x1BFF;
	s21 =	sshll.u32 s5, $0x1;
	s2 =	sadd.s32 s19, s18  }
0x9c: {  	s6 =	simm.s32 $0x0;
	s20 =	sshll.u32 s4, $0x1;
	s4 =	sadd.s32 s21, s2  }
0x9d: {  	[timem:s6], [sflag:s22] =	dma.local [hbm:s4], s20  }
0x9e: {  	_ =	swait.ge [sflag:s22], s20  }
0x9f: {  	s3 =	ssub.s32 $0x0, s20;
	[sflag:s22] =	ssyncset.done $0x0  }
0xa0: {  	[sflag:s22] =	ssyncadd.s32 s3;
	_ =	sdelay $0x1  }
0xa1: {  	s23 =	simm.s32 $0x1B8B  }
0xa2: {  	_ =	swait.ge [sflag:s23], $0x1  }
0xa3: {  	[sflag:s23] =	ssyncset.done $0x0  }
0xa4: {  	s25 =	simm.s32 $0x1B8E;
	s24 =	sld [smem:$0x3FFE];
	[sflag:s23] =	ssyncadd.s32 $0xFFFFFFFF  }
0xa5: {  	s26 =	simm.s32 $execute0_lowered;
	[smem:$0x3FD2] =	sst s25  }
0xa6: {  	s4 =	sshll.u32 s26, $0x1;
	_ =	strace $0x80000049;
	[dreg:$0x1] =	wrdreg $0xFFFFFFFF  }
0xa7: {  	s28 =	simm.s32 $_size_execute0_lowered;
	s2 =	sadd.s32 s2, s4;
	[dreg:$0x0] =	wrdreg $0x0  }
0xa8: {  	s4 =	sshll.u32 s28, $0x1;
	[dreg:$0x2] =	wrdreg s2  }
0xa9: {  	[dreg:$0x3] =	wrdreg s4  }
0xaa: {  	[dreg:$0x4] =	wrdreg $0xC0  }
0xab: {  	_ =	task [dreg:s6], $0x5FFFF  }
0xac: {  	[dreg:$0x1] =	wrdreg $0xFFFFFFFF  }
0xad: {  	[dreg:$0x0] =	wrdreg $0x60  }
0xae: {  	[dreg:$0x2] =	wrdreg s24  }
0xaf: {  	[dreg:$0x3] =	wrdreg $0xC4000  }
0xb0: {  	[dreg:$0x4] =	wrdreg $0x9  }
0xb1: {  	_ =	task.clear_ibuf [dreg:s6], $0x5FFFF;
	_ =	strace $0x90000049  }
0xb2: {  	s29 =	simm.s32 $0x9;
	_ =	strace $0x8000004B  }
0xb3: {  	_ =	swait.ge [sflag:s29], $0x1  }
0xb4: {  	[sflag:s29] =	ssyncadd.s32 $0xFFFFFFFF  }
0xb5: {  	_ =	strace $0x9000004B  }
0xb6: {  	_ =	sfence  }
0xb7: {  	s30 =	sld [smem:$0x0];
	_ =	sdelay $0x2  }
0xb8: {  	s31 =	sshll.u32 s1, $0xD;
	s1 =	sshrl.u32 s1, $0x2  }
0xb9: {  	s3 =	sand.u32 $0x4000, s31;
	s1 =	sadd.s32 s1, s30  }
0xba: {  	s0 =	sor.u32 s3, s0;
	s1 =	sshll.u32 s1, $0x11  }
0xbb: {  	s0 =	sor.u32 s1, s0  }
0xbc: {  	s0 =	sadd.s32 $0x8F2B, s0  }
0xbd: {  	[sflag:s0] =	ssyncadd.remote.s32 $0x1  }
0xbe: {  	_ =	sfence.sel $0xFFFF  }
0xbf: {  	[dreg:$0x0] =	wrdreg $0xFFFFFFFF;
	(pc) =	sbr.abs _section_cstart, $3  }
0xc0: {  	[dreg:$0x1] =	wrdreg $0xFFFFFFFF  }
0xc1: {  	_ =	task.clear_ibuf [dreg:s6], $0x2FFFF;
	_ =	strace $0x9FFFFFFF  }
0xc2: {  	(tm) =	ssettm $0x7FFFFFFF  }
0xc3: {  	_ =	shalt  }
tec
execute0_lowered:
.L_overlay_start_1:
0x0: {  	(tag) =	ssettag $0x1  }
0x1: {  	s0 =	rddreg [dreg:$0x0]  }
0x2: {  	s1 =	rddreg [dreg:$0x1]  }
0x3: {  	s2 =	simm.s32 $0x0;
	s3 =	srdreg.scid;
	s4 =	stileid.u32  }
0x4: {  	s28 =	simm.s32 $0x4300;
	s29 =	simm.s32 $0x4;
	s30 =	simm.s32 $0x200  }
0x5: {  	s31 =	simm.s32 $0x3;
	[smem:$0x7FF] =	sst s2;
	s5 =	sand.u32 $0x1, s3  }
0x6: {  	s20 =	sshll.u32 s4, $0x1;
	s6 =	smul.u32 $0x13800, s4;
	s3 =	sadd.s32 $0x2D800, s0  }
0x7: {  	s10 =	sadd.s32 $0x1A000, s0;
	s22 =	sadd.s32 $0x7BC00, s0;
	s15 =	sadd.s32 $0x1A020, s0  }
0x8: {  	s16 =	smul.u32 $0x4E000, s4;
	s24 =	sshll.u32 s4, $0x6;
	s25 =	sadd.s32 $0x138000, s1  }
0x9: {  	p0 =	sne.s32 s4, $0x0;
	_ =	strace $0x8000004A;
	s7 =	sor.u32 s5, s20  }
0xa: {  	s12 =	ssub.s32 $0x2, s5;
	[dreg:$0x7] =	wrdreg s25;
	s26 =	smul.u32 $0x138800, s5  }
0xb: {  	s5 =	smul.u32 $0x4E, s5;
	s8 =	sshll.u32 s7, $0x5;
	s9 =	sshrl.u32 s6, $0x3  }
0xc: {  	s13 =	smul.u32 $0x9C0, s7;
	s14 =	sshrl.u32 s12, $0x1;
	s23 =	sshrl.u32 s16, $0x2  }
0xd: {  	s7 =	smul.u32 $0x4E00, s7;
	s11 =	sadd.s32 s8, s0;
	s21 =	sadd.s32 s9, s0  }
0xe: {  	s12 =	ssub.s32 s12, s14;
	s0 =	sadd.s32 $0x7BA00, s0;
	s14 =	smul.u32 $0x9C, s4  }
0xf: {  	s16 =	sadd.s32 s6, s26;
	s19 =	sshrl.u32 s26, $0x3;
	s6 =	simm.s32 $0x180  }
0x10: {  	s17 =	sadd.s32 s10, s13;
	s13 =	sadd.s32 s13, s15;
	[dreg:$0x8] =	wrdreg s0  }
0x11: {  	s9 =	simm.s32 $0x6;
	s8 =	sadd.s32 $0x54A00, s21;
	[dreg:$0x4] =	wrdreg s13  }
0x12: {  	s7 =	sshrl.u32 s7, $0x3;
	s18 =	sadd.s32 $0x6400, s11;
	[dreg:$0x6] =	wrdreg s8  }
0x13: {  	s20 =	sadd.s32 s22, s19;
	s21 =	smax.u32 s12, $0x1;
	[dreg:$0xa] =	wrdreg s18  }
0x14: {  	s11 =	simm.s32 $0x8;
	s12 =	simm.s32 $0x9;
	[dreg:$0xd] =	wrdreg s21  }
0x15: {  	s13 =	sadd.s32 s23, s1;
	s8 =	sor.u32 $0x1C0A, s24;
	[dreg:$0x3] =	wrdreg s17  }
0x16: {  	s7 =	sadd.s32 s10, s7;
	s23 =	sadd.s32 $0x40, s17;
	[dreg:$0x5] =	wrdreg s13  }
0x17: {  	s5 =	sadd.s32 s5, s14;
	s24 =	sadd.s32 $0x60, s17;
	[dreg:$0xe] =	wrdreg s23  }
0x18: {  	s26 =	sadd.s32 $0x80, s17;
	s21 =	simm.s32 $0x100;
	[dreg:$0xf] =	wrdreg s24  }
0x19: {  	s14 =	simm.s32 $0x10;
	s0 =	sadd.s32 $0x9A0, s7;
	[dreg:$0x10] =	wrdreg s26  }
0x1a: {  	s23 =	simm.s32 $0x1;
	s24 =	simm.s32 $0x80;
	s26 =	simm.s32 $0x2  }
0x1b: {  	s7 =	simm.s32 $0x7;
	[dreg:$0x9] =	wrdreg s0;
	s0 =	sshrl.u32 s16, $0x3  }
0x1c: {  	s0 =	sadd.s32 s22, s0;
	s22 =	sshll.u32 s5, $0x5;
	s5 =	simm.s32 $0x5  }
0x1d: {  	[dreg:$0xb] =	wrdreg s0;
	s0 =	sadd.s32 $0x27000, s20;
	s25 =	sadd.s32 s10, s22  }
0x1e: {  	s10 =	simm.s32 $0x280;
	[dreg:$0xc] =	wrdreg s0;
	s19 =	sadd.s32 $0xC0, s25  }
0x1f: {  	s0 =	sadd.s32 s15, s22;
	s22 =	simm.s32 $0xA;
	s25 =	simm.s32 $0x300  }
0x20: {  	s15 =	simm.s32 $0x0;
	s20 =	sadd.s32 $0x80, s0;
	s0 =	simm.s32 $0x8300  }
.LBB2_1:
0x21: {  	s4 =	rddreg [dreg:$0x3]  }
0x22: {  	s17 =	rddreg [dreg:$0x4]  }
0x23: {  	s18 =	rddreg [dreg:$0x5]  }
0x24: {  	[tilespmem:s2], [sflag:$0x1] =	stream.linear.gather [hbm4b:s4+s2], $0x100, $0x38;
	[tilespmem:$0x1FC80] =	vst v63  }
0x25: {  	s13 =	rddreg [dreg:$0x6];
	s16 =	sshrl.u32 s18, $0x3  }
0x26: {  	[tilespmem:s21], [sflag:$0x2] =	stream.linear.gather [hbm4b:s17+s2], $0x100, $0x38;
	[tilespmem:$0x1FC80] =	vst v63  }
0x27: {  	[spmem:s16], [sflag:s8] =	dma.local [hbm:s13], $0x2700  }
0x28: {  	_ =	swait.ge [sflag:s22], $0x2700  }
0x29: {  	s17 =	simm.s32 @!p0 $0xA;
	[sflag:s22] =	ssyncset.done $0x0;
	s4 =	rddreg [dreg:$0x7]  }
0x2a: {  	s13 =	rddreg [dreg:$0x8];
	[sflag:s22] =	ssyncadd.s32 $0xFFFFD900;
	s4 =	sshrl.u32 @!p0 s4, $0x3  }
0x2b: {  	[spmem:s4], [sflag:s8] =	dma.local @!p0 [hbm:s13], $0x100  }
0x2c: {  	_ =	swait.ge @!p0 [sflag:s17], $0x100  }
0x2d: {  	[sflag:s17] =	ssyncset.done @!p0 $0x0  }
0x2e: {  	[sflag:s17] =	ssyncadd.s32 @!p0 $0xFFFFFF00  }
0x2f: {  	[bflag:$0x0] =	sbarrier.arrive $0xFFFF  }
0x30: {  	_ =	swait.ge [sflag:s23], $0x100  }
0x31: {  	[sflag:s23] =	ssyncset.done $0x0  }
0x32: {  	[sflag:s23] =	ssyncadd.s32 $0xFFFFFF00  }
0x33: {  	[tilespmem:s25], [sflag:$0x4] =	stream.indirect.gather [hbm4b:s3+s24], $0x80, s2, s24, $0xb8;
	[tilespmem:$0x1FC80] =	vst v63  }
0x34: {  	_ =	swait.ge [sflag:s26], $0x100  }
0x35: {  	[sflag:s26] =	ssyncset.done $0x0  }
0x36: {  	[sflag:s26] =	ssyncadd.s32 $0xFFFFFF00  }
0x37: {  	[tilespmem:s28], [sflag:$0x5] =	stream.indirect.gather [hbm4b:s3+s24], $0x80, s21, s24, $0xb8;
	[tilespmem:$0x1FC80] =	vst v63  }
0x38: {  	_ =	swait.ge [sflag:s29], $0x4000  }
0x39: {  	[sflag:s29] =	ssyncset.done $0x0  }
0x3a: {  	[sflag:s29] =	ssyncadd.s32 $0xFFFFC000  }
0x3b: {  	[spmem:s1] =	stream.indirect.scatter.add.f32 [tilespmem:s25], [sflag:$0x7], $0x80, s24, s24, $0xb8;
	[tilespmem:$0x1FC80] =	vst v63  }
0x3c: {  	s17 =	rddreg [dreg:$0xe]  }
0x3d: {  	[tilespmem:s30], [sflag:$0x3] =	stream.linear.gather [hbm4b:s17+s2], $0x100, $0x38;
	[tilespmem:$0x1FC80] =	vst v63  }
0x3e: {  	_ =	swait.ge [sflag:s31], $0x100  }
0x3f: {  	[sflag:s31] =	ssyncset.done $0x0  }
0x40: {  	[sflag:s31] =	ssyncadd.s32 $0xFFFFFF00  }
0x41: {  	[tilespmem:s0], [sflag:$0x6] =	stream.indirect.gather [hbm4b:s3+s24], $0x80, s30, s24, $0xb8;
	[tilespmem:$0x1FC80] =	vst v63  }
0x42: {  	_ =	swait.ge [sflag:s5], $0x4000  }
0x43: {  	[sflag:s5] =	ssyncset.done $0x0  }
0x44: {  	[sflag:s5] =	ssyncadd.s32 $0xFFFFC000  }
0x45: {  	[spmem:s1] =	stream.indirect.scatter.add.f32 [tilespmem:s28], [sflag:$0x8], $0x80, s6, s24, $0xb8;
	[tilespmem:$0x1FC80] =	vst v63  }
0x46: {  	_ =	swait.ge [sflag:s7], $0x4000  }
0x47: {  	[sflag:s7] =	ssyncset.done $0x0  }
0x48: {  	s18 =	rddreg [dreg:$0xf];
	[sflag:s7] =	ssyncadd.s32 $0xFFFFC000  }
0x49: {  	[tilespmem:s2], [sflag:$0x1] =	stream.linear.gather [hbm4b:s18+s2], $0x100, $0x38;
	[tilespmem:$0x1FC80] =	vst v63  }
0x4a: {  	_ =	swait.ge [sflag:s23], $0x100  }
0x4b: {  	[sflag:s23] =	ssyncset.done $0x0  }
0x4c: {  	[sflag:s23] =	ssyncadd.s32 $0xFFFFFF00  }
0x4d: {  	[tilespmem:s25], [sflag:$0x4] =	stream.indirect.gather [hbm4b:s3+s24], $0x80, s2, s24, $0xb8;
	[tilespmem:$0x1FC80] =	vst v63  }
0x4e: {  	_ =	swait.ge [sflag:s9], $0x4000  }
0x4f: {  	[sflag:s9] =	ssyncset.done $0x0  }
0x50: {  	[sflag:s9] =	ssyncadd.s32 $0xFFFFC000  }
0x51: {  	[spmem:s1] =	stream.indirect.scatter.add.f32 [tilespmem:s0], [sflag:$0x9], $0x80, s10, s24, $0xb8;
	[tilespmem:$0x1FC80] =	vst v63  }
0x52: {  	_ =	swait.ge [sflag:s11], $0x4000  }
0x53: {  	[sflag:s11] =	ssyncset.done $0x0  }
0x54: {  	s17 =	rddreg [dreg:$0x10];
	[sflag:s11] =	ssyncadd.s32 $0xFFFFC000  }
0x55: {  	[tilespmem:s21], [sflag:$0x2] =	stream.linear.gather [hbm4b:s17+s2], $0x100, $0x38;
	[tilespmem:$0x1FC80] =	vst v63  }
0x56: {  	_ =	swait.ge [sflag:s26], $0x100  }
0x57: {  	[sflag:s26] =	ssyncset.done $0x0  }
0x58: {  	[sflag:s26] =	ssyncadd.s32 $0xFFFFFF00  }
0x59: {  	[tilespmem:s28], [sflag:$0x5] =	stream.indirect.gather [hbm4b:s3+s24], $0x80, s21, s24, $0xb8;
	[tilespmem:$0x1FC80] =	vst v63  }
0x5a: {  	_ =	swait.ge [sflag:s29], $0x4000  }
0x5b: {  	[sflag:s29] =	ssyncset.done $0x0  }
0x5c: {  	[sflag:s29] =	ssyncadd.s32 $0xFFFFC000  }
0x5d: {  	[spmem:s1] =	stream.indirect.scatter.add.f32 [tilespmem:s25], [sflag:$0x7], $0x80, s24, s24, $0xb8;
	[tilespmem:$0x1FC80] =	vst v63  }
0x5e: {  	_ =	swait.ge [sflag:s12], $0x4000  }
0x5f: {  	[sflag:s12] =	ssyncset.done $0x0  }
0x60: {  	s18 =	sadd.s32 $0x0, s20;
	[sflag:s12] =	ssyncadd.s32 $0xFFFFC000  }
0x61: {  	[tilespmem:s30], [sflag:$0x3] =	stream.linear.gather [hbm4b:s18+s2], $0x100, $0x38;
	[tilespmem:$0x1FC80] =	vst v63  }
0x62: {  	_ =	swait.ge [sflag:s31], $0x100  }
0x63: {  	[sflag:s31] =	ssyncset.done $0x0  }
0x64: {  	[sflag:s31] =	ssyncadd.s32 $0xFFFFFF00  }
0x65: {  	[tilespmem:s0], [sflag:$0x6] =	stream.indirect.gather [hbm4b:s3+s24], $0x80, s30, s24, $0xb8;
	[tilespmem:$0x1FC80] =	vst v63  }
0x66: {  	_ =	swait.ge [sflag:s5], $0x4000  }
0x67: {  	[sflag:s5] =	ssyncset.done $0x0  }
0x68: {  	[sflag:s5] =	ssyncadd.s32 $0xFFFFC000  }
0x69: {  	[spmem:s1] =	stream.indirect.scatter.add.f32 [tilespmem:s28], [sflag:$0x8], $0x80, s6, s24, $0xb8;
	[tilespmem:$0x1FC80] =	vst v63  }
0x6a: {  	_ =	swait.ge [sflag:s7], $0x4000  }
0x6b: {  	[sflag:s7] =	ssyncset.done $0x0  }
0x6c: {  	s18 =	sadd.s32 $0x0, s19;
	[sflag:s7] =	ssyncadd.s32 $0xFFFFC000  }
0x6d: {  	[tilespmem:s2], [sflag:$0x1] =	stream.linear.gather [hbm4b:s18+s2], $0x100, $0x38;
	[tilespmem:$0x1FC80] =	vst v63  }
0x6e: {  	_ =	swait.ge [sflag:s23], $0x100  }
0x6f: {  	[sflag:s23] =	ssyncset.done $0x0  }
0x70: {  	[sflag:s23] =	ssyncadd.s32 $0xFFFFFF00  }
0x71: {  	[tilespmem:s25], [sflag:$0x4] =	stream.indirect.gather [hbm4b:s3+s24], $0x80, s2, s24, $0xb8;
	[tilespmem:$0x1FC80] =	vst v63  }
0x72: {  	_ =	swait.ge [sflag:s9], $0x4000  }
0x73: {  	[sflag:s9] =	ssyncset.done $0x0  }
0x74: {  	[sflag:s9] =	ssyncadd.s32 $0xFFFFC000  }
0x75: {  	[spmem:s1] =	stream.indirect.scatter.add.f32 [tilespmem:s0], [sflag:$0x9], $0x80, s10, s24, $0xb8;
	[tilespmem:$0x1FC80] =	vst v63  }
0x76: {  	_ =	swait.ge [sflag:s11], $0x4000  }
0x77: {  	[sflag:s11] =	ssyncset.done $0x0  }
0x78: {  	s17 =	simm.s32 $0x60;
	s18 =	sadd.s32 $0x20, s18;
	[sflag:s11] =	ssyncadd.s32 $0xFFFFC000  }
.LBB2_2:
0x79: {  	[tilespmem:s21], [sflag:$0x2] =	stream.linear.gather [hbm4b:s18+s2], $0x100, $0x38;
	[tilespmem:$0x1FC80] =	vst v63  }
0x7a: {  	s18 =	smov.u32 s17  }
0x7b: {  	p1 =	sne.s32 s17, $0x8A0;
	s17 =	sadd.s32 $0x60, s17;
	_ =	swait.ge [sflag:s26], $0x100  }
0x7c: {  	[sflag:s26] =	ssyncset.done $0x0  }
0x7d: {  	[sflag:s26] =	ssyncadd.s32 $0xFFFFFF00  }
0x7e: {  	[tilespmem:s28], [sflag:$0x5] =	stream.indirect.gather [hbm4b:s3+s24], $0x80, s21, s24, $0xb8;
	[tilespmem:$0x1FC80] =	vst v63  }
0x7f: {  	_ =	swait.ge [sflag:s29], $0x4000  }
0x80: {  	[sflag:s29] =	ssyncset.done $0x0  }
0x81: {  	[sflag:s29] =	ssyncadd.s32 $0xFFFFC000  }
0x82: {  	[spmem:s1] =	stream.indirect.scatter.add.f32 [tilespmem:s25], [sflag:$0x7], $0x80, s24, s24, $0xb8;
	[tilespmem:$0x1FC80] =	vst v63  }
0x83: {  	_ =	swait.ge [sflag:s12], $0x4000  }
0x84: {  	[sflag:s12] =	ssyncset.done $0x0  }
0x85: {  	s13 =	sadd.s32 s18, s20;
	[sflag:s12] =	ssyncadd.s32 $0xFFFFC000  }
0x86: {  	[tilespmem:s30], [sflag:$0x3] =	stream.linear.gather [hbm4b:s13+s2], $0x100, $0x38;
	[tilespmem:$0x1FC80] =	vst v63  }
0x87: {  	_ =	swait.ge [sflag:s31], $0x100  }
0x88: {  	[sflag:s31] =	ssyncset.done $0x0  }
0x89: {  	[sflag:s31] =	ssyncadd.s32 $0xFFFFFF00  }
0x8a: {  	[tilespmem:s0], [sflag:$0x6] =	stream.indirect.gather [hbm4b:s3+s24], $0x80, s30, s24, $0xb8;
	[tilespmem:$0x1FC80] =	vst v63  }
0x8b: {  	_ =	swait.ge [sflag:s5], $0x4000  }
0x8c: {  	[sflag:s5] =	ssyncset.done $0x0  }
0x8d: {  	[sflag:s5] =	ssyncadd.s32 $0xFFFFC000  }
0x8e: {  	[spmem:s1] =	stream.indirect.scatter.add.f32 [tilespmem:s28], [sflag:$0x8], $0x80, s6, s24, $0xb8;
	[tilespmem:$0x1FC80] =	vst v63  }
0x8f: {  	_ =	swait.ge [sflag:s7], $0x4000  }
0x90: {  	[sflag:s7] =	ssyncset.done $0x0  }
0x91: {  	s13 =	sadd.s32 s18, s19;
	[sflag:s7] =	ssyncadd.s32 $0xFFFFC000  }
0x92: {  	[tilespmem:s2], [sflag:$0x1] =	stream.linear.gather [hbm4b:s13+s2], $0x100, $0x38;
	[tilespmem:$0x1FC80] =	vst v63  }
0x93: {  	_ =	swait.ge [sflag:s23], $0x100  }
0x94: {  	[sflag:s23] =	ssyncset.done $0x0  }
0x95: {  	[sflag:s23] =	ssyncadd.s32 $0xFFFFFF00  }
0x96: {  	[tilespmem:s25], [sflag:$0x4] =	stream.indirect.gather [hbm4b:s3+s24], $0x80, s2, s24, $0xb8;
	[tilespmem:$0x1FC80] =	vst v63  }
0x97: {  	_ =	swait.ge [sflag:s9], $0x4000  }
0x98: {  	[sflag:s9] =	ssyncset.done $0x0  }
.Ltmp0:
0x99: {  	[sflag:s9] =	ssyncadd.s32 $0xFFFFC000;
	(pc) =	sbr.rel @p1 .LBB2_2-.Ltmp0, $4  }
0x9a: {  	[spmem:s1] =	stream.indirect.scatter.add.f32 [tilespmem:s0], [sflag:$0x9], $0x80, s10, s24, $0xb8;
	[tilespmem:$0x1FC80] =	vst v63  }
0x9b: {  	_ =	swait.ge [sflag:s11], $0x4000  }
0x9c: {  	[sflag:s11] =	ssyncset.done $0x0  }
0x9d: {  	s18 =	sadd.s32 $0x20, s13;
	[sflag:s11] =	ssyncadd.s32 $0xFFFFC000  }
0x9e: {  	[tilespmem:s21], [sflag:$0x2] =	stream.linear.gather [hbm4b:s18+s2], $0x100, $0x38;
	[tilespmem:$0x1FC80] =	vst v63  }
0x9f: {  	_ =	swait.ge [sflag:s26], $0x100  }
0xa0: {  	[sflag:s26] =	ssyncset.done $0x0  }
0xa1: {  	[sflag:s26] =	ssyncadd.s32 $0xFFFFFF00  }
0xa2: {  	[tilespmem:s28], [sflag:$0x5] =	stream.indirect.gather [hbm4b:s3+s24], $0x80, s21, s24, $0xb8;
	[tilespmem:$0x1FC80] =	vst v63  }
0xa3: {  	_ =	swait.ge [sflag:s29], $0x4000  }
0xa4: {  	[sflag:s29] =	ssyncset.done $0x0  }
0xa5: {  	[sflag:s29] =	ssyncadd.s32 $0xFFFFC000  }
0xa6: {  	[spmem:s1] =	stream.indirect.scatter.add.f32 [tilespmem:s25], [sflag:$0x7], $0x80, s24, s24, $0xb8;
	[tilespmem:$0x1FC80] =	vst v63  }
0xa7: {  	_ =	swait.ge [sflag:s12], $0x4000  }
0xa8: {  	[sflag:s12] =	ssyncset.done $0x0  }
0xa9: {  	s13 =	rddreg [dreg:$0x9];
	[sflag:s12] =	ssyncadd.s32 $0xFFFFC000  }
0xaa: {  	[tilespmem:s30], [sflag:$0x3] =	stream.linear.gather [hbm4b:s13+s2], $0x100, $0x38;
	[tilespmem:$0x1FC80] =	vst v63  }
0xab: {  	_ =	swait.ge [sflag:s31], $0x100  }
0xac: {  	[sflag:s31] =	ssyncset.done $0x0  }
0xad: {  	[sflag:s31] =	ssyncadd.s32 $0xFFFFFF00  }
0xae: {  	[tilespmem:s0], [sflag:$0x6] =	stream.indirect.gather [hbm4b:s3+s24], $0x80, s30, s24, $0xb8;
	[tilespmem:$0x1FC80] =	vst v63  }
0xaf: {  	_ =	swait.ge [sflag:s5], $0x4000  }
0xb0: {  	[sflag:s5] =	ssyncset.done $0x0  }
0xb1: {  	[sflag:s5] =	ssyncadd.s32 $0xFFFFC000  }
0xb2: {  	[spmem:s1] =	stream.indirect.scatter.add.f32 [tilespmem:s28], [sflag:$0x8], $0x80, s6, s24, $0xb8;
	[tilespmem:$0x1FC80] =	vst v63  }
0xb3: {  	_ =	swait.ge [sflag:s9], $0x4000  }
0xb4: {  	[sflag:s9] =	ssyncset.done $0x0  }
0xb5: {  	[sflag:s9] =	ssyncadd.s32 $0xFFFFC000  }
0xb6: {  	[spmem:s1] =	stream.indirect.scatter.add.f32 [tilespmem:s0], [sflag:$0x9], $0x80, s10, s24, $0xb8;
	[tilespmem:$0x1FC80] =	vst v63  }
0xb7: {  	_ =	swait.ge [sflag:s7], $0x4000  }
0xb8: {  	[sflag:s7] =	ssyncset.done $0x0  }
0xb9: {  	[sflag:s7] =	ssyncadd.s32 $0xFFFFC000  }
0xba: {  	_ =	swait.ge [sflag:s11], $0x4000  }
0xbb: {  	[sflag:s11] =	ssyncset.done $0x0  }
0xbc: {  	[sflag:s11] =	ssyncadd.s32 $0xFFFFC000  }
0xbd: {  	_ =	swait.ge [sflag:s12], $0x4000  }
0xbe: {  	[sflag:s12] =	ssyncset.done $0x0  }
0xbf: {  	s17 =	simm.s32 $0xC300;
	s18 =	rddreg [dreg:$0xa];
	[sflag:s12] =	ssyncadd.s32 $0xFFFFC000  }
0xc0: {  	[tilespmem:s17], [sflag:$0x1] =	stream.linear.gather [hbm4b:s18+s2], $0x100, $0x38;
	[tilespmem:$0x1FC80] =	vst v63  }
0xc1: {  	_ =	swait.ge [sflag:s23], $0x100  }
0xc2: {  	[sflag:s23] =	ssyncset.done $0x0  }
0xc3: {  	[sflag:s23] =	ssyncadd.s32 $0xFFFFFF00  }
0xc4: {  	[tilespmem:s25], [sflag:$0x4] =	stream.indirect.gather [hbm4b:s3+s14], $0x80, s17, s14, $0xb8;
	[tilespmem:$0x1FC80] =	vst v63  }
0xc5: {  	_ =	swait.ge [sflag:s29], $0x800  }
0xc6: {  	[sflag:s29] =	ssyncset.done $0x0  }
0xc7: {  	s18 =	simm.s32 $0xC380;
	[sflag:s29] =	ssyncadd.s32 $0xFFFFF800  }
0xc8: {  	[spmem:s1] =	stream.indirect.scatter.add.f32 [tilespmem:s25], [sflag:$0xA], $0x80, s18, s14, $0xb8;
	[tilespmem:$0x1FC80] =	vst v63  }
0xc9: {  	_ =	swait.ge [sflag:s22], $0x800  }
0xca: {  	[sflag:s22] =	ssyncset.done $0x0  }
0xcb: {  	[sflag:s22] =	ssyncadd.s32 $0xFFFFF800  }
0xcc: {  	[bflag:$0x0] =	sbarrier.arrive $0xFFFF  }
0xcd: {  	s17 =	rddreg [dreg:$0xb]  }
0xce: {  	[hbm:s17], [sflag:s8] =	dma.local [spmem:s16], $0x2700  }
0xcf: {  	_ =	swait.ge [sflag:s22], $0x2700  }
0xd0: {  	[sflag:s22] =	ssyncset.done $0x0  }
0xd1: {  	s13 =	rddreg [dreg:$0xc];
	[sflag:s22] =	ssyncadd.s32 $0xFFFFD900  }
0xd2: {  	[hbm:s13], [sflag:s8] =	dma.local @!p0 [spmem:s4], $0x100  }
0xd3: {  	s4 =	simm.s32 @!p0 $0xA  }
0xd4: {  	_ =	swait.ge @!p0 [sflag:s4], $0x100  }
0xd5: {  	s15 =	sadd.s32 $0x1, s15;
	s18 =	rddreg [dreg:$0xd]  }
0xd6: {  	p1 =	sne.s32 s15, s18  }
.Ltmp1:
0xd7: {  	_ = 	snop;
	(pc) =	sbr.rel @p1 .LBB2_1-.Ltmp1, $3  }
0xd8: {  	_ =	sdelay $0x1  }
0xd9: {  	[sflag:s4] =	ssyncset.done @!p0 $0x0  }
0xda: {  	[sflag:s4] =	ssyncadd.s32 @!p0 $0xFFFFFF00  }
0xdb: {  	_ =	sfence.sel $0x180000  }
0xdc: {  	[bflag:$0x0] =	sbarrier.arrive $0xFFFF  }
0xdd: {  	_ =	strace $0x9000004A  }
0xde: {  	[bflag:$0x2] =	sbarrier.arrive $0xFFFF  }
0xdf: {  	s0 =	rddreg [dreg:$0x2]  }
0xe0: {  	s0 =	sadd.s32 @!p0 $0x100000, s0  }
0xe1: {  	[sflag:s0] =	ssyncadd.tile.s32 @!p0 $0x1;
	_ =	shalt  }
.Lfunc_end2:
_tile_overlayer_lowered:
.L_overlay_start_2:
0xe2: {  	(tag) =	ssettag $0x2  }
0xe3: {  	s0 =	rddreg [dreg:$0x0];
	s2 =	stileid.u32  }
0xe4: {  	s1 =	rddreg [dreg:$0x1];
	p0 =	sne.s32 s2, $0x0  }
0xe5: {  	s3 =	rddreg [dreg:$0x2];
	[bflag:$0x3] =	sbarrier.arrive $0xFFFF;
	s2 =	simm.s32 @!p0 $0x1C0A  }
0xe6: {  	[timem:s3], [sflag:s2] =	dma.local @!p0 [hbm:s0], s1  }
0xe7: {  	s0 =	simm.s32 @!p0 $0xA  }
0xe8: {  	_ =	swait.ge @!p0 [sflag:s0], s1  }
0xe9: {  	s1 =	ssub.s32 @!p0 $0x0, s1;
	[sflag:s0] =	ssyncset.done @!p0 $0x0  }
0xea: {  	[sflag:s0] =	ssyncadd.s32 @!p0 s1  }
0xeb: {  	[bflag:$0x3] =	sbarrier.arrive $0xFFFF  }
0xec: {  	_ =	shalt  }

// kernel: kernel.16.cloned.1.call-start
scs
__scs_entry_jumppad:
0x0: {  	(pc) =	sbr.rel $0x88, $3  }
0x1: {  	(tag) =	ssettag $0x0;
	lr =	simm.s32 $0x1  }
0x2: {  	[smem:$0x3F92] =	sst lr;
	_ =	strace $0xD0000000  }
0x3: {  	_ = 	snop  }
0x4: {  	_ = 	snop  }
0x5: {  	_ = 	snop  }
0x6: {  	_ = 	snop  }
0x7: {  	_ = 	snop  }
__scs_overlays_trampoline_lowered:
0x8: {  	[smem:$0x3FA1] =	sst s0  }
0x9: {  	[smem:$0x3FA2] =	sst s1  }
0xa: {  	[smem:$0x3FA3] =	sst s2  }
0xb: {  	[smem:$0x3FA4] =	sst s3  }
0xc: {  	[smem:$0x3FA5] =	sst s4  }
0xd: {  	[smem:$0x3FA6] =	sst s5  }
0xe: {  	[smem:$0x3FA7] =	sst s6  }
0xf: {  	[smem:$0x3FA8] =	sst s7  }
0x10: {  	[smem:$0x3FA9] =	sst s8  }
0x11: {  	[smem:$0x3FAA] =	sst s9;
	s0 =	simm.s32 @!p0 $0x0  }
0x12: {  	s1 =	sld [smem:$0x3F90];
	s0 =	simm.s32 @p0 $0x1  }
0x13: {  	[smem:$0x3FAB] =	sst s0;
	s0 =	simm.s32 @!p1 $0x0  }
0x14: {  	s2 =	sld [smem:$0x3F8F];
	s0 =	simm.s32 @p1 $0x1  }
0x15: {  	[smem:$0x3FAC] =	sst s0;
	s0 =	simm.s32 @!p2 $0x0  }
0x16: {  	s3 =	sld [smem:$0x3FDB];
	s0 =	simm.s32 @p2 $0x1  }
0x17: {  	s4 =	simm.s32 $0x1BF5;
	[smem:$0x3FAE] =	sst s0  }
0x18: {  	s0 =	sld [smem:$0x3F91];
	_ =	swait.ge [sflag:s4], $0x0  }
0x19: {  	s7 =	sld [smem:$0x3F92]  }
0x1a: {  	s8 =	sadd.s32 $0xFFFFE003, lr  }
0x1b: {  	s9 =	sadd.s32 $0xFFFFFEF7, lr;
	s5 =	simm.s32 $0xFFFFFFFF;
	p2 =	slt.u32 s8, $0xFFFFF086  }
0x1c: {  	p1 =	slt.u32 s9, $0xF7A;
	s5 =	simm.s32 @!p2 $0x0  }
0x1d: {  	s5 =	simm.s32 @p1 $0x1;
	p0 =	seq.s32 s7, s2  }
0x1e: {  	s7 =	smul.u32 @!p0 $0xF7A, s2;
	p2 =	seq.s32 @!p0 s5, $0x0  }
0x1f: {  	s9 =	smul.u32 $0xF7A, s1;
	s8 =	simm.s32 @!p0 $0x1BF5;
	p2 =	por !p2, p0  }
0x20: {  	[sflag:s8] =	ssyncset.s32 @!p0 $0xFFFFF086;
	s6 =	sadd.s32 @!p0 s3, s7;
	s7 =	simm.s32 @!p0 $0x108  }
0x21: {  	s3 =	sadd.s32 s3, s9;
	s6 =	sadd.s32 @!p0 $0x88, s6;
	s7 =	simm.s32 @p2 $0x1082  }
0x22: {  	[simem:s7], [sflag:s8] =	dma.local @!p0 [hbm:s6], $0xF7A  }
0x23: {  	s9 =	sor.u32 $0xD0000000, s2;
	s6 =	simm.s32 $0x108;
	_ =	swait.ge @!p0 [sflag:s8], $0x0  }
0x24: {  	s3 =	sadd.s32 $0x88, s3;
	s6 =	simm.s32 @!p1 $0x1082;
	[sflag:s4] =	ssyncset.s32 $0xFFFFF086  }
0x25: {  	[simem:s6], [sflag:s4] =	dma.local [hbm:s3], $0xF7A  }
0x26: {  	[smem:$0x3F92] =	sst s1;
	(tag) =	ssettag s2;
	_ =	strace s9  }
0x27: {  	s1 =	sld [smem:$0x3FA2]  }
0x28: {  	s2 =	sld [smem:$0x3FA3]  }
0x29: {  	s4 =	sld [smem:$0x3FA5]  }
0x2a: {  	p0 =	seq.s32 s5, $0x0;
	s5 =	sld [smem:$0x3FA6]  }
0x2b: {  	s6 =	sld [smem:$0x3FA7]  }
0x2c: {  	s7 =	sld [smem:$0x3FA8]  }
0x2d: {  	s3 =	simm.s32 $0x108;
	s8 =	sld [smem:$0x3FA9]  }
0x2e: {  	s3 =	simm.s32 @!p0 $0x1082;
	s9 =	sld [smem:$0x3FAA]  }
0x2f: {  	lr =	sadd.s32 s0, s3;
	s0 =	sld [smem:$0x3FA1]  }
0x30: {  	s3 =	sld [smem:$0x3FA4]  }
0x31: {  	[smem:$0x3FAD] =	sst s10  }
0x32: {  	s10 =	sld [smem:$0x3FAB];
	_ =	sdelay $0x3  }
0x33: {  	p0 =	seq.s32 s10, $0x1;
	s10 =	sld [smem:$0x3FAD];
	_ =	sdelay $0x3  }
0x34: {  	[smem:$0x3FAD] =	sst s10  }
0x35: {  	s10 =	sld [smem:$0x3FAC];
	_ =	sdelay $0x3  }
0x36: {  	p1 =	seq.s32 s10, $0x1;
	s10 =	sld [smem:$0x3FAD];
	_ =	sdelay $0x3  }
0x37: {  	[smem:$0x3FAD] =	sst s10  }
0x38: {  	s10 =	sld [smem:$0x3FAE]  }
0x39: {  	_ = 	snop;
	(pc) =	sbr.ind lr, $3  }
0x3a: {  	_ = 	snop  }
0x3b: {  	_ = 	snop  }
0x3c: {  	p2 =	seq.s32 s10, $0x1;
	s10 =	sld [smem:$0x3FAD]  }
0x3d: {  	_ =	shalt  }
0x3e: {  	_ =	shalt  }
0x3f: {  	_ =	shalt  }
0x40: {  	_ =	shalt  }
0x41: {  	_ =	shalt  }
0x42: {  	_ =	shalt  }
0x43: {  	_ =	shalt  }
0x44: {  	_ =	shalt  }
0x45: {  	_ =	shalt  }
0x46: {  	_ =	shalt  }
0x47: {  	_ =	shalt  }
0x48: {  	_ =	shalt  }
0x49: {  	_ =	shalt  }
0x4a: {  	_ =	shalt  }
0x4b: {  	_ =	shalt  }
0x4c: {  	_ =	shalt  }
0x4d: {  	_ =	shalt  }
0x4e: {  	_ =	shalt  }
0x4f: {  	_ =	shalt  }
0x50: {  	_ =	shalt  }
0x51: {  	_ =	shalt  }
0x52: {  	_ =	shalt  }
0x53: {  	_ =	shalt  }
0x54: {  	_ =	shalt  }
0x55: {  	_ =	shalt  }
0x56: {  	_ =	shalt  }
0x57: {  	_ =	shalt  }
0x58: {  	_ =	shalt  }
0x59: {  	_ =	shalt  }
0x5a: {  	_ =	shalt  }
0x5b: {  	_ =	shalt  }
0x5c: {  	_ =	shalt  }
0x5d: {  	_ =	shalt  }
0x5e: {  	_ =	shalt  }
0x5f: {  	_ =	shalt  }
0x60: {  	_ =	shalt  }
0x61: {  	_ =	shalt  }
0x62: {  	_ =	shalt  }
0x63: {  	_ =	shalt  }
0x64: {  	_ =	shalt  }
0x65: {  	_ =	shalt  }
0x66: {  	_ =	shalt  }
0x67: {  	_ =	shalt  }
0x68: {  	_ =	shalt  }
0x69: {  	_ =	shalt  }
0x6a: {  	_ =	shalt  }
0x6b: {  	_ =	shalt  }
0x6c: {  	_ =	shalt  }
0x6d: {  	_ =	shalt  }
0x6e: {  	_ =	shalt  }
0x6f: {  	_ =	shalt  }
0x70: {  	_ =	shalt  }
0x71: {  	_ =	shalt  }
0x72: {  	_ =	shalt  }
0x73: {  	_ =	shalt  }
0x74: {  	_ =	shalt  }
0x75: {  	_ =	shalt  }
0x76: {  	_ =	shalt  }
0x77: {  	_ =	shalt  }
0x78: {  	_ =	shalt  }
0x79: {  	_ =	shalt  }
0x7a: {  	_ =	shalt  }
0x7b: {  	_ =	shalt  }
0x7c: {  	_ =	shalt  }
0x7d: {  	_ =	shalt  }
0x7e: {  	_ =	shalt  }
0x7f: {  	_ =	shalt  }
0x80: {  	_ =	shalt  }
0x81: {  	_ =	shalt  }
0x82: {  	_ =	shalt  }
0x83: {  	_ =	shalt  }
0x84: {  	_ =	shalt  }
0x85: {  	_ =	shalt  }
0x86: {  	_ =	shalt  }
0x87: {  	_ =	shalt  }
.Lfunc_end0:
.L_simem_size_0:
called_computation.2_lowered:
.L_overlay_start_0:
0x88: {  	s2 =	sld [smem:$0x3FD9]  }
0x89: {  	s3 =	sld [smem:$0x3FFE];
	_ =	sdelay $0x1  }
0x8a: {  	s1 =	srdreg.scid  }
0x8b: {  	s0 =	sand.u32 $0x1, s1  }
0x8c: {  	s16 =	sshll.u32 s0, $0xA;
	s2 =	sadd.s32 s3, s2  }
0x8d: {  	s2 =	sadd.s32 s2, s16  }
0x8e: {  	[smem:$0x3FB9] =	sst s2  }
0x8f: {  	_ = 	snop  }
0x90: {  	(tm) =	ssettm $0x1  }
0x91: {  	s17 =	sld [smem:$0x3FFB];
	_ =	sdelay $0x3  }
0x92: {  	_ =	strace s17  }
0x93: {  	s2 =	sld [smem:$0x3FFC];
	_ =	sdelay $0x3  }
0x94: {  	_ =	strace s2  }
0x95: {  	s2 =	sld [smem:$0x3FFD];
	_ =	sdelay $0x3  }
0x96: {  	_ =	strace s2  }
0x97: {  	_ =	strace $0x8FFFFFFF  }
0x98: {  	s18 =	sld [smem:$0x3FDB];
	_ =	sdelay $0x1  }
0x99: {  	s19 =	simm.s32 $_scs_section_size  }
0x9a: {  	s4 =	simm.s32 $_size__tile_overlayer_lowered;
	s5 =	simm.s32 $_tile_overlayer_lowered  }
0x9b: {  	s22 =	simm.s32 $0x1BFF;
	s21 =	sshll.u32 s5, $0x1;
	s2 =	sadd.s32 s19, s18  }
0x9c: {  	s6 =	simm.s32 $0x0;
	s20 =	sshll.u32 s4, $0x1;
	s4 =	sadd.s32 s21, s2  }
0x9d: {  	[timem:s6], [sflag:s22] =	dma.local [hbm:s4], s20  }
0x9e: {  	_ =	swait.ge [sflag:s22], s20  }
0x9f: {  	s3 =	ssub.s32 $0x0, s20;
	[sflag:s22] =	ssyncset.done $0x0  }
0xa0: {  	[sflag:s22] =	ssyncadd.s32 s3;
	_ =	sdelay $0x1  }
0xa1: {  	s23 =	simm.s32 $0x1B8B  }
0xa2: {  	_ =	swait.ge [sflag:s23], $0x1  }
0xa3: {  	[sflag:s23] =	ssyncset.done $0x0  }
0xa4: {  	s25 =	simm.s32 $0x1B8E;
	s24 =	sld [smem:$0x3FFE];
	[sflag:s23] =	ssyncadd.s32 $0xFFFFFFFF  }
0xa5: {  	s26 =	simm.s32 $execute0_lowered;
	[smem:$0x3FD2] =	sst s25  }
0xa6: {  	s4 =	sshll.u32 s26, $0x1;
	_ =	strace $0x8000004C;
	[dreg:$0x1] =	wrdreg $0xFFFFFFFF  }
0xa7: {  	s28 =	simm.s32 $_size_execute0_lowered;
	s2 =	sadd.s32 s2, s4;
	[dreg:$0x0] =	wrdreg $0x0  }
0xa8: {  	s4 =	sshll.u32 s28, $0x1;
	[dreg:$0x2] =	wrdreg s2  }
0xa9: {  	[dreg:$0x3] =	wrdreg s4  }
0xaa: {  	[dreg:$0x4] =	wrdreg $0xC0  }
0xab: {  	_ =	task [dreg:s6], $0x5FFFF  }
0xac: {  	[dreg:$0x1] =	wrdreg $0xFFFFFFFF  }
0xad: {  	[dreg:$0x0] =	wrdreg $0x60  }
0xae: {  	[dreg:$0x2] =	wrdreg s24  }
0xaf: {  	[dreg:$0x3] =	wrdreg $0xC4000  }
0xb0: {  	[dreg:$0x4] =	wrdreg $0x9  }
0xb1: {  	_ =	task.clear_ibuf [dreg:s6], $0x5FFFF;
	_ =	strace $0x9000004C  }
0xb2: {  	s29 =	simm.s32 $0x9;
	_ =	strace $0x8000004E  }
0xb3: {  	_ =	swait.ge [sflag:s29], $0x1  }
0xb4: {  	[sflag:s29] =	ssyncadd.s32 $0xFFFFFFFF  }
0xb5: {  	_ =	strace $0x9000004E  }
0xb6: {  	_ =	sfence  }
0xb7: {  	s30 =	sld [smem:$0x0];
	_ =	sdelay $0x2  }
0xb8: {  	s31 =	sshll.u32 s1, $0xD;
	s1 =	sshrl.u32 s1, $0x2  }
0xb9: {  	s3 =	sand.u32 $0x4000, s31;
	s1 =	sadd.s32 s1, s30  }
0xba: {  	s0 =	sor.u32 s3, s0;
	s1 =	sshll.u32 s1, $0x11  }
0xbb: {  	s0 =	sor.u32 s1, s0  }
0xbc: {  	s0 =	sadd.s32 $0x8F2B, s0  }
0xbd: {  	[sflag:s0] =	ssyncadd.remote.s32 $0x1  }
0xbe: {  	_ =	sfence.sel $0xFFFF  }
0xbf: {  	[dreg:$0x0] =	wrdreg $0xFFFFFFFF;
	(pc) =	sbr.abs _section_cstart, $3  }
0xc0: {  	[dreg:$0x1] =	wrdreg $0xFFFFFFFF  }
0xc1: {  	_ =	task.clear_ibuf [dreg:s6], $0x2FFFF;
	_ =	strace $0x9FFFFFFF  }
0xc2: {  	(tm) =	ssettm $0x7FFFFFFF  }
0xc3: {  	_ =	shalt  }
tec
execute0_lowered:
.L_overlay_start_1:
0x0: {  	(tag) =	ssettag $0x1  }
0x1: {  	s0 =	rddreg [dreg:$0x0]  }
0x2: {  	s1 =	rddreg [dreg:$0x1]  }
0x3: {  	s2 =	simm.s32 $0x0;
	s3 =	srdreg.scid;
	s4 =	stileid.u32  }
0x4: {  	s28 =	simm.s32 $0x4300;
	s29 =	simm.s32 $0x4;
	s30 =	simm.s32 $0x200  }
0x5: {  	s31 =	simm.s32 $0x3;
	[smem:$0x7FF] =	sst s2;
	s5 =	sand.u32 $0x1, s3  }
0x6: {  	s20 =	sshll.u32 s4, $0x1;
	s6 =	smul.u32 $0x13800, s4;
	s3 =	sadd.s32 $0x2D800, s0  }
0x7: {  	s10 =	sadd.s32 $0x1A000, s0;
	s22 =	sadd.s32 $0x7BC00, s0;
	s15 =	sadd.s32 $0x1A020, s0  }
0x8: {  	s16 =	smul.u32 $0x4E000, s4;
	s24 =	sshll.u32 s4, $0x6;
	s25 =	sadd.s32 $0x138000, s1  }
0x9: {  	p0 =	sne.s32 s4, $0x0;
	_ =	strace $0x8000004D;
	s7 =	sor.u32 s5, s20  }
0xa: {  	s12 =	ssub.s32 $0x2, s5;
	[dreg:$0x7] =	wrdreg s25;
	s26 =	smul.u32 $0x138800, s5  }
0xb: {  	s5 =	smul.u32 $0x4E, s5;
	s8 =	sshll.u32 s7, $0x5;
	s9 =	sshrl.u32 s6, $0x3  }
0xc: {  	s13 =	smul.u32 $0x9C0, s7;
	s14 =	sshrl.u32 s12, $0x1;
	s23 =	sshrl.u32 s16, $0x2  }
0xd: {  	s7 =	smul.u32 $0x4E00, s7;
	s11 =	sadd.s32 s8, s0;
	s21 =	sadd.s32 s9, s0  }
0xe: {  	s12 =	ssub.s32 s12, s14;
	s0 =	sadd.s32 $0x7BA00, s0;
	s14 =	smul.u32 $0x9C, s4  }
0xf: {  	s16 =	sadd.s32 s6, s26;
	s19 =	sshrl.u32 s26, $0x3;
	s6 =	simm.s32 $0x180  }
0x10: {  	s17 =	sadd.s32 s10, s13;
	s13 =	sadd.s32 s13, s15;
	[dreg:$0x8] =	wrdreg s0  }
0x11: {  	s9 =	simm.s32 $0x6;
	s8 =	sadd.s32 $0x54A00, s21;
	[dreg:$0x4] =	wrdreg s13  }
0x12: {  	s7 =	sshrl.u32 s7, $0x3;
	s18 =	sadd.s32 $0x6400, s11;
	[dreg:$0x6] =	wrdreg s8  }
0x13: {  	s20 =	sadd.s32 s22, s19;
	s21 =	smax.u32 s12, $0x1;
	[dreg:$0xa] =	wrdreg s18  }
0x14: {  	s11 =	simm.s32 $0x8;
	s12 =	simm.s32 $0x9;
	[dreg:$0xd] =	wrdreg s21  }
0x15: {  	s13 =	sadd.s32 s23, s1;
	s8 =	sor.u32 $0x1C0A, s24;
	[dreg:$0x3] =	wrdreg s17  }
0x16: {  	s7 =	sadd.s32 s10, s7;
	s23 =	sadd.s32 $0x40, s17;
	[dreg:$0x5] =	wrdreg s13  }
0x17: {  	s5 =	sadd.s32 s5, s14;
	s24 =	sadd.s32 $0x60, s17;
	[dreg:$0xe] =	wrdreg s23  }
0x18: {  	s26 =	sadd.s32 $0x80, s17;
	s21 =	simm.s32 $0x100;
	[dreg:$0xf] =	wrdreg s24  }
0x19: {  	s14 =	simm.s32 $0x10;
	s0 =	sadd.s32 $0x9A0, s7;
	[dreg:$0x10] =	wrdreg s26  }
0x1a: {  	s23 =	simm.s32 $0x1;
	s24 =	simm.s32 $0x80;
	s26 =	simm.s32 $0x2  }
0x1b: {  	s7 =	simm.s32 $0x7;
	[dreg:$0x9] =	wrdreg s0;
	s0 =	sshrl.u32 s16, $0x3  }
0x1c: {  	s0 =	sadd.s32 s22, s0;
	s22 =	sshll.u32 s5, $0x5;
	s5 =	simm.s32 $0x5  }
0x1d: {  	[dreg:$0xb] =	wrdreg s0;
	s0 =	sadd.s32 $0x27000, s20;
	s25 =	sadd.s32 s10, s22  }
0x1e: {  	s10 =	simm.s32 $0x280;
	[dreg:$0xc] =	wrdreg s0;
	s19 =	sadd.s32 $0xC0, s25  }
0x1f: {  	s0 =	sadd.s32 s15, s22;
	s22 =	simm.s32 $0xA;
	s25 =	simm.s32 $0x300  }
0x20: {  	s15 =	simm.s32 $0x0;
	s20 =	sadd.s32 $0x80, s0;
	s0 =	simm.s32 $0x8300  }
.LBB2_1:
0x21: {  	s4 =	rddreg [dreg:$0x3]  }
0x22: {  	s17 =	rddreg [dreg:$0x4]  }
0x23: {  	s18 =	rddreg [dreg:$0x5]  }
0x24: {  	[tilespmem:s2], [sflag:$0x1] =	stream.linear.gather [hbm4b:s4+s2], $0x100, $0x38;
	[tilespmem:$0x1FC80] =	vst v63  }
0x25: {  	s13 =	rddreg [dreg:$0x6];
	s16 =	sshrl.u32 s18, $0x3  }
0x26: {  	[tilespmem:s21], [sflag:$0x2] =	stream.linear.gather [hbm4b:s17+s2], $0x100, $0x38;
	[tilespmem:$0x1FC80] =	vst v63  }
0x27: {  	[spmem:s16], [sflag:s8] =	dma.local [hbm:s13], $0x2700  }
0x28: {  	_ =	swait.ge [sflag:s22], $0x2700  }
0x29: {  	s17 =	simm.s32 @!p0 $0xA;
	[sflag:s22] =	ssyncset.done $0x0;
	s4 =	rddreg [dreg:$0x7]  }
0x2a: {  	s13 =	rddreg [dreg:$0x8];
	[sflag:s22] =	ssyncadd.s32 $0xFFFFD900;
	s4 =	sshrl.u32 @!p0 s4, $0x3  }
0x2b: {  	[spmem:s4], [sflag:s8] =	dma.local @!p0 [hbm:s13], $0x100  }
0x2c: {  	_ =	swait.ge @!p0 [sflag:s17], $0x100  }
0x2d: {  	[sflag:s17] =	ssyncset.done @!p0 $0x0  }
0x2e: {  	[sflag:s17] =	ssyncadd.s32 @!p0 $0xFFFFFF00  }
0x2f: {  	[bflag:$0x0] =	sbarrier.arrive $0xFFFF  }
0x30: {  	_ =	swait.ge [sflag:s23], $0x100  }
0x31: {  	[sflag:s23] =	ssyncset.done $0x0  }
0x32: {  	[sflag:s23] =	ssyncadd.s32 $0xFFFFFF00  }
0x33: {  	[tilespmem:s25], [sflag:$0x4] =	stream.indirect.gather [hbm4b:s3+s24], $0x80, s2, s24, $0xb8;
	[tilespmem:$0x1FC80] =	vst v63  }
0x34: {  	_ =	swait.ge [sflag:s26], $0x100  }
0x35: {  	[sflag:s26] =	ssyncset.done $0x0  }
0x36: {  	[sflag:s26] =	ssyncadd.s32 $0xFFFFFF00  }
0x37: {  	[tilespmem:s28], [sflag:$0x5] =	stream.indirect.gather [hbm4b:s3+s24], $0x80, s21, s24, $0xb8;
	[tilespmem:$0x1FC80] =	vst v63  }
0x38: {  	_ =	swait.ge [sflag:s29], $0x4000  }
0x39: {  	[sflag:s29] =	ssyncset.done $0x0  }
0x3a: {  	[sflag:s29] =	ssyncadd.s32 $0xFFFFC000  }
0x3b: {  	[spmem:s1] =	stream.indirect.scatter.add.f32 [tilespmem:s25], [sflag:$0x7], $0x80, s24, s24, $0xb8;
	[tilespmem:$0x1FC80] =	vst v63  }
0x3c: {  	s17 =	rddreg [dreg:$0xe]  }
0x3d: {  	[tilespmem:s30], [sflag:$0x3] =	stream.linear.gather [hbm4b:s17+s2], $0x100, $0x38;
	[tilespmem:$0x1FC80] =	vst v63  }
0x3e: {  	_ =	swait.ge [sflag:s31], $0x100  }
0x3f: {  	[sflag:s31] =	ssyncset.done $0x0  }
0x40: {  	[sflag:s31] =	ssyncadd.s32 $0xFFFFFF00  }
0x41: {  	[tilespmem:s0], [sflag:$0x6] =	stream.indirect.gather [hbm4b:s3+s24], $0x80, s30, s24, $0xb8;
	[tilespmem:$0x1FC80] =	vst v63  }
0x42: {  	_ =	swait.ge [sflag:s5], $0x4000  }
0x43: {  	[sflag:s5] =	ssyncset.done $0x0  }
0x44: {  	[sflag:s5] =	ssyncadd.s32 $0xFFFFC000  }
0x45: {  	[spmem:s1] =	stream.indirect.scatter.add.f32 [tilespmem:s28], [sflag:$0x8], $0x80, s6, s24, $0xb8;
	[tilespmem:$0x1FC80] =	vst v63  }
0x46: {  	_ =	swait.ge [sflag:s7], $0x4000  }
0x47: {  	[sflag:s7] =	ssyncset.done $0x0  }
0x48: {  	s18 =	rddreg [dreg:$0xf];
	[sflag:s7] =	ssyncadd.s32 $0xFFFFC000  }
0x49: {  	[tilespmem:s2], [sflag:$0x1] =	stream.linear.gather [hbm4b:s18+s2], $0x100, $0x38;
	[tilespmem:$0x1FC80] =	vst v63  }
0x4a: {  	_ =	swait.ge [sflag:s23], $0x100  }
0x4b: {  	[sflag:s23] =	ssyncset.done $0x0  }
0x4c: {  	[sflag:s23] =	ssyncadd.s32 $0xFFFFFF00  }
0x4d: {  	[tilespmem:s25], [sflag:$0x4] =	stream.indirect.gather [hbm4b:s3+s24], $0x80, s2, s24, $0xb8;
	[tilespmem:$0x1FC80] =	vst v63  }
0x4e: {  	_ =	swait.ge [sflag:s9], $0x4000  }
0x4f: {  	[sflag:s9] =	ssyncset.done $0x0  }
0x50: {  	[sflag:s9] =	ssyncadd.s32 $0xFFFFC000  }
0x51: {  	[spmem:s1] =	stream.indirect.scatter.add.f32 [tilespmem:s0], [sflag:$0x9], $0x80, s10, s24, $0xb8;
	[tilespmem:$0x1FC80] =	vst v63  }
0x52: {  	_ =	swait.ge [sflag:s11], $0x4000  }
0x53: {  	[sflag:s11] =	ssyncset.done $0x0  }
0x54: {  	s17 =	rddreg [dreg:$0x10];
	[sflag:s11] =	ssyncadd.s32 $0xFFFFC000  }
0x55: {  	[tilespmem:s21], [sflag:$0x2] =	stream.linear.gather [hbm4b:s17+s2], $0x100, $0x38;
	[tilespmem:$0x1FC80] =	vst v63  }
0x56: {  	_ =	swait.ge [sflag:s26], $0x100  }
0x57: {  	[sflag:s26] =	ssyncset.done $0x0  }
0x58: {  	[sflag:s26] =	ssyncadd.s32 $0xFFFFFF00  }
0x59: {  	[tilespmem:s28], [sflag:$0x5] =	stream.indirect.gather [hbm4b:s3+s24], $0x80, s21, s24, $0xb8;
	[tilespmem:$0x1FC80] =	vst v63  }
0x5a: {  	_ =	swait.ge [sflag:s29], $0x4000  }
0x5b: {  	[sflag:s29] =	ssyncset.done $0x0  }
0x5c: {  	[sflag:s29] =	ssyncadd.s32 $0xFFFFC000  }
0x5d: {  	[spmem:s1] =	stream.indirect.scatter.add.f32 [tilespmem:s25], [sflag:$0x7], $0x80, s24, s24, $0xb8;
	[tilespmem:$0x1FC80] =	vst v63  }
0x5e: {  	_ =	swait.ge [sflag:s12], $0x4000  }
0x5f: {  	[sflag:s12] =	ssyncset.done $0x0  }
0x60: {  	s18 =	sadd.s32 $0x0, s20;
	[sflag:s12] =	ssyncadd.s32 $0xFFFFC000  }
0x61: {  	[tilespmem:s30], [sflag:$0x3] =	stream.linear.gather [hbm4b:s18+s2], $0x100, $0x38;
	[tilespmem:$0x1FC80] =	vst v63  }
0x62: {  	_ =	swait.ge [sflag:s31], $0x100  }
0x63: {  	[sflag:s31] =	ssyncset.done $0x0  }
0x64: {  	[sflag:s31] =	ssyncadd.s32 $0xFFFFFF00  }
0x65: {  	[tilespmem:s0], [sflag:$0x6] =	stream.indirect.gather [hbm4b:s3+s24], $0x80, s30, s24, $0xb8;
	[tilespmem:$0x1FC80] =	vst v63  }
0x66: {  	_ =	swait.ge [sflag:s5], $0x4000  }
0x67: {  	[sflag:s5] =	ssyncset.done $0x0  }
0x68: {  	[sflag:s5] =	ssyncadd.s32 $0xFFFFC000  }
0x69: {  	[spmem:s1] =	stream.indirect.scatter.add.f32 [tilespmem:s28], [sflag:$0x8], $0x80, s6, s24, $0xb8;
	[tilespmem:$0x1FC80] =	vst v63  }
0x6a: {  	_ =	swait.ge [sflag:s7], $0x4000  }
0x6b: {  	[sflag:s7] =	ssyncset.done $0x0  }
0x6c: {  	s18 =	sadd.s32 $0x0, s19;
	[sflag:s7] =	ssyncadd.s32 $0xFFFFC000  }
0x6d: {  	[tilespmem:s2], [sflag:$0x1] =	stream.linear.gather [hbm4b:s18+s2], $0x100, $0x38;
	[tilespmem:$0x1FC80] =	vst v63  }
0x6e: {  	_ =	swait.ge [sflag:s23], $0x100  }
0x6f: {  	[sflag:s23] =	ssyncset.done $0x0  }
0x70: {  	[sflag:s23] =	ssyncadd.s32 $0xFFFFFF00  }
0x71: {  	[tilespmem:s25], [sflag:$0x4] =	stream.indirect.gather [hbm4b:s3+s24], $0x80, s2, s24, $0xb8;
	[tilespmem:$0x1FC80] =	vst v63  }
0x72: {  	_ =	swait.ge [sflag:s9], $0x4000  }
0x73: {  	[sflag:s9] =	ssyncset.done $0x0  }
0x74: {  	[sflag:s9] =	ssyncadd.s32 $0xFFFFC000  }
0x75: {  	[spmem:s1] =	stream.indirect.scatter.add.f32 [tilespmem:s0], [sflag:$0x9], $0x80, s10, s24, $0xb8;
	[tilespmem:$0x1FC80] =	vst v63  }
0x76: {  	_ =	swait.ge [sflag:s11], $0x4000  }
0x77: {  	[sflag:s11] =	ssyncset.done $0x0  }
0x78: {  	s17 =	simm.s32 $0x60;
	s18 =	sadd.s32 $0x20, s18;
	[sflag:s11] =	ssyncadd.s32 $0xFFFFC000  }
.LBB2_2:
0x79: {  	[tilespmem:s21], [sflag:$0x2] =	stream.linear.gather [hbm4b:s18+s2], $0x100, $0x38;
	[tilespmem:$0x1FC80] =	vst v63  }
0x7a: {  	s18 =	smov.u32 s17  }
0x7b: {  	p1 =	sne.s32 s17, $0x8A0;
	s17 =	sadd.s32 $0x60, s17;
	_ =	swait.ge [sflag:s26], $0x100  }
0x7c: {  	[sflag:s26] =	ssyncset.done $0x0  }
0x7d: {  	[sflag:s26] =	ssyncadd.s32 $0xFFFFFF00  }
0x7e: {  	[tilespmem:s28], [sflag:$0x5] =	stream.indirect.gather [hbm4b:s3+s24], $0x80, s21, s24, $0xb8;
	[tilespmem:$0x1FC80] =	vst v63  }
0x7f: {  	_ =	swait.ge [sflag:s29], $0x4000  }
0x80: {  	[sflag:s29] =	ssyncset.done $0x0  }
0x81: {  	[sflag:s29] =	ssyncadd.s32 $0xFFFFC000  }
0x82: {  	[spmem:s1] =	stream.indirect.scatter.add.f32 [tilespmem:s25], [sflag:$0x7], $0x80, s24, s24, $0xb8;
	[tilespmem:$0x1FC80] =	vst v63  }
0x83: {  	_ =	swait.ge [sflag:s12], $0x4000  }
0x84: {  	[sflag:s12] =	ssyncset.done $0x0  }
0x85: {  	s13 =	sadd.s32 s18, s20;
	[sflag:s12] =	ssyncadd.s32 $0xFFFFC000  }
0x86: {  	[tilespmem:s30], [sflag:$0x3] =	stream.linear.gather [hbm4b:s13+s2], $0x100, $0x38;
	[tilespmem:$0x1FC80] =	vst v63  }
0x87: {  	_ =	swait.ge [sflag:s31], $0x100  }
0x88: {  	[sflag:s31] =	ssyncset.done $0x0  }
0x89: {  	[sflag:s31] =	ssyncadd.s32 $0xFFFFFF00  }
0x8a: {  	[tilespmem:s0], [sflag:$0x6] =	stream.indirect.gather [hbm4b:s3+s24], $0x80, s30, s24, $0xb8;
	[tilespmem:$0x1FC80] =	vst v63  }
0x8b: {  	_ =	swait.ge [sflag:s5], $0x4000  }
0x8c: {  	[sflag:s5] =	ssyncset.done $0x0  }
0x8d: {  	[sflag:s5] =	ssyncadd.s32 $0xFFFFC000  }
0x8e: {  	[spmem:s1] =	stream.indirect.scatter.add.f32 [tilespmem:s28], [sflag:$0x8], $0x80, s6, s24, $0xb8;
	[tilespmem:$0x1FC80] =	vst v63  }
0x8f: {  	_ =	swait.ge [sflag:s7], $0x4000  }
0x90: {  	[sflag:s7] =	ssyncset.done $0x0  }
0x91: {  	s13 =	sadd.s32 s18, s19;
	[sflag:s7] =	ssyncadd.s32 $0xFFFFC000  }
0x92: {  	[tilespmem:s2], [sflag:$0x1] =	stream.linear.gather [hbm4b:s13+s2], $0x100, $0x38;
	[tilespmem:$0x1FC80] =	vst v63  }
0x93: {  	_ =	swait.ge [sflag:s23], $0x100  }
0x94: {  	[sflag:s23] =	ssyncset.done $0x0  }
0x95: {  	[sflag:s23] =	ssyncadd.s32 $0xFFFFFF00  }
0x96: {  	[tilespmem:s25], [sflag:$0x4] =	stream.indirect.gather [hbm4b:s3+s24], $0x80, s2, s24, $0xb8;
	[tilespmem:$0x1FC80] =	vst v63  }
0x97: {  	_ =	swait.ge [sflag:s9], $0x4000  }
0x98: {  	[sflag:s9] =	ssyncset.done $0x0  }
.Ltmp0:
0x99: {  	[sflag:s9] =	ssyncadd.s32 $0xFFFFC000;
	(pc) =	sbr.rel @p1 .LBB2_2-.Ltmp0, $4  }
0x9a: {  	[spmem:s1] =	stream.indirect.scatter.add.f32 [tilespmem:s0], [sflag:$0x9], $0x80, s10, s24, $0xb8;
	[tilespmem:$0x1FC80] =	vst v63  }
0x9b: {  	_ =	swait.ge [sflag:s11], $0x4000  }
0x9c: {  	[sflag:s11] =	ssyncset.done $0x0  }
0x9d: {  	s18 =	sadd.s32 $0x20, s13;
	[sflag:s11] =	ssyncadd.s32 $0xFFFFC000  }
0x9e: {  	[tilespmem:s21], [sflag:$0x2] =	stream.linear.gather [hbm4b:s18+s2], $0x100, $0x38;
	[tilespmem:$0x1FC80] =	vst v63  }
0x9f: {  	_ =	swait.ge [sflag:s26], $0x100  }
0xa0: {  	[sflag:s26] =	ssyncset.done $0x0  }
0xa1: {  	[sflag:s26] =	ssyncadd.s32 $0xFFFFFF00  }
0xa2: {  	[tilespmem:s28], [sflag:$0x5] =	stream.indirect.gather [hbm4b:s3+s24], $0x80, s21, s24, $0xb8;
	[tilespmem:$0x1FC80] =	vst v63  }
0xa3: {  	_ =	swait.ge [sflag:s29], $0x4000  }
0xa4: {  	[sflag:s29] =	ssyncset.done $0x0  }
0xa5: {  	[sflag:s29] =	ssyncadd.s32 $0xFFFFC000  }
0xa6: {  	[spmem:s1] =	stream.indirect.scatter.add.f32 [tilespmem:s25], [sflag:$0x7], $0x80, s24, s24, $0xb8;
	[tilespmem:$0x1FC80] =	vst v63  }
0xa7: {  	_ =	swait.ge [sflag:s12], $0x4000  }
0xa8: {  	[sflag:s12] =	ssyncset.done $0x0  }
0xa9: {  	s13 =	rddreg [dreg:$0x9];
	[sflag:s12] =	ssyncadd.s32 $0xFFFFC000  }
0xaa: {  	[tilespmem:s30], [sflag:$0x3] =	stream.linear.gather [hbm4b:s13+s2], $0x100, $0x38;
	[tilespmem:$0x1FC80] =	vst v63  }
0xab: {  	_ =	swait.ge [sflag:s31], $0x100  }
0xac: {  	[sflag:s31] =	ssyncset.done $0x0  }
0xad: {  	[sflag:s31] =	ssyncadd.s32 $0xFFFFFF00  }
0xae: {  	[tilespmem:s0], [sflag:$0x6] =	stream.indirect.gather [hbm4b:s3+s24], $0x80, s30, s24, $0xb8;
	[tilespmem:$0x1FC80] =	vst v63  }
0xaf: {  	_ =	swait.ge [sflag:s5], $0x4000  }
0xb0: {  	[sflag:s5] =	ssyncset.done $0x0  }
0xb1: {  	[sflag:s5] =	ssyncadd.s32 $0xFFFFC000  }
0xb2: {  	[spmem:s1] =	stream.indirect.scatter.add.f32 [tilespmem:s28], [sflag:$0x8], $0x80, s6, s24, $0xb8;
	[tilespmem:$0x1FC80] =	vst v63  }
0xb3: {  	_ =	swait.ge [sflag:s9], $0x4000  }
0xb4: {  	[sflag:s9] =	ssyncset.done $0x0  }
0xb5: {  	[sflag:s9] =	ssyncadd.s32 $0xFFFFC000  }
0xb6: {  	[spmem:s1] =	stream.indirect.scatter.add.f32 [tilespmem:s0], [sflag:$0x9], $0x80, s10, s24, $0xb8;
	[tilespmem:$0x1FC80] =	vst v63  }
0xb7: {  	_ =	swait.ge [sflag:s7], $0x4000  }
0xb8: {  	[sflag:s7] =	ssyncset.done $0x0  }
0xb9: {  	[sflag:s7] =	ssyncadd.s32 $0xFFFFC000  }
0xba: {  	_ =	swait.ge [sflag:s11], $0x4000  }
0xbb: {  	[sflag:s11] =	ssyncset.done $0x0  }
0xbc: {  	[sflag:s11] =	ssyncadd.s32 $0xFFFFC000  }
0xbd: {  	_ =	swait.ge [sflag:s12], $0x4000  }
0xbe: {  	[sflag:s12] =	ssyncset.done $0x0  }
0xbf: {  	s17 =	simm.s32 $0xC300;
	s18 =	rddreg [dreg:$0xa];
	[sflag:s12] =	ssyncadd.s32 $0xFFFFC000  }
0xc0: {  	[tilespmem:s17], [sflag:$0x1] =	stream.linear.gather [hbm4b:s18+s2], $0x100, $0x38;
	[tilespmem:$0x1FC80] =	vst v63  }
0xc1: {  	_ =	swait.ge [sflag:s23], $0x100  }
0xc2: {  	[sflag:s23] =	ssyncset.done $0x0  }
0xc3: {  	[sflag:s23] =	ssyncadd.s32 $0xFFFFFF00  }
0xc4: {  	[tilespmem:s25], [sflag:$0x4] =	stream.indirect.gather [hbm4b:s3+s14], $0x80, s17, s14, $0xb8;
	[tilespmem:$0x1FC80] =	vst v63  }
0xc5: {  	_ =	swait.ge [sflag:s29], $0x800  }
0xc6: {  	[sflag:s29] =	ssyncset.done $0x0  }
0xc7: {  	s18 =	simm.s32 $0xC380;
	[sflag:s29] =	ssyncadd.s32 $0xFFFFF800  }
0xc8: {  	[spmem:s1] =	stream.indirect.scatter.add.f32 [tilespmem:s25], [sflag:$0xA], $0x80, s18, s14, $0xb8;
	[tilespmem:$0x1FC80] =	vst v63  }
0xc9: {  	_ =	swait.ge [sflag:s22], $0x800  }
0xca: {  	[sflag:s22] =	ssyncset.done $0x0  }
0xcb: {  	[sflag:s22] =	ssyncadd.s32 $0xFFFFF800  }
0xcc: {  	[bflag:$0x0] =	sbarrier.arrive $0xFFFF  }
0xcd: {  	s17 =	rddreg [dreg:$0xb]  }
0xce: {  	[hbm:s17], [sflag:s8] =	dma.local [spmem:s16], $0x2700  }
0xcf: {  	_ =	swait.ge [sflag:s22], $0x2700  }
0xd0: {  	[sflag:s22] =	ssyncset.done $0x0  }
0xd1: {  	s13 =	rddreg [dreg:$0xc];
	[sflag:s22] =	ssyncadd.s32 $0xFFFFD900  }
0xd2: {  	[hbm:s13], [sflag:s8] =	dma.local @!p0 [spmem:s4], $0x100  }
0xd3: {  	s4 =	simm.s32 @!p0 $0xA  }
0xd4: {  	_ =	swait.ge @!p0 [sflag:s4], $0x100  }
0xd5: {  	s15 =	sadd.s32 $0x1, s15;
	s18 =	rddreg [dreg:$0xd]  }
0xd6: {  	p1 =	sne.s32 s15, s18  }
.Ltmp1:
0xd7: {  	_ = 	snop;
	(pc) =	sbr.rel @p1 .LBB2_1-.Ltmp1, $3  }
0xd8: {  	_ =	sdelay $0x1  }
0xd9: {  	[sflag:s4] =	ssyncset.done @!p0 $0x0  }
0xda: {  	[sflag:s4] =	ssyncadd.s32 @!p0 $0xFFFFFF00  }
0xdb: {  	_ =	sfence.sel $0x180000  }
0xdc: {  	[bflag:$0x0] =	sbarrier.arrive $0xFFFF  }
0xdd: {  	_ =	strace $0x9000004D  }
0xde: {  	[bflag:$0x2] =	sbarrier.arrive $0xFFFF  }
0xdf: {  	s0 =	rddreg [dreg:$0x2]  }
0xe0: {  	s0 =	sadd.s32 @!p0 $0x100000, s0  }
0xe1: {  	[sflag:s0] =	ssyncadd.tile.s32 @!p0 $0x1;
	_ =	shalt  }
.Lfunc_end2:
_tile_overlayer_lowered:
.L_overlay_start_2:
0xe2: {  	(tag) =	ssettag $0x2  }
0xe3: {  	s0 =	rddreg [dreg:$0x0];
	s2 =	stileid.u32  }
0xe4: {  	s1 =	rddreg [dreg:$0x1];
	p0 =	sne.s32 s2, $0x0  }
0xe5: {  	s3 =	rddreg [dreg:$0x2];
	[bflag:$0x3] =	sbarrier.arrive $0xFFFF;
	s2 =	simm.s32 @!p0 $0x1C0A  }
0xe6: {  	[timem:s3], [sflag:s2] =	dma.local @!p0 [hbm:s0], s1  }
0xe7: {  	s0 =	simm.s32 @!p0 $0xA  }
0xe8: {  	_ =	swait.ge @!p0 [sflag:s0], s1  }
0xe9: {  	s1 =	ssub.s32 @!p0 $0x0, s1;
	[sflag:s0] =	ssyncset.done @!p0 $0x0  }
0xea: {  	[sflag:s0] =	ssyncadd.s32 @!p0 s1  }
0xeb: {  	[bflag:$0x3] =	sbarrier.arrive $0xFFFF  }
0xec: {  	_ =	shalt  }

</sc_bundles>
